<compile_context>
chip_gen: v7x
topology: tpu7x:2x2x1
jax: 0.10.2.dev20260603
libtpu: 0.0.44.dev20260713+nightly
codegen_flags: <defaults>
</compile_context>

<pallas_src>
import functools

import jax
import jax.numpy as jnp
from jax import lax
from jax.experimental import pallas as pl
from jax.experimental.pallas import tpu as pltpu
from jax.experimental.pallas import tpu_sc as plsc

NC = 2
NS = 16
L = 16
NW = NC * NS


def _make_sc_kernel(B, V, scales):
  ROWS = B * V
  assert ROWS % NW == 0
  rpw = ROWS // NW
  assert rpw % L == 0
  n_chunks = rpw // L
  C_TOT = sum(c for (_, _, c, _) in scales)

  mesh = plsc.VectorSubcoreMesh(
      core_axis_name="c", subcore_axis_name="s",
      num_cores=NC, num_subcores=NS)

  scratch = [
      pltpu.VMEM((2 * rpw,), jnp.float32),
      [pltpu.VMEM((4 * L,), jnp.int32) for _ in scales],
      [pltpu.VMEM((4 * L, c), jnp.float32) for (_, _, c, _) in scales],
      [pltpu.VMEM((L, C_TOT), jnp.float32) for _ in range(2)],
      [pltpu.SemaphoreType.DMA for _ in scales],
      [pltpu.SemaphoreType.DMA for _ in range(2)],
  ]

  @functools.partial(
      pl.kernel,
      mesh=mesh,
      out_type=jax.ShapeDtypeStruct((ROWS, C_TOT), jnp.float32),
      scratch_types=scratch,
  )
  def k(cxy_hbm, t0_hbm, t1_hbm, t2_hbm, out_hbm,
        cxy_v, idx_vs, gbufs, obufs, gsems, osems):
    tables = (t0_hbm, t1_hbm, t2_hbm)
    wid = lax.axis_index("s") * NC + lax.axis_index("c")
    base = wid * rpw
    batch = base // V

    pltpu.sync_copy(cxy_hbm.at[pl.ds(wid * 2 * rpw, 2 * rpw)], cxy_v)

    def corner_geom(ch, s):
      H, W, C, inv = scales[s]
      x = cxy_v[pl.ds(ch * L, L)] * inv
      y = cxy_v[pl.ds(rpw + ch * L, L)] * inv
      x1i = x.astype(jnp.int32)
      y1i = y.astype(jnp.int32)
      x1f = x1i.astype(jnp.float32)
      y1f = y1i.astype(jnp.float32)
      one = jnp.full((L,), 1, jnp.int32)
      zero = jnp.full((L,), 0, jnp.int32)
      x2i = x1i + jnp.where(x > x1f, one, zero)
      y2i = y1i + jnp.where(y > y1f, one, zero)
      return x, y, x1i, y1i, x1f, y1f, x2i, y2i

    def fire(ch, s):
      H, W, C, inv = scales[s]
      _, _, x1i, y1i, _, _, x2i, y2i = corner_geom(ch, s)
      idx_v = idx_vs[s]
      r1 = y1i * W + batch * (H * W)
      r2 = y2i * W + batch * (H * W)
      idx_v[pl.ds(0 * L, L)] = r1 + x1i
      idx_v[pl.ds(1 * L, L)] = r2 + x1i
      idx_v[pl.ds(2 * L, L)] = r1 + x2i
      idx_v[pl.ds(3 * L, L)] = r2 + x2i
      return pltpu.async_copy(tables[s].at[idx_v], gbufs[s], gsems[s])

    dn = lax.GatherDimensionNumbers(
        offset_dims=(), collapsed_slice_dims=(0,), start_index_map=(0,))

    def splat(vec, sp):
      return lax.gather(vec, sp[:, None], dn, (1,),
                        mode=lax.GatherScatterMode.PROMISE_IN_BOUNDS)

    def compute(ch, s, coff, obuf):
      H, W, C, inv = scales[s]
      x, y, _, _, x1f, y1f, x2i, y2i = corner_geom(ch, s)
      wx2 = x - x1f
      wx1 = x2i.astype(jnp.float32) - x
      wy2 = y - y1f
      wy1 = y2i.astype(jnp.float32) - y
      w11 = wx1 * wy1
      w12 = wx1 * wy2
      w21 = wx2 * wy1
      w22 = wx2 * wy2
      gbuf = gbufs[s]

      @plsc.parallel_loop(0, L)
      def row_body(r):
        sp = jnp.full((L,), 0, jnp.int32) + r
        w0 = splat(w11, sp)
        w1 = splat(w12, sp)
        w2 = splat(w21, sp)
        w3 = splat(w22, sp)

        @plsc.parallel_loop(0, C // L, unroll=8)
        def ch_body(j):
          acc = w0 * gbuf[0 * L + r, pl.ds(j * L, L)]
          acc += w1 * gbuf[1 * L + r, pl.ds(j * L, L)]
          acc += w2 * gbuf[2 * L + r, pl.ds(j * L, L)]
          acc += w3 * gbuf[3 * L + r, pl.ds(j * L, L)]
          obuf[r, pl.ds(coff + j * L, L)] = acc

    handles = [fire(0, s) for s in range(len(scales))]
    owrites = [None, None]
    for ch in range(n_chunks):
      slot = ch % 2
      if owrites[slot] is not None:
        owrites[slot].wait()
      obuf = obufs[slot]
      coff = 0
      for s in range(len(scales)):
        handles[s].wait()
        compute(ch, s, coff, obuf)
        if ch + 1 < n_chunks:
          handles[s] = fire(ch + 1, s)
        coff += scales[s][2]
      owrites[slot] = pltpu.async_copy(
          obuf, out_hbm.at[pl.ds(base + ch * L, L)], osems[slot])
    for ow in owrites:
      if ow is not None:
        ow.wait()

  return k


def kernel(c, conv_3_3, conv_4_3, conv_5_3):
  B, V, _ = c.shape
  maps = (conv_3_3, conv_4_3, conv_5_3)
  scales = []
  inv = 1.0 / 8.0
  for fm in maps:
    _, C, H, W = fm.shape
    scales.append((H, W, C, inv))
    inv *= 0.5

  rpw = (B * V) // NW
  cxy = c.reshape(NW, rpw, 2).swapaxes(1, 2).reshape(-1)
  tables = [fm.transpose(0, 2, 3, 1).reshape(-1, fm.shape[1]) for fm in maps]

  k = _make_sc_kernel(B, V, tuple(scales))
  out = k(cxy, *tables)
  return out.reshape(B, V, out.shape[-1])

# --- scband reference (transcript-rebuilt; emitter-appended) ---
"""Pipeline reference for scband-convolution-block-54400055771686 (READ-ONLY COPY).

The authoritative reference and input builder live on the scoring server;
editing this copy changes nothing except your own understanding.
"""

import jax, jax.numpy as jnp
import numpy as np


def _bilinear_features(c, fmap):
    x1y1 = jnp.floor(c)
    x2y2 = jnp.ceil(c)
    B, C, H, W = fmap.shape
    V = c.shape[1]
    x1 = x1y1[:, :, 0].astype(jnp.int32)
    x2 = x2y2[:, :, 0].astype(jnp.int32)
    y1 = x1y1[:, :, 1].astype(jnp.int32)
    y2 = x2y2[:, :, 1].astype(jnp.int32)
    # gather along width: fmX1[b,ch,h,v] = fmap[b,ch,h,x1[b,v]]
    x1e = jnp.broadcast_to(x1[:, None, None, :], (B, C, H, V))
    x2e = jnp.broadcast_to(x2[:, None, None, :], (B, C, H, V))
    fmX1 = jnp.take_along_axis(fmap, x1e, axis=3)
    fmX2 = jnp.take_along_axis(fmap, x2e, axis=3)
    # gather along height then (v,v) diagonal -> expressed directly as
    # result[b,ch,v] = fmX?[b,ch,y?[b,v],v]  (exactly equals torch gather(2,.)+diagonal)
    y1e = jnp.broadcast_to(y1[:, None, None, :], (B, C, 1, V))
    y2e = jnp.broadcast_to(y2[:, None, None, :], (B, C, 1, V))
    fX1Y1 = jnp.take_along_axis(fmX1, y1e, axis=2)[:, :, 0, :].transpose(0, 2, 1)
    fX1Y2 = jnp.take_along_axis(fmX1, y2e, axis=2)[:, :, 0, :].transpose(0, 2, 1)
    fX2Y1 = jnp.take_along_axis(fmX2, y1e, axis=2)[:, :, 0, :].transpose(0, 2, 1)
    fX2Y2 = jnp.take_along_axis(fmX2, y2e, axis=2)[:, :, 0, :].transpose(0, 2, 1)
    wX1Y1 = ((x2y2[:, :, 0] - c[:, :, 0]) * (x2y2[:, :, 1] - c[:, :, 1]))[:, :, None]
    wX1Y2 = ((x2y2[:, :, 0] - c[:, :, 0]) * (c[:, :, 1] - x1y1[:, :, 1]))[:, :, None]
    wX2Y1 = ((c[:, :, 0] - x1y1[:, :, 0]) * (x2y2[:, :, 1] - c[:, :, 1]))[:, :, None]
    wX2Y2 = ((c[:, :, 0] - x1y1[:, :, 0]) * (c[:, :, 1] - x1y1[:, :, 1]))[:, :, None]
    feat = fX1Y1 * wX1Y1 + fX1Y2 * wX1Y2 + fX2Y1 * wX2Y1 + fX2Y2 * wX2Y2
    return feat


def _forward(c, conv_3_3, conv_4_3, conv_5_3):
    c = jax.lax.stop_gradient(c)  # matches c.clone().detach() in the torch code
    c33 = c / 8.0
    c43 = c33 / 2.0
    c53 = c43 / 2.0
    f33 = _bilinear_features(c33, conv_3_3)
    f43 = _bilinear_features(c43, conv_4_3)
    f53 = _bilinear_features(c53, conv_5_3)
    return jnp.concatenate([f33, f43, f53], axis=2)


def setup_inputs(seed: int = 0) -> dict:
    key = jax.random.key(seed)
    k1, k2, k3, k4 = jax.random.split(key, 4)
    c = jax.random.uniform(k1, (2, 512, 2), dtype=jnp.float32, minval=0.0, maxval=383.0)
    conv_3_3 = jax.random.normal(k2, (2, 256, 96, 96), dtype=jnp.float32)
    conv_4_3 = jax.random.normal(k3, (2, 512, 48, 48), dtype=jnp.float32)
    conv_5_3 = jax.random.normal(k4, (2, 512, 24, 24), dtype=jnp.float32)
    return {"c": c, "conv_3_3": conv_3_3, "conv_4_3": conv_4_3, "conv_5_3": conv_5_3}


def reference(c, conv_3_3, conv_4_3, conv_5_3):
    return _forward(c, conv_3_3, conv_4_3, conv_5_3)

if __name__ == "__main__":
    import jax
    _d = setup_inputs()
    print(jax.jit(kernel)(*tuple(_d.values())))

</pallas_src>

<mosaic_0001>
#map = affine_map<(d0, d1) -> (0)>
#map1 = affine_map<(d0, d1) -> (0, 0)>
module attributes {stable_mosaic.version = 14 : i64} {
  func.func @k(%arg0: i32, %arg1: i32, %arg2: memref<2048xf32, #tpu.memory_space<hbm>>, %arg3: memref<18432x256xf32, #tpu.memory_space<hbm>>, %arg4: memref<4608x512xf32, #tpu.memory_space<hbm>>, %arg5: memref<1152x512xf32, #tpu.memory_space<hbm>>, %arg6: memref<1024x1280xf32, #tpu.memory_space<hbm>>, %arg7: memref<64xf32, #tpu.memory_space<vmem>>, %arg8: memref<64xi32, #tpu.memory_space<vmem>>, %arg9: memref<64xi32, #tpu.memory_space<vmem>>, %arg10: memref<64xi32, #tpu.memory_space<vmem>>, %arg11: memref<64x256xf32, #tpu.memory_space<vmem>>, %arg12: memref<64x512xf32, #tpu.memory_space<vmem>>, %arg13: memref<64x512xf32, #tpu.memory_space<vmem>>, %arg14: memref<16x1280xf32, #tpu.memory_space<vmem>>, %arg15: memref<16x1280xf32, #tpu.memory_space<vmem>>, %arg16: memref<!tpu.dma_semaphore, #tpu.memory_space<semaphore_mem>>, %arg17: memref<!tpu.dma_semaphore, #tpu.memory_space<semaphore_mem>>, %arg18: memref<!tpu.dma_semaphore, #tpu.memory_space<semaphore_mem>>, %arg19: memref<!tpu.dma_semaphore, #tpu.memory_space<semaphore_mem>>, %arg20: memref<!tpu.dma_semaphore, #tpu.memory_space<semaphore_mem>>) attributes {dimension_semantics = [#tpu.dimension_semantics<core_parallel>, #tpu.dimension_semantics<subcore_parallel>], iteration_bounds = array<i64: 2, 16>, scalar_prefetch = 0 : i64, scratch_operands = 14 : i64, tpu.core_type = #tpu.core_type<sc_vector_subcore>, window_params = [{transform_indices = #map}, {transform_indices = #map1}, {transform_indices = #map1}, {transform_indices = #map1}, {transform_indices = #map1}]} {
    %mul3A = arith.constant 2 : i32
    %mul3A_0 = arith.muli %arg1, %mul3A : i32
    %add3A = arith.addi %mul3A_0, %arg0 : i32
    %mul3A_1 = arith.constant 32 : i32
    %mul3A_2 = arith.muli %add3A, %mul3A_1 : i32
    %jit3A = arith.constant 512 : i32
    %div3A = arith.divsi %mul3A_2, %jit3A : i32
    %sign3A = arith.constant 0 : i32
    %sign3A_3 = arith.cmpi sgt, %mul3A_2, %sign3A : i32
    %sign3A_4 = arith.extui %sign3A_3 : i1 to i32
    %sign3A_5 = arith.constant 0 : i32
    %sign3A_6 = arith.cmpi slt, %mul3A_2, %sign3A_5 : i32
    %sign3A_7 = arith.extui %sign3A_6 : i1 to i32
    %sign3A_8 = arith.subi %sign3A_4, %sign3A_7 : i32
    %sign3A_9 = arith.constant 0 : i32
    %sign3A_10 = arith.cmpi sgt, %jit3A, %sign3A_9 : i32
    %sign3A_11 = arith.extui %sign3A_10 : i1 to i32
    %sign3A_12 = arith.constant 0 : i32
    %sign3A_13 = arith.cmpi slt, %jit3A, %sign3A_12 : i32
    %sign3A_14 = arith.extui %sign3A_13 : i1 to i32
    %sign3A_15 = arith.subi %sign3A_11, %sign3A_14 : i32
    %ne3A = arith.cmpi ne, %sign3A_8, %sign3A_15 : i32
    %rem3A = arith.remsi %mul3A_2, %jit3A : i32
    %ne3A_16 = arith.constant 0 : i32
    %ne3A_17 = arith.cmpi ne, %rem3A, %ne3A_16 : i32
    %and3A = arith.andi %ne3A, %ne3A_17 : i1
    %sub3A = arith.constant 1 : i32
    %sub3A_18 = arith.subi %div3A, %sub3A : i32
    %select_n3A = arith.select %and3A, %sub3A_18, %div3A : i32
    %mul3A_19 = arith.constant 2 : i32
    %mul3A_20 = arith.muli %add3A, %mul3A_19 : i32
    %mul3A_21 = arith.constant 32 : i32
    %mul3A_22 = arith.muli %mul3A_20, %mul3A_21 : i32
    "tpu.region"() ({
      %run_scoped3A = tpu.sem_alloc : memref<!tpu.dma_semaphore, #tpu.memory_space<semaphore_mem>>
      %dma_start3A_665 = tpu.memref_slice %arg2[%mul3A_22] : memref<2048xf32, #tpu.memory_space<hbm>> -> memref<64xf32, #tpu.memory_space<hbm>>
      %dma_start3A_666 = tpu.memref_slice %arg2[%mul3A_22] : memref<2048xf32, #tpu.memory_space<hbm>> -> memref<64xf32, #tpu.memory_space<hbm>>
      tpu.enqueue_dma source(%dma_start3A_666 : memref<64xf32, #tpu.memory_space<hbm>>) target(%arg7 : memref<64xf32, #tpu.memory_space<vmem>>) target_semaphore(%run_scoped3A : memref<!tpu.dma_semaphore, #tpu.memory_space<semaphore_mem>>)
      %dma_wait3A_667 = tpu.memref_slice %arg2[%mul3A_22] : memref<2048xf32, #tpu.memory_space<hbm>> -> memref<64xf32, #tpu.memory_space<hbm>>
      %dma_wait3A_668 = tpu.memref_slice %arg2[%mul3A_22] : memref<2048xf32, #tpu.memory_space<hbm>> -> memref<64xf32, #tpu.memory_space<hbm>>
      tpu.wait_dma2 semaphore(%run_scoped3A : memref<!tpu.dma_semaphore, #tpu.memory_space<semaphore_mem>>) src(%dma_wait3A_668 : memref<64xf32, #tpu.memory_space<hbm>>) dst(%arg7 : memref<64xf32, #tpu.memory_space<vmem>>)
      tpu.yield
    }) : () -> ()
    %get3A = arith.constant 0 : index
    %get3A_23 = tpu.vector_load %arg7[%get3A] {strides = array<i32>} : memref<64xf32, #tpu.memory_space<vmem>>, vector<16xf32>,
    %get3A_24 = vector.shape_cast %get3A_23 : vector<16xf32> to vector<16xf32>
    %mul3A_25 = arith.constant 1.250000e-01 : f32
    %mul3A_26 = vector.broadcast %mul3A_25 : f32 to vector<16xf32>
    %mul3A_27 = arith.mulf %get3A_24, %mul3A_26 : vector<16xf32>
    %get3A_28 = arith.constant 32 : index
    %get3A_29 = tpu.vector_load %arg7[%get3A_28] {strides = array<i32>} : memref<64xf32, #tpu.memory_space<vmem>>, vector<16xf32>,
    %get3A_30 = vector.shape_cast %get3A_29 : vector<16xf32> to vector<16xf32>
    %mul3A_31 = arith.constant 1.250000e-01 : f32
    %mul3A_32 = vector.broadcast %mul3A_31 : f32 to vector<16xf32>
    %mul3A_33 = arith.mulf %get3A_30, %mul3A_32 : vector<16xf32>
    %convert_element_type3A = arith.fptosi %mul3A_27 : vector<16xf32> to vector<16xi32>
    %convert_element_type3A_34 = arith.fptosi %mul3A_33 : vector<16xf32> to vector<16xi32>
    %convert_element_type3A_35 = arith.sitofp %convert_element_type3A : vector<16xi32> to vector<16xf32>
    %convert_element_type3A_36 = arith.sitofp %convert_element_type3A_34 : vector<16xi32> to vector<16xf32>
    %broadcast_in_dim3A = arith.constant 1 : i32
    %broadcast_in_dim3A_37 = vector.broadcast %broadcast_in_dim3A : i32 to vector<16xi32>
    %broadcast_in_dim3A_38 = arith.constant 0 : i32
    %broadcast_in_dim3A_39 = vector.broadcast %broadcast_in_dim3A_38 : i32 to vector<16xi32>
    %gt3A = arith.cmpf ogt, %mul3A_27, %convert_element_type3A_35 : vector<16xf32>
    %select_n3A_40 = arith.select %gt3A, %broadcast_in_dim3A_37, %broadcast_in_dim3A_39 : vector<16xi1>, vector<16xi32>
    %add3A_41 = arith.addi %convert_element_type3A, %select_n3A_40 : vector<16xi32>
    %gt3A_42 = arith.cmpf ogt, %mul3A_33, %convert_element_type3A_36 : vector<16xf32>
    %select_n3A_43 = arith.select %gt3A_42, %broadcast_in_dim3A_37, %broadcast_in_dim3A_39 : vector<16xi1>, vector<16xi32>
    %add3A_44 = arith.addi %convert_element_type3A_34, %select_n3A_43 : vector<16xi32>
    %mul3A_45 = arith.constant 96 : i32
    %mul3A_46 = vector.broadcast %mul3A_45 : i32 to vector<16xi32>
    %mul3A_47 = arith.muli %convert_element_type3A_34, %mul3A_46 : vector<16xi32>
    %mul3A_48 = arith.constant 9216 : i32
    %mul3A_49 = arith.muli %select_n3A, %mul3A_48 : i32
    %add3A_50 = vector.broadcast %mul3A_49 : i32 to vector<16xi32>
    %add3A_51 = arith.addi %mul3A_47, %add3A_50 : vector<16xi32>
    %mul3A_52 = arith.constant 96 : i32
    %mul3A_53 = vector.broadcast %mul3A_52 : i32 to vector<16xi32>
    %mul3A_54 = arith.muli %add3A_44, %mul3A_53 : vector<16xi32>
    %mul3A_55 = arith.constant 9216 : i32
    %mul3A_56 = arith.muli %select_n3A, %mul3A_55 : i32
    %add3A_57 = vector.broadcast %mul3A_56 : i32 to vector<16xi32>
    %add3A_58 = arith.addi %mul3A_54, %add3A_57 : vector<16xi32>
    %add3A_59 = arith.addi %add3A_51, %convert_element_type3A : vector<16xi32>
    %swap3A = arith.constant 0 : index
    %swap3A_60 = tpu.vector_load %arg8[%swap3A] {strides = array<i32>} : memref<64xi32, #tpu.memory_space<vmem>>, vector<16xi32>,
    %swap3A_61 = vector.shape_cast %swap3A_60 : vector<16xi32> to vector<16xi32>
    %swap3A_62 = vector.shape_cast %add3A_59 : vector<16xi32> to vector<16xi32>
    tpu.vector_store %arg8[%swap3A], %swap3A_62 {strides = array<i32>} : memref<64xi32, #tpu.memory_space<vmem>>, vector<16xi32>,
    %add3A_63 = arith.addi %add3A_58, %convert_element_type3A : vector<16xi32>
    %swap3A_64 = arith.constant 16 : index
    %swap3A_65 = tpu.vector_load %arg8[%swap3A_64] {strides = array<i32>} : memref<64xi32, #tpu.memory_space<vmem>>, vector<16xi32>,
    %swap3A_66 = vector.shape_cast %swap3A_65 : vector<16xi32> to vector<16xi32>
    %swap3A_67 = vector.shape_cast %add3A_63 : vector<16xi32> to vector<16xi32>
    tpu.vector_store %arg8[%swap3A_64], %swap3A_67 {strides = array<i32>} : memref<64xi32, #tpu.memory_space<vmem>>, vector<16xi32>,
    %add3A_68 = arith.addi %add3A_51, %add3A_41 : vector<16xi32>
    %swap3A_69 = arith.constant 32 : index
    %swap3A_70 = tpu.vector_load %arg8[%swap3A_69] {strides = array<i32>} : memref<64xi32, #tpu.memory_space<vmem>>, vector<16xi32>,
    %swap3A_71 = vector.shape_cast %swap3A_70 : vector<16xi32> to vector<16xi32>
    %swap3A_72 = vector.shape_cast %add3A_68 : vector<16xi32> to vector<16xi32>
    tpu.vector_store %arg8[%swap3A_69], %swap3A_72 {strides = array<i32>} : memref<64xi32, #tpu.memory_space<vmem>>, vector<16xi32>,
    %add3A_73 = arith.addi %add3A_58, %add3A_41 : vector<16xi32>
    %swap3A_74 = arith.constant 48 : index
    %swap3A_75 = tpu.vector_load %arg8[%swap3A_74] {strides = array<i32>} : memref<64xi32, #tpu.memory_space<vmem>>, vector<16xi32>,
    %swap3A_76 = vector.shape_cast %swap3A_75 : vector<16xi32> to vector<16xi32>
    %swap3A_77 = vector.shape_cast %add3A_73 : vector<16xi32> to vector<16xi32>
    tpu.vector_store %arg8[%swap3A_74], %swap3A_77 {strides = array<i32>} : memref<64xi32, #tpu.memory_space<vmem>>, vector<16xi32>,
    %dma_start3A = arith.constant 0 : i32
    %dma_start3A_78 = arith.constant 0 : i32
    %dma_start3A_79 = tpu.memref_slice %arg3[%dma_start3A, %dma_start3A_78] : memref<18432x256xf32, #tpu.memory_space<hbm>> -> memref<18432x256xf32, #tpu.memory_space<hbm>>
    tpu.enqueue_indirect_dma source(%dma_start3A_79 : memref<18432x256xf32, #tpu.memory_space<hbm>>) target(%arg11 : memref<64x256xf32, #tpu.memory_space<vmem>>) offsets(%arg8 : memref<64xi32, #tpu.memory_space<vmem>>) semaphore(%arg16 : memref<!tpu.dma_semaphore, #tpu.memory_space<semaphore_mem>>)
    %get3A_80 = arith.constant 0 : index
    %get3A_81 = tpu.vector_load %arg7[%get3A_80] {strides = array<i32>} : memref<64xf32, #tpu.memory_space<vmem>>, vector<16xf32>,
    %get3A_82 = vector.shape_cast %get3A_81 : vector<16xf32> to vector<16xf32>
    %mul3A_83 = arith.constant 6.250000e-02 : f32
    %mul3A_84 = vector.broadcast %mul3A_83 : f32 to vector<16xf32>
    %mul3A_85 = arith.mulf %get3A_82, %mul3A_84 : vector<16xf32>
    %get3A_86 = arith.constant 32 : index
    %get3A_87 = tpu.vector_load %arg7[%get3A_86] {strides = array<i32>} : memref<64xf32, #tpu.memory_space<vmem>>, vector<16xf32>,
    %get3A_88 = vector.shape_cast %get3A_87 : vector<16xf32> to vector<16xf32>
    %mul3A_89 = arith.constant 6.250000e-02 : f32
    %mul3A_90 = vector.broadcast %mul3A_89 : f32 to vector<16xf32>
    %mul3A_91 = arith.mulf %get3A_88, %mul3A_90 : vector<16xf32>
    %convert_element_type3A_92 = arith.fptosi %mul3A_85 : vector<16xf32> to vector<16xi32>
    %convert_element_type3A_93 = arith.fptosi %mul3A_91 : vector<16xf32> to vector<16xi32>
    %convert_element_type3A_94 = arith.sitofp %convert_element_type3A_92 : vector<16xi32> to vector<16xf32>
    %convert_element_type3A_95 = arith.sitofp %convert_element_type3A_93 : vector<16xi32> to vector<16xf32>
    %broadcast_in_dim3A_96 = arith.constant 1 : i32
    %broadcast_in_dim3A_97 = vector.broadcast %broadcast_in_dim3A_96 : i32 to vector<16xi32>
    %broadcast_in_dim3A_98 = arith.constant 0 : i32
    %broadcast_in_dim3A_99 = vector.broadcast %broadcast_in_dim3A_98 : i32 to vector<16xi32>
    %gt3A_100 = arith.cmpf ogt, %mul3A_85, %convert_element_type3A_94 : vector<16xf32>
    %select_n3A_101 = arith.select %gt3A_100, %broadcast_in_dim3A_97, %broadcast_in_dim3A_99 : vector<16xi1>, vector<16xi32>
    %add3A_102 = arith.addi %convert_element_type3A_92, %select_n3A_101 : vector<16xi32>
    %gt3A_103 = arith.cmpf ogt, %mul3A_91, %convert_element_type3A_95 : vector<16xf32>
    %select_n3A_104 = arith.select %gt3A_103, %broadcast_in_dim3A_97, %broadcast_in_dim3A_99 : vector<16xi1>, vector<16xi32>
    %add3A_105 = arith.addi %convert_element_type3A_93, %select_n3A_104 : vector<16xi32>
    %mul3A_106 = arith.constant 48 : i32
    %mul3A_107 = vector.broadcast %mul3A_106 : i32 to vector<16xi32>
    %mul3A_108 = arith.muli %convert_element_type3A_93, %mul3A_107 : vector<16xi32>
    %mul3A_109 = arith.constant 2304 : i32
    %mul3A_110 = arith.muli %select_n3A, %mul3A_109 : i32
    %add3A_111 = vector.broadcast %mul3A_110 : i32 to vector<16xi32>
    %add3A_112 = arith.addi %mul3A_108, %add3A_111 : vector<16xi32>
    %mul3A_113 = arith.constant 48 : i32
    %mul3A_114 = vector.broadcast %mul3A_113 : i32 to vector<16xi32>
    %mul3A_115 = arith.muli %add3A_105, %mul3A_114 : vector<16xi32>
    %mul3A_116 = arith.constant 2304 : i32
    %mul3A_117 = arith.muli %select_n3A, %mul3A_116 : i32
    %add3A_118 = vector.broadcast %mul3A_117 : i32 to vector<16xi32>
    %add3A_119 = arith.addi %mul3A_115, %add3A_118 : vector<16xi32>
    %add3A_120 = arith.addi %add3A_112, %convert_element_type3A_92 : vector<16xi32>
    %swap3A_121 = arith.constant 0 : index
    %swap3A_122 = tpu.vector_load %arg9[%swap3A_121] {strides = array<i32>} : memref<64xi32, #tpu.memory_space<vmem>>, vector<16xi32>,
    %swap3A_123 = vector.shape_cast %swap3A_122 : vector<16xi32> to vector<16xi32>
    %swap3A_124 = vector.shape_cast %add3A_120 : vector<16xi32> to vector<16xi32>
    tpu.vector_store %arg9[%swap3A_121], %swap3A_124 {strides = array<i32>} : memref<64xi32, #tpu.memory_space<vmem>>, vector<16xi32>,
    %add3A_125 = arith.addi %add3A_119, %convert_element_type3A_92 : vector<16xi32>
    %swap3A_126 = arith.constant 16 : index
    %swap3A_127 = tpu.vector_load %arg9[%swap3A_126] {strides = array<i32>} : memref<64xi32, #tpu.memory_space<vmem>>, vector<16xi32>,
    %swap3A_128 = vector.shape_cast %swap3A_127 : vector<16xi32> to vector<16xi32>
    %swap3A_129 = vector.shape_cast %add3A_125 : vector<16xi32> to vector<16xi32>
    tpu.vector_store %arg9[%swap3A_126], %swap3A_129 {strides = array<i32>} : memref<64xi32, #tpu.memory_space<vmem>>, vector<16xi32>,
    %add3A_130 = arith.addi %add3A_112, %add3A_102 : vector<16xi32>
    %swap3A_131 = arith.constant 32 : index
    %swap3A_132 = tpu.vector_load %arg9[%swap3A_131] {strides = array<i32>} : memref<64xi32, #tpu.memory_space<vmem>>, vector<16xi32>,
    %swap3A_133 = vector.shape_cast %swap3A_132 : vector<16xi32> to vector<16xi32>
    %swap3A_134 = vector.shape_cast %add3A_130 : vector<16xi32> to vector<16xi32>
    tpu.vector_store %arg9[%swap3A_131], %swap3A_134 {strides = array<i32>} : memref<64xi32, #tpu.memory_space<vmem>>, vector<16xi32>,
    %add3A_135 = arith.addi %add3A_119, %add3A_102 : vector<16xi32>
    %swap3A_136 = arith.constant 48 : index
    %swap3A_137 = tpu.vector_load %arg9[%swap3A_136] {strides = array<i32>} : memref<64xi32, #tpu.memory_space<vmem>>, vector<16xi32>,
    %swap3A_138 = vector.shape_cast %swap3A_137 : vector<16xi32> to vector<16xi32>
    %swap3A_139 = vector.shape_cast %add3A_135 : vector<16xi32> to vector<16xi32>
    tpu.vector_store %arg9[%swap3A_136], %swap3A_139 {strides = array<i32>} : memref<64xi32, #tpu.memory_space<vmem>>, vector<16xi32>,
    %dma_start3A_140 = arith.constant 0 : i32
    %dma_start3A_141 = arith.constant 0 : i32
    %dma_start3A_142 = tpu.memref_slice %arg4[%dma_start3A_140, %dma_start3A_141] : memref<4608x512xf32, #tpu.memory_space<hbm>> -> memref<4608x512xf32, #tpu.memory_space<hbm>>
    tpu.enqueue_indirect_dma source(%dma_start3A_142 : memref<4608x512xf32, #tpu.memory_space<hbm>>) target(%arg12 : memref<64x512xf32, #tpu.memory_space<vmem>>) offsets(%arg9 : memref<64xi32, #tpu.memory_space<vmem>>) semaphore(%arg17 : memref<!tpu.dma_semaphore, #tpu.memory_space<semaphore_mem>>)
    %get3A_143 = arith.constant 0 : index
    %get3A_144 = tpu.vector_load %arg7[%get3A_143] {strides = array<i32>} : memref<64xf32, #tpu.memory_space<vmem>>, vector<16xf32>,
    %get3A_145 = vector.shape_cast %get3A_144 : vector<16xf32> to vector<16xf32>
    %mul3A_146 = arith.constant 3.125000e-02 : f32
    %mul3A_147 = vector.broadcast %mul3A_146 : f32 to vector<16xf32>
    %mul3A_148 = arith.mulf %get3A_145, %mul3A_147 : vector<16xf32>
    %get3A_149 = arith.constant 32 : index
    %get3A_150 = tpu.vector_load %arg7[%get3A_149] {strides = array<i32>} : memref<64xf32, #tpu.memory_space<vmem>>, vector<16xf32>,
    %get3A_151 = vector.shape_cast %get3A_150 : vector<16xf32> to vector<16xf32>
    %mul3A_152 = arith.constant 3.125000e-02 : f32
    %mul3A_153 = vector.broadcast %mul3A_152 : f32 to vector<16xf32>
    %mul3A_154 = arith.mulf %get3A_151, %mul3A_153 : vector<16xf32>
    %convert_element_type3A_155 = arith.fptosi %mul3A_148 : vector<16xf32> to vector<16xi32>
    %convert_element_type3A_156 = arith.fptosi %mul3A_154 : vector<16xf32> to vector<16xi32>
    %convert_element_type3A_157 = arith.sitofp %convert_element_type3A_155 : vector<16xi32> to vector<16xf32>
    %convert_element_type3A_158 = arith.sitofp %convert_element_type3A_156 : vector<16xi32> to vector<16xf32>
    %broadcast_in_dim3A_159 = arith.constant 1 : i32
    %broadcast_in_dim3A_160 = vector.broadcast %broadcast_in_dim3A_159 : i32 to vector<16xi32>
    %broadcast_in_dim3A_161 = arith.constant 0 : i32
    %broadcast_in_dim3A_162 = vector.broadcast %broadcast_in_dim3A_161 : i32 to vector<16xi32>
    %gt3A_163 = arith.cmpf ogt, %mul3A_148, %convert_element_type3A_157 : vector<16xf32>
    %select_n3A_164 = arith.select %gt3A_163, %broadcast_in_dim3A_160, %broadcast_in_dim3A_162 : vector<16xi1>, vector<16xi32>
    %add3A_165 = arith.addi %convert_element_type3A_155, %select_n3A_164 : vector<16xi32>
    %gt3A_166 = arith.cmpf ogt, %mul3A_154, %convert_element_type3A_158 : vector<16xf32>
    %select_n3A_167 = arith.select %gt3A_166, %broadcast_in_dim3A_160, %broadcast_in_dim3A_162 : vector<16xi1>, vector<16xi32>
    %add3A_168 = arith.addi %convert_element_type3A_156, %select_n3A_167 : vector<16xi32>
    %mul3A_169 = arith.constant 24 : i32
    %mul3A_170 = vector.broadcast %mul3A_169 : i32 to vector<16xi32>
    %mul3A_171 = arith.muli %convert_element_type3A_156, %mul3A_170 : vector<16xi32>
    %mul3A_172 = arith.constant 576 : i32
    %mul3A_173 = arith.muli %select_n3A, %mul3A_172 : i32
    %add3A_174 = vector.broadcast %mul3A_173 : i32 to vector<16xi32>
    %add3A_175 = arith.addi %mul3A_171, %add3A_174 : vector<16xi32>
    %mul3A_176 = arith.constant 24 : i32
    %mul3A_177 = vector.broadcast %mul3A_176 : i32 to vector<16xi32>
    %mul3A_178 = arith.muli %add3A_168, %mul3A_177 : vector<16xi32>
    %mul3A_179 = arith.constant 576 : i32
    %mul3A_180 = arith.muli %select_n3A, %mul3A_179 : i32
    %add3A_181 = vector.broadcast %mul3A_180 : i32 to vector<16xi32>
    %add3A_182 = arith.addi %mul3A_178, %add3A_181 : vector<16xi32>
    %add3A_183 = arith.addi %add3A_175, %convert_element_type3A_155 : vector<16xi32>
    %swap3A_184 = arith.constant 0 : index
    %swap3A_185 = tpu.vector_load %arg10[%swap3A_184] {strides = array<i32>} : memref<64xi32, #tpu.memory_space<vmem>>, vector<16xi32>,
    %swap3A_186 = vector.shape_cast %swap3A_185 : vector<16xi32> to vector<16xi32>
    %swap3A_187 = vector.shape_cast %add3A_183 : vector<16xi32> to vector<16xi32>
    tpu.vector_store %arg10[%swap3A_184], %swap3A_187 {strides = array<i32>} : memref<64xi32, #tpu.memory_space<vmem>>, vector<16xi32>,
    %add3A_188 = arith.addi %add3A_182, %convert_element_type3A_155 : vector<16xi32>
    %swap3A_189 = arith.constant 16 : index
    %swap3A_190 = tpu.vector_load %arg10[%swap3A_189] {strides = array<i32>} : memref<64xi32, #tpu.memory_space<vmem>>, vector<16xi32>,
    %swap3A_191 = vector.shape_cast %swap3A_190 : vector<16xi32> to vector<16xi32>
    %swap3A_192 = vector.shape_cast %add3A_188 : vector<16xi32> to vector<16xi32>
    tpu.vector_store %arg10[%swap3A_189], %swap3A_192 {strides = array<i32>} : memref<64xi32, #tpu.memory_space<vmem>>, vector<16xi32>,
    %add3A_193 = arith.addi %add3A_175, %add3A_165 : vector<16xi32>
    %swap3A_194 = arith.constant 32 : index
    %swap3A_195 = tpu.vector_load %arg10[%swap3A_194] {strides = array<i32>} : memref<64xi32, #tpu.memory_space<vmem>>, vector<16xi32>,
    %swap3A_196 = vector.shape_cast %swap3A_195 : vector<16xi32> to vector<16xi32>
    %swap3A_197 = vector.shape_cast %add3A_193 : vector<16xi32> to vector<16xi32>
    tpu.vector_store %arg10[%swap3A_194], %swap3A_197 {strides = array<i32>} : memref<64xi32, #tpu.memory_space<vmem>>, vector<16xi32>,
    %add3A_198 = arith.addi %add3A_182, %add3A_165 : vector<16xi32>
    %swap3A_199 = arith.constant 48 : index
    %swap3A_200 = tpu.vector_load %arg10[%swap3A_199] {strides = array<i32>} : memref<64xi32, #tpu.memory_space<vmem>>, vector<16xi32>,
    %swap3A_201 = vector.shape_cast %swap3A_200 : vector<16xi32> to vector<16xi32>
    %swap3A_202 = vector.shape_cast %add3A_198 : vector<16xi32> to vector<16xi32>
    tpu.vector_store %arg10[%swap3A_199], %swap3A_202 {strides = array<i32>} : memref<64xi32, #tpu.memory_space<vmem>>, vector<16xi32>,
    %dma_start3A_203 = arith.constant 0 : i32
    %dma_start3A_204 = arith.constant 0 : i32
    %dma_start3A_205 = tpu.memref_slice %arg5[%dma_start3A_203, %dma_start3A_204] : memref<1152x512xf32, #tpu.memory_space<hbm>> -> memref<1152x512xf32, #tpu.memory_space<hbm>>
    tpu.enqueue_indirect_dma source(%dma_start3A_205 : memref<1152x512xf32, #tpu.memory_space<hbm>>) target(%arg13 : memref<64x512xf32, #tpu.memory_space<vmem>>) offsets(%arg10 : memref<64xi32, #tpu.memory_space<vmem>>) semaphore(%arg18 : memref<!tpu.dma_semaphore, #tpu.memory_space<semaphore_mem>>)
    %dma_wait3A = arith.constant 0 : i32
    %dma_wait3A_206 = arith.constant 0 : i32
    %dma_wait3A_207 = tpu.memref_slice %arg3[%dma_wait3A, %dma_wait3A_206] : memref<18432x256xf32, #tpu.memory_space<hbm>> -> memref<18432x256xf32, #tpu.memory_space<hbm>>
    tpu.wait_indirect_dma semaphore(%arg16 : memref<!tpu.dma_semaphore, #tpu.memory_space<semaphore_mem>>) src(%dma_wait3A_207 : memref<18432x256xf32, #tpu.memory_space<hbm>>) dst(%arg11 : memref<64x256xf32, #tpu.memory_space<vmem>>)
    %get3A_208 = arith.constant 0 : index
    %get3A_209 = tpu.vector_load %arg7[%get3A_208] {strides = array<i32>} : memref<64xf32, #tpu.memory_space<vmem>>, vector<16xf32>,
    %get3A_210 = vector.shape_cast %get3A_209 : vector<16xf32> to vector<16xf32>
    %mul3A_211 = arith.constant 1.250000e-01 : f32
    %mul3A_212 = vector.broadcast %mul3A_211 : f32 to vector<16xf32>
    %mul3A_213 = arith.mulf %get3A_210, %mul3A_212 : vector<16xf32>
    %get3A_214 = arith.constant 32 : index
    %get3A_215 = tpu.vector_load %arg7[%get3A_214] {strides = array<i32>} : memref<64xf32, #tpu.memory_space<vmem>>, vector<16xf32>,
    %get3A_216 = vector.shape_cast %get3A_215 : vector<16xf32> to vector<16xf32>
    %mul3A_217 = arith.constant 1.250000e-01 : f32
    %mul3A_218 = vector.broadcast %mul3A_217 : f32 to vector<16xf32>
    %mul3A_219 = arith.mulf %get3A_216, %mul3A_218 : vector<16xf32>
    %convert_element_type3A_220 = arith.fptosi %mul3A_213 : vector<16xf32> to vector<16xi32>
    %convert_element_type3A_221 = arith.fptosi %mul3A_219 : vector<16xf32> to vector<16xi32>
    %convert_element_type3A_222 = arith.sitofp %convert_element_type3A_220 : vector<16xi32> to vector<16xf32>
    %convert_element_type3A_223 = arith.sitofp %convert_element_type3A_221 : vector<16xi32> to vector<16xf32>
    %broadcast_in_dim3A_224 = arith.constant 1 : i32
    %broadcast_in_dim3A_225 = vector.broadcast %broadcast_in_dim3A_224 : i32 to vector<16xi32>
    %broadcast_in_dim3A_226 = arith.constant 0 : i32
    %broadcast_in_dim3A_227 = vector.broadcast %broadcast_in_dim3A_226 : i32 to vector<16xi32>
    %gt3A_228 = arith.cmpf ogt, %mul3A_213, %convert_element_type3A_222 : vector<16xf32>
    %select_n3A_229 = arith.select %gt3A_228, %broadcast_in_dim3A_225, %broadcast_in_dim3A_227 : vector<16xi1>, vector<16xi32>
    %add3A_230 = arith.addi %convert_element_type3A_220, %select_n3A_229 : vector<16xi32>
    %gt3A_231 = arith.cmpf ogt, %mul3A_219, %convert_element_type3A_223 : vector<16xf32>
    %select_n3A_232 = arith.select %gt3A_231, %broadcast_in_dim3A_225, %broadcast_in_dim3A_227 : vector<16xi1>, vector<16xi32>
    %add3A_233 = arith.addi %convert_element_type3A_221, %select_n3A_232 : vector<16xi32>
    %sub3A_234 = arith.subf %mul3A_213, %convert_element_type3A_222 : vector<16xf32>
    %convert_element_type3A_235 = arith.sitofp %add3A_230 : vector<16xi32> to vector<16xf32>
    %sub3A_236 = arith.subf %convert_element_type3A_235, %mul3A_213 : vector<16xf32>
    %sub3A_237 = arith.subf %mul3A_219, %convert_element_type3A_223 : vector<16xf32>
    %convert_element_type3A_238 = arith.sitofp %add3A_233 : vector<16xi32> to vector<16xf32>
    %sub3A_239 = arith.subf %convert_element_type3A_238, %mul3A_219 : vector<16xf32>
    %mul3A_240 = arith.mulf %sub3A_236, %sub3A_239 : vector<16xf32>
    %mul3A_241 = arith.mulf %sub3A_236, %sub3A_237 : vector<16xf32>
    %mul3A_242 = arith.mulf %sub3A_234, %sub3A_239 : vector<16xf32>
    %mul3A_243 = arith.mulf %sub3A_234, %sub3A_237 : vector<16xf32>
    %parallel_loop3A = arith.constant 0 : i32
    %parallel_loop3A_244 = arith.constant 16 : i32
    %parallel_loop3A_245 = arith.constant 1 : i32
    scf.for %parallel_loop3A_665 = %parallel_loop3A to %parallel_loop3A_244 step %parallel_loop3A_245  : i32 {
      %parallel_loop3A_666 = arith.constant 0 : i32
      %parallel_loop3A_667 = vector.broadcast %parallel_loop3A_666 : i32 to vector<16xi32>
      %parallel_loop3A_668 = vector.broadcast %parallel_loop3A_665 : i32 to vector<16xi32>
      %parallel_loop3A_669 = arith.addi %parallel_loop3A_667, %parallel_loop3A_668 : vector<16xi32>
      %parallel_loop3A_670 = vector.shape_cast %parallel_loop3A_669 : vector<16xi32> to vector<16x1xi32>
      %parallel_loop3A_671 = vector.shape_cast %parallel_loop3A_670 : vector<16x1xi32> to vector<16xi32>
      %parallel_loop3A_672 = tpu.dynamic_gather %mul3A_240[%parallel_loop3A_671] in [0] : vector<16xf32>, vector<16xi32> -> vector<16xf32>
      %parallel_loop3A_673 = vector.shape_cast %parallel_loop3A_669 : vector<16xi32> to vector<16x1xi32>
      %parallel_loop3A_674 = vector.shape_cast %parallel_loop3A_673 : vector<16x1xi32> to vector<16xi32>
      %parallel_loop3A_675 = tpu.dynamic_gather %mul3A_241[%parallel_loop3A_674] in [0] : vector<16xf32>, vector<16xi32> -> vector<16xf32>
      %parallel_loop3A_676 = vector.shape_cast %parallel_loop3A_669 : vector<16xi32> to vector<16x1xi32>
      %parallel_loop3A_677 = vector.shape_cast %parallel_loop3A_676 : vector<16x1xi32> to vector<16xi32>
      %parallel_loop3A_678 = tpu.dynamic_gather %mul3A_242[%parallel_loop3A_677] in [0] : vector<16xf32>, vector<16xi32> -> vector<16xf32>
      %parallel_loop3A_679 = vector.shape_cast %parallel_loop3A_669 : vector<16xi32> to vector<16x1xi32>
      %parallel_loop3A_680 = vector.shape_cast %parallel_loop3A_679 : vector<16x1xi32> to vector<16xi32>
      %parallel_loop3A_681 = tpu.dynamic_gather %mul3A_243[%parallel_loop3A_680] in [0] : vector<16xf32>, vector<16xi32> -> vector<16xf32>
      %parallel_loop3A_682 = arith.constant 0 : i32
      %parallel_loop3A_683 = arith.constant 16 : i32
      %parallel_loop3A_684 = arith.constant 1 : i32
      scf.for %parallel_loop3A_685 = %parallel_loop3A_682 to %parallel_loop3A_683 step %parallel_loop3A_684  : i32 {
        %parallel_loop3A_686 = arith.constant 0 : i32
        %parallel_loop3A_687 = arith.addi %parallel_loop3A_686, %parallel_loop3A_665 : i32
        %parallel_loop3A_688 = arith.constant 16 : i32
        %parallel_loop3A_689 = arith.muli %parallel_loop3A_685, %parallel_loop3A_688 : i32
        %parallel_loop3A_690 = arith.index_cast %parallel_loop3A_687 : i32 to index
        %parallel_loop3A_691 = arith.index_cast %parallel_loop3A_689 : i32 to index
        %parallel_loop3A_692 = tpu.vector_load %arg11[%parallel_loop3A_690, %parallel_loop3A_691] {strides = array<i32>} : memref<64x256xf32, #tpu.memory_space<vmem>>, vector<1x16xf32>,
        %parallel_loop3A_693 = vector.shape_cast %parallel_loop3A_692 : vector<1x16xf32> to vector<16xf32>
        %parallel_loop3A_694 = arith.mulf %parallel_loop3A_672, %parallel_loop3A_693 : vector<16xf32>
        %parallel_loop3A_695 = arith.constant 16 : i32
        %parallel_loop3A_696 = arith.addi %parallel_loop3A_695, %parallel_loop3A_665 : i32
        %parallel_loop3A_697 = arith.constant 16 : i32
        %parallel_loop3A_698 = arith.muli %parallel_loop3A_685, %parallel_loop3A_697 : i32
        %parallel_loop3A_699 = arith.index_cast %parallel_loop3A_696 : i32 to index
        %parallel_loop3A_700 = arith.index_cast %parallel_loop3A_698 : i32 to index
        %parallel_loop3A_701 = tpu.vector_load %arg11[%parallel_loop3A_699, %parallel_loop3A_700] {strides = array<i32>} : memref<64x256xf32, #tpu.memory_space<vmem>>, vector<1x16xf32>,
        %parallel_loop3A_702 = vector.shape_cast %parallel_loop3A_701 : vector<1x16xf32> to vector<16xf32>
        %parallel_loop3A_703 = arith.mulf %parallel_loop3A_675, %parallel_loop3A_702 : vector<16xf32>
        %parallel_loop3A_704 = arith.addf %parallel_loop3A_694, %parallel_loop3A_703 : vector<16xf32>
        %parallel_loop3A_705 = arith.constant 32 : i32
        %parallel_loop3A_706 = arith.addi %parallel_loop3A_705, %parallel_loop3A_665 : i32
        %parallel_loop3A_707 = arith.constant 16 : i32
        %parallel_loop3A_708 = arith.muli %parallel_loop3A_685, %parallel_loop3A_707 : i32
        %parallel_loop3A_709 = arith.index_cast %parallel_loop3A_706 : i32 to index
        %parallel_loop3A_710 = arith.index_cast %parallel_loop3A_708 : i32 to index
        %parallel_loop3A_711 = tpu.vector_load %arg11[%parallel_loop3A_709, %parallel_loop3A_710] {strides = array<i32>} : memref<64x256xf32, #tpu.memory_space<vmem>>, vector<1x16xf32>,
        %parallel_loop3A_712 = vector.shape_cast %parallel_loop3A_711 : vector<1x16xf32> to vector<16xf32>
        %parallel_loop3A_713 = arith.mulf %parallel_loop3A_678, %parallel_loop3A_712 : vector<16xf32>
        %parallel_loop3A_714 = arith.addf %parallel_loop3A_704, %parallel_loop3A_713 : vector<16xf32>
        %parallel_loop3A_715 = arith.constant 48 : i32
        %parallel_loop3A_716 = arith.addi %parallel_loop3A_715, %parallel_loop3A_665 : i32
        %parallel_loop3A_717 = arith.constant 16 : i32
        %parallel_loop3A_718 = arith.muli %parallel_loop3A_685, %parallel_loop3A_717 : i32
        %parallel_loop3A_719 = arith.index_cast %parallel_loop3A_716 : i32 to index
        %parallel_loop3A_720 = arith.index_cast %parallel_loop3A_718 : i32 to index
        %parallel_loop3A_721 = tpu.vector_load %arg11[%parallel_loop3A_719, %parallel_loop3A_720] {strides = array<i32>} : memref<64x256xf32, #tpu.memory_space<vmem>>, vector<1x16xf32>,
        %parallel_loop3A_722 = vector.shape_cast %parallel_loop3A_721 : vector<1x16xf32> to vector<16xf32>
        %parallel_loop3A_723 = arith.mulf %parallel_loop3A_681, %parallel_loop3A_722 : vector<16xf32>
        %parallel_loop3A_724 = arith.addf %parallel_loop3A_714, %parallel_loop3A_723 : vector<16xf32>
        %parallel_loop3A_725 = arith.constant 16 : i32
        %parallel_loop3A_726 = arith.muli %parallel_loop3A_685, %parallel_loop3A_725 : i32
        %parallel_loop3A_727 = arith.constant 0 : i32
        %parallel_loop3A_728 = arith.addi %parallel_loop3A_727, %parallel_loop3A_726 : i32
        %parallel_loop3A_729 = arith.index_cast %parallel_loop3A_665 : i32 to index
        %parallel_loop3A_730 = arith.index_cast %parallel_loop3A_728 : i32 to index
        %parallel_loop3A_731 = tpu.vector_load %arg14[%parallel_loop3A_729, %parallel_loop3A_730] {strides = array<i32>} : memref<16x1280xf32, #tpu.memory_space<vmem>>, vector<1x16xf32>,
        %parallel_loop3A_732 = vector.shape_cast %parallel_loop3A_731 : vector<1x16xf32> to vector<16xf32>
        %parallel_loop3A_733 = vector.shape_cast %parallel_loop3A_724 : vector<16xf32> to vector<1x16xf32>
        tpu.vector_store %arg14[%parallel_loop3A_729, %parallel_loop3A_730], %parallel_loop3A_733 {strides = array<i32>} : memref<16x1280xf32, #tpu.memory_space<vmem>>, vector<1x16xf32>,
      } {sc.loop_unroll_factor = 8 : i64, sc.parallel_access}
    } {sc.loop_unroll_factor = 1 : i64, sc.parallel_access}
    %get3A_246 = arith.constant 16 : index
    %get3A_247 = tpu.vector_load %arg7[%get3A_246] {strides = array<i32>} : memref<64xf32, #tpu.memory_space<vmem>>, vector<16xf32>,
    %get3A_248 = vector.shape_cast %get3A_247 : vector<16xf32> to vector<16xf32>
    %mul3A_249 = arith.constant 1.250000e-01 : f32
    %mul3A_250 = vector.broadcast %mul3A_249 : f32 to vector<16xf32>
    %mul3A_251 = arith.mulf %get3A_248, %mul3A_250 : vector<16xf32>
    %get3A_252 = arith.constant 48 : index
    %get3A_253 = tpu.vector_load %arg7[%get3A_252] {strides = array<i32>} : memref<64xf32, #tpu.memory_space<vmem>>, vector<16xf32>,
    %get3A_254 = vector.shape_cast %get3A_253 : vector<16xf32> to vector<16xf32>
    %mul3A_255 = arith.constant 1.250000e-01 : f32
    %mul3A_256 = vector.broadcast %mul3A_255 : f32 to vector<16xf32>
    %mul3A_257 = arith.mulf %get3A_254, %mul3A_256 : vector<16xf32>
    %convert_element_type3A_258 = arith.fptosi %mul3A_251 : vector<16xf32> to vector<16xi32>
    %convert_element_type3A_259 = arith.fptosi %mul3A_257 : vector<16xf32> to vector<16xi32>
    %convert_element_type3A_260 = arith.sitofp %convert_element_type3A_258 : vector<16xi32> to vector<16xf32>
    %convert_element_type3A_261 = arith.sitofp %convert_element_type3A_259 : vector<16xi32> to vector<16xf32>
    %broadcast_in_dim3A_262 = arith.constant 1 : i32
    %broadcast_in_dim3A_263 = vector.broadcast %broadcast_in_dim3A_262 : i32 to vector<16xi32>
    %broadcast_in_dim3A_264 = arith.constant 0 : i32
    %broadcast_in_dim3A_265 = vector.broadcast %broadcast_in_dim3A_264 : i32 to vector<16xi32>
    %gt3A_266 = arith.cmpf ogt, %mul3A_251, %convert_element_type3A_260 : vector<16xf32>
    %select_n3A_267 = arith.select %gt3A_266, %broadcast_in_dim3A_263, %broadcast_in_dim3A_265 : vector<16xi1>, vector<16xi32>
    %add3A_268 = arith.addi %convert_element_type3A_258, %select_n3A_267 : vector<16xi32>
    %gt3A_269 = arith.cmpf ogt, %mul3A_257, %convert_element_type3A_261 : vector<16xf32>
    %select_n3A_270 = arith.select %gt3A_269, %broadcast_in_dim3A_263, %broadcast_in_dim3A_265 : vector<16xi1>, vector<16xi32>
    %add3A_271 = arith.addi %convert_element_type3A_259, %select_n3A_270 : vector<16xi32>
    %mul3A_272 = arith.constant 96 : i32
    %mul3A_273 = vector.broadcast %mul3A_272 : i32 to vector<16xi32>
    %mul3A_274 = arith.muli %convert_element_type3A_259, %mul3A_273 : vector<16xi32>
    %mul3A_275 = arith.constant 9216 : i32
    %mul3A_276 = arith.muli %select_n3A, %mul3A_275 : i32
    %add3A_277 = vector.broadcast %mul3A_276 : i32 to vector<16xi32>
    %add3A_278 = arith.addi %mul3A_274, %add3A_277 : vector<16xi32>
    %mul3A_279 = arith.constant 96 : i32
    %mul3A_280 = vector.broadcast %mul3A_279 : i32 to vector<16xi32>
    %mul3A_281 = arith.muli %add3A_271, %mul3A_280 : vector<16xi32>
    %mul3A_282 = arith.constant 9216 : i32
    %mul3A_283 = arith.muli %select_n3A, %mul3A_282 : i32
    %add3A_284 = vector.broadcast %mul3A_283 : i32 to vector<16xi32>
    %add3A_285 = arith.addi %mul3A_281, %add3A_284 : vector<16xi32>
    %add3A_286 = arith.addi %add3A_278, %convert_element_type3A_258 : vector<16xi32>
    %swap3A_287 = arith.constant 0 : index
    %swap3A_288 = tpu.vector_load %arg8[%swap3A_287] {strides = array<i32>} : memref<64xi32, #tpu.memory_space<vmem>>, vector<16xi32>,
    %swap3A_289 = vector.shape_cast %swap3A_288 : vector<16xi32> to vector<16xi32>
    %swap3A_290 = vector.shape_cast %add3A_286 : vector<16xi32> to vector<16xi32>
    tpu.vector_store %arg8[%swap3A_287], %swap3A_290 {strides = array<i32>} : memref<64xi32, #tpu.memory_space<vmem>>, vector<16xi32>,
    %add3A_291 = arith.addi %add3A_285, %convert_element_type3A_258 : vector<16xi32>
    %swap3A_292 = arith.constant 16 : index
    %swap3A_293 = tpu.vector_load %arg8[%swap3A_292] {strides = array<i32>} : memref<64xi32, #tpu.memory_space<vmem>>, vector<16xi32>,
    %swap3A_294 = vector.shape_cast %swap3A_293 : vector<16xi32> to vector<16xi32>
    %swap3A_295 = vector.shape_cast %add3A_291 : vector<16xi32> to vector<16xi32>
    tpu.vector_store %arg8[%swap3A_292], %swap3A_295 {strides = array<i32>} : memref<64xi32, #tpu.memory_space<vmem>>, vector<16xi32>,
    %add3A_296 = arith.addi %add3A_278, %add3A_268 : vector<16xi32>
    %swap3A_297 = arith.constant 32 : index
    %swap3A_298 = tpu.vector_load %arg8[%swap3A_297] {strides = array<i32>} : memref<64xi32, #tpu.memory_space<vmem>>, vector<16xi32>,
    %swap3A_299 = vector.shape_cast %swap3A_298 : vector<16xi32> to vector<16xi32>
    %swap3A_300 = vector.shape_cast %add3A_296 : vector<16xi32> to vector<16xi32>
    tpu.vector_store %arg8[%swap3A_297], %swap3A_300 {strides = array<i32>} : memref<64xi32, #tpu.memory_space<vmem>>, vector<16xi32>,
    %add3A_301 = arith.addi %add3A_285, %add3A_268 : vector<16xi32>
    %swap3A_302 = arith.constant 48 : index
    %swap3A_303 = tpu.vector_load %arg8[%swap3A_302] {strides = array<i32>} : memref<64xi32, #tpu.memory_space<vmem>>, vector<16xi32>,
    %swap3A_304 = vector.shape_cast %swap3A_303 : vector<16xi32> to vector<16xi32>
    %swap3A_305 = vector.shape_cast %add3A_301 : vector<16xi32> to vector<16xi32>
    tpu.vector_store %arg8[%swap3A_302], %swap3A_305 {strides = array<i32>} : memref<64xi32, #tpu.memory_space<vmem>>, vector<16xi32>,
    %dma_start3A_306 = arith.constant 0 : i32
    %dma_start3A_307 = arith.constant 0 : i32
    %dma_start3A_308 = tpu.memref_slice %arg3[%dma_start3A_306, %dma_start3A_307] : memref<18432x256xf32, #tpu.memory_space<hbm>> -> memref<18432x256xf32, #tpu.memory_space<hbm>>
    tpu.enqueue_indirect_dma source(%dma_start3A_308 : memref<18432x256xf32, #tpu.memory_space<hbm>>) target(%arg11 : memref<64x256xf32, #tpu.memory_space<vmem>>) offsets(%arg8 : memref<64xi32, #tpu.memory_space<vmem>>) semaphore(%arg16 : memref<!tpu.dma_semaphore, #tpu.memory_space<semaphore_mem>>)
    %dma_wait3A_309 = arith.constant 0 : i32
    %dma_wait3A_310 = arith.constant 0 : i32
    %dma_wait3A_311 = tpu.memref_slice %arg4[%dma_wait3A_309, %dma_wait3A_310] : memref<4608x512xf32, #tpu.memory_space<hbm>> -> memref<4608x512xf32, #tpu.memory_space<hbm>>
    tpu.wait_indirect_dma semaphore(%arg17 : memref<!tpu.dma_semaphore, #tpu.memory_space<semaphore_mem>>) src(%dma_wait3A_311 : memref<4608x512xf32, #tpu.memory_space<hbm>>) dst(%arg12 : memref<64x512xf32, #tpu.memory_space<vmem>>)
    %get3A_312 = arith.constant 0 : index
    %get3A_313 = tpu.vector_load %arg7[%get3A_312] {strides = array<i32>} : memref<64xf32, #tpu.memory_space<vmem>>, vector<16xf32>,
    %get3A_314 = vector.shape_cast %get3A_313 : vector<16xf32> to vector<16xf32>
    %mul3A_315 = arith.constant 6.250000e-02 : f32
    %mul3A_316 = vector.broadcast %mul3A_315 : f32 to vector<16xf32>
    %mul3A_317 = arith.mulf %get3A_314, %mul3A_316 : vector<16xf32>
    %get3A_318 = arith.constant 32 : index
    %get3A_319 = tpu.vector_load %arg7[%get3A_318] {strides = array<i32>} : memref<64xf32, #tpu.memory_space<vmem>>, vector<16xf32>,
    %get3A_320 = vector.shape_cast %get3A_319 : vector<16xf32> to vector<16xf32>
    %mul3A_321 = arith.constant 6.250000e-02 : f32
    %mul3A_322 = vector.broadcast %mul3A_321 : f32 to vector<16xf32>
    %mul3A_323 = arith.mulf %get3A_320, %mul3A_322 : vector<16xf32>
    %convert_element_type3A_324 = arith.fptosi %mul3A_317 : vector<16xf32> to vector<16xi32>
    %convert_element_type3A_325 = arith.fptosi %mul3A_323 : vector<16xf32> to vector<16xi32>
    %convert_element_type3A_326 = arith.sitofp %convert_element_type3A_324 : vector<16xi32> to vector<16xf32>
    %convert_element_type3A_327 = arith.sitofp %convert_element_type3A_325 : vector<16xi32> to vector<16xf32>
    %broadcast_in_dim3A_328 = arith.constant 1 : i32
    %broadcast_in_dim3A_329 = vector.broadcast %broadcast_in_dim3A_328 : i32 to vector<16xi32>
    %broadcast_in_dim3A_330 = arith.constant 0 : i32
    %broadcast_in_dim3A_331 = vector.broadcast %broadcast_in_dim3A_330 : i32 to vector<16xi32>
    %gt3A_332 = arith.cmpf ogt, %mul3A_317, %convert_element_type3A_326 : vector<16xf32>
    %select_n3A_333 = arith.select %gt3A_332, %broadcast_in_dim3A_329, %broadcast_in_dim3A_331 : vector<16xi1>, vector<16xi32>
    %add3A_334 = arith.addi %convert_element_type3A_324, %select_n3A_333 : vector<16xi32>
    %gt3A_335 = arith.cmpf ogt, %mul3A_323, %convert_element_type3A_327 : vector<16xf32>
    %select_n3A_336 = arith.select %gt3A_335, %broadcast_in_dim3A_329, %broadcast_in_dim3A_331 : vector<16xi1>, vector<16xi32>
    %add3A_337 = arith.addi %convert_element_type3A_325, %select_n3A_336 : vector<16xi32>
    %sub3A_338 = arith.subf %mul3A_317, %convert_element_type3A_326 : vector<16xf32>
    %convert_element_type3A_339 = arith.sitofp %add3A_334 : vector<16xi32> to vector<16xf32>
    %sub3A_340 = arith.subf %convert_element_type3A_339, %mul3A_317 : vector<16xf32>
    %sub3A_341 = arith.subf %mul3A_323, %convert_element_type3A_327 : vector<16xf32>
    %convert_element_type3A_342 = arith.sitofp %add3A_337 : vector<16xi32> to vector<16xf32>
    %sub3A_343 = arith.subf %convert_element_type3A_342, %mul3A_323 : vector<16xf32>
    %mul3A_344 = arith.mulf %sub3A_340, %sub3A_343 : vector<16xf32>
    %mul3A_345 = arith.mulf %sub3A_340, %sub3A_341 : vector<16xf32>
    %mul3A_346 = arith.mulf %sub3A_338, %sub3A_343 : vector<16xf32>
    %mul3A_347 = arith.mulf %sub3A_338, %sub3A_341 : vector<16xf32>
    %parallel_loop3A_348 = arith.constant 0 : i32
    %parallel_loop3A_349 = arith.constant 16 : i32
    %parallel_loop3A_350 = arith.constant 1 : i32
    scf.for %parallel_loop3A_665 = %parallel_loop3A_348 to %parallel_loop3A_349 step %parallel_loop3A_350  : i32 {
      %parallel_loop3A_666 = arith.constant 0 : i32
      %parallel_loop3A_667 = vector.broadcast %parallel_loop3A_666 : i32 to vector<16xi32>
      %parallel_loop3A_668 = vector.broadcast %parallel_loop3A_665 : i32 to vector<16xi32>
      %parallel_loop3A_669 = arith.addi %parallel_loop3A_667, %parallel_loop3A_668 : vector<16xi32>
      %parallel_loop3A_670 = vector.shape_cast %parallel_loop3A_669 : vector<16xi32> to vector<16x1xi32>
      %parallel_loop3A_671 = vector.shape_cast %parallel_loop3A_670 : vector<16x1xi32> to vector<16xi32>
      %parallel_loop3A_672 = tpu.dynamic_gather %mul3A_344[%parallel_loop3A_671] in [0] : vector<16xf32>, vector<16xi32> -> vector<16xf32>
      %parallel_loop3A_673 = vector.shape_cast %parallel_loop3A_669 : vector<16xi32> to vector<16x1xi32>
      %parallel_loop3A_674 = vector.shape_cast %parallel_loop3A_673 : vector<16x1xi32> to vector<16xi32>
      %parallel_loop3A_675 = tpu.dynamic_gather %mul3A_345[%parallel_loop3A_674] in [0] : vector<16xf32>, vector<16xi32> -> vector<16xf32>
      %parallel_loop3A_676 = vector.shape_cast %parallel_loop3A_669 : vector<16xi32> to vector<16x1xi32>
      %parallel_loop3A_677 = vector.shape_cast %parallel_loop3A_676 : vector<16x1xi32> to vector<16xi32>
      %parallel_loop3A_678 = tpu.dynamic_gather %mul3A_346[%parallel_loop3A_677] in [0] : vector<16xf32>, vector<16xi32> -> vector<16xf32>
      %parallel_loop3A_679 = vector.shape_cast %parallel_loop3A_669 : vector<16xi32> to vector<16x1xi32>
      %parallel_loop3A_680 = vector.shape_cast %parallel_loop3A_679 : vector<16x1xi32> to vector<16xi32>
      %parallel_loop3A_681 = tpu.dynamic_gather %mul3A_347[%parallel_loop3A_680] in [0] : vector<16xf32>, vector<16xi32> -> vector<16xf32>
      %parallel_loop3A_682 = arith.constant 0 : i32
      %parallel_loop3A_683 = arith.constant 32 : i32
      %parallel_loop3A_684 = arith.constant 1 : i32
      scf.for %parallel_loop3A_685 = %parallel_loop3A_682 to %parallel_loop3A_683 step %parallel_loop3A_684  : i32 {
        %parallel_loop3A_686 = arith.constant 0 : i32
        %parallel_loop3A_687 = arith.addi %parallel_loop3A_686, %parallel_loop3A_665 : i32
        %parallel_loop3A_688 = arith.constant 16 : i32
        %parallel_loop3A_689 = arith.muli %parallel_loop3A_685, %parallel_loop3A_688 : i32
        %parallel_loop3A_690 = arith.index_cast %parallel_loop3A_687 : i32 to index
        %parallel_loop3A_691 = arith.index_cast %parallel_loop3A_689 : i32 to index
        %parallel_loop3A_692 = tpu.vector_load %arg12[%parallel_loop3A_690, %parallel_loop3A_691] {strides = array<i32>} : memref<64x512xf32, #tpu.memory_space<vmem>>, vector<1x16xf32>,
        %parallel_loop3A_693 = vector.shape_cast %parallel_loop3A_692 : vector<1x16xf32> to vector<16xf32>
        %parallel_loop3A_694 = arith.mulf %parallel_loop3A_672, %parallel_loop3A_693 : vector<16xf32>
        %parallel_loop3A_695 = arith.constant 16 : i32
        %parallel_loop3A_696 = arith.addi %parallel_loop3A_695, %parallel_loop3A_665 : i32
        %parallel_loop3A_697 = arith.constant 16 : i32
        %parallel_loop3A_698 = arith.muli %parallel_loop3A_685, %parallel_loop3A_697 : i32
        %parallel_loop3A_699 = arith.index_cast %parallel_loop3A_696 : i32 to index
        %parallel_loop3A_700 = arith.index_cast %parallel_loop3A_698 : i32 to index
        %parallel_loop3A_701 = tpu.vector_load %arg12[%parallel_loop3A_699, %parallel_loop3A_700] {strides = array<i32>} : memref<64x512xf32, #tpu.memory_space<vmem>>, vector<1x16xf32>,
        %parallel_loop3A_702 = vector.shape_cast %parallel_loop3A_701 : vector<1x16xf32> to vector<16xf32>
        %parallel_loop3A_703 = arith.mulf %parallel_loop3A_675, %parallel_loop3A_702 : vector<16xf32>
        %parallel_loop3A_704 = arith.addf %parallel_loop3A_694, %parallel_loop3A_703 : vector<16xf32>
        %parallel_loop3A_705 = arith.constant 32 : i32
        %parallel_loop3A_706 = arith.addi %parallel_loop3A_705, %parallel_loop3A_665 : i32
        %parallel_loop3A_707 = arith.constant 16 : i32
        %parallel_loop3A_708 = arith.muli %parallel_loop3A_685, %parallel_loop3A_707 : i32
        %parallel_loop3A_709 = arith.index_cast %parallel_loop3A_706 : i32 to index
        %parallel_loop3A_710 = arith.index_cast %parallel_loop3A_708 : i32 to index
        %parallel_loop3A_711 = tpu.vector_load %arg12[%parallel_loop3A_709, %parallel_loop3A_710] {strides = array<i32>} : memref<64x512xf32, #tpu.memory_space<vmem>>, vector<1x16xf32>,
        %parallel_loop3A_712 = vector.shape_cast %parallel_loop3A_711 : vector<1x16xf32> to vector<16xf32>
        %parallel_loop3A_713 = arith.mulf %parallel_loop3A_678, %parallel_loop3A_712 : vector<16xf32>
        %parallel_loop3A_714 = arith.addf %parallel_loop3A_704, %parallel_loop3A_713 : vector<16xf32>
        %parallel_loop3A_715 = arith.constant 48 : i32
        %parallel_loop3A_716 = arith.addi %parallel_loop3A_715, %parallel_loop3A_665 : i32
        %parallel_loop3A_717 = arith.constant 16 : i32
        %parallel_loop3A_718 = arith.muli %parallel_loop3A_685, %parallel_loop3A_717 : i32
        %parallel_loop3A_719 = arith.index_cast %parallel_loop3A_716 : i32 to index
        %parallel_loop3A_720 = arith.index_cast %parallel_loop3A_718 : i32 to index
        %parallel_loop3A_721 = tpu.vector_load %arg12[%parallel_loop3A_719, %parallel_loop3A_720] {strides = array<i32>} : memref<64x512xf32, #tpu.memory_space<vmem>>, vector<1x16xf32>,
        %parallel_loop3A_722 = vector.shape_cast %parallel_loop3A_721 : vector<1x16xf32> to vector<16xf32>
        %parallel_loop3A_723 = arith.mulf %parallel_loop3A_681, %parallel_loop3A_722 : vector<16xf32>
        %parallel_loop3A_724 = arith.addf %parallel_loop3A_714, %parallel_loop3A_723 : vector<16xf32>
        %parallel_loop3A_725 = arith.constant 16 : i32
        %parallel_loop3A_726 = arith.muli %parallel_loop3A_685, %parallel_loop3A_725 : i32
        %parallel_loop3A_727 = arith.constant 256 : i32
        %parallel_loop3A_728 = arith.addi %parallel_loop3A_727, %parallel_loop3A_726 : i32
        %parallel_loop3A_729 = arith.index_cast %parallel_loop3A_665 : i32 to index
        %parallel_loop3A_730 = arith.index_cast %parallel_loop3A_728 : i32 to index
        %parallel_loop3A_731 = tpu.vector_load %arg14[%parallel_loop3A_729, %parallel_loop3A_730] {strides = array<i32>} : memref<16x1280xf32, #tpu.memory_space<vmem>>, vector<1x16xf32>,
        %parallel_loop3A_732 = vector.shape_cast %parallel_loop3A_731 : vector<1x16xf32> to vector<16xf32>
        %parallel_loop3A_733 = vector.shape_cast %parallel_loop3A_724 : vector<16xf32> to vector<1x16xf32>
        tpu.vector_store %arg14[%parallel_loop3A_729, %parallel_loop3A_730], %parallel_loop3A_733 {strides = array<i32>} : memref<16x1280xf32, #tpu.memory_space<vmem>>, vector<1x16xf32>,
      } {sc.loop_unroll_factor = 8 : i64, sc.parallel_access}
    } {sc.loop_unroll_factor = 1 : i64, sc.parallel_access}
    %get3A_351 = arith.constant 16 : index
    %get3A_352 = tpu.vector_load %arg7[%get3A_351] {strides = array<i32>} : memref<64xf32, #tpu.memory_space<vmem>>, vector<16xf32>,
    %get3A_353 = vector.shape_cast %get3A_352 : vector<16xf32> to vector<16xf32>
    %mul3A_354 = arith.constant 6.250000e-02 : f32
    %mul3A_355 = vector.broadcast %mul3A_354 : f32 to vector<16xf32>
    %mul3A_356 = arith.mulf %get3A_353, %mul3A_355 : vector<16xf32>
    %get3A_357 = arith.constant 48 : index
    %get3A_358 = tpu.vector_load %arg7[%get3A_357] {strides = array<i32>} : memref<64xf32, #tpu.memory_space<vmem>>, vector<16xf32>,
    %get3A_359 = vector.shape_cast %get3A_358 : vector<16xf32> to vector<16xf32>
    %mul3A_360 = arith.constant 6.250000e-02 : f32
    %mul3A_361 = vector.broadcast %mul3A_360 : f32 to vector<16xf32>
    %mul3A_362 = arith.mulf %get3A_359, %mul3A_361 : vector<16xf32>
    %convert_element_type3A_363 = arith.fptosi %mul3A_356 : vector<16xf32> to vector<16xi32>
    %convert_element_type3A_364 = arith.fptosi %mul3A_362 : vector<16xf32> to vector<16xi32>
    %convert_element_type3A_365 = arith.sitofp %convert_element_type3A_363 : vector<16xi32> to vector<16xf32>
    %convert_element_type3A_366 = arith.sitofp %convert_element_type3A_364 : vector<16xi32> to vector<16xf32>
    %broadcast_in_dim3A_367 = arith.constant 1 : i32
    %broadcast_in_dim3A_368 = vector.broadcast %broadcast_in_dim3A_367 : i32 to vector<16xi32>
    %broadcast_in_dim3A_369 = arith.constant 0 : i32
    %broadcast_in_dim3A_370 = vector.broadcast %broadcast_in_dim3A_369 : i32 to vector<16xi32>
    %gt3A_371 = arith.cmpf ogt, %mul3A_356, %convert_element_type3A_365 : vector<16xf32>
    %select_n3A_372 = arith.select %gt3A_371, %broadcast_in_dim3A_368, %broadcast_in_dim3A_370 : vector<16xi1>, vector<16xi32>
    %add3A_373 = arith.addi %convert_element_type3A_363, %select_n3A_372 : vector<16xi32>
    %gt3A_374 = arith.cmpf ogt, %mul3A_362, %convert_element_type3A_366 : vector<16xf32>
    %select_n3A_375 = arith.select %gt3A_374, %broadcast_in_dim3A_368, %broadcast_in_dim3A_370 : vector<16xi1>, vector<16xi32>
    %add3A_376 = arith.addi %convert_element_type3A_364, %select_n3A_375 : vector<16xi32>
    %mul3A_377 = arith.constant 48 : i32
    %mul3A_378 = vector.broadcast %mul3A_377 : i32 to vector<16xi32>
    %mul3A_379 = arith.muli %convert_element_type3A_364, %mul3A_378 : vector<16xi32>
    %mul3A_380 = arith.constant 2304 : i32
    %mul3A_381 = arith.muli %select_n3A, %mul3A_380 : i32
    %add3A_382 = vector.broadcast %mul3A_381 : i32 to vector<16xi32>
    %add3A_383 = arith.addi %mul3A_379, %add3A_382 : vector<16xi32>
    %mul3A_384 = arith.constant 48 : i32
    %mul3A_385 = vector.broadcast %mul3A_384 : i32 to vector<16xi32>
    %mul3A_386 = arith.muli %add3A_376, %mul3A_385 : vector<16xi32>
    %mul3A_387 = arith.constant 2304 : i32
    %mul3A_388 = arith.muli %select_n3A, %mul3A_387 : i32
    %add3A_389 = vector.broadcast %mul3A_388 : i32 to vector<16xi32>
    %add3A_390 = arith.addi %mul3A_386, %add3A_389 : vector<16xi32>
    %add3A_391 = arith.addi %add3A_383, %convert_element_type3A_363 : vector<16xi32>
    %swap3A_392 = arith.constant 0 : index
    %swap3A_393 = tpu.vector_load %arg9[%swap3A_392] {strides = array<i32>} : memref<64xi32, #tpu.memory_space<vmem>>, vector<16xi32>,
    %swap3A_394 = vector.shape_cast %swap3A_393 : vector<16xi32> to vector<16xi32>
    %swap3A_395 = vector.shape_cast %add3A_391 : vector<16xi32> to vector<16xi32>
    tpu.vector_store %arg9[%swap3A_392], %swap3A_395 {strides = array<i32>} : memref<64xi32, #tpu.memory_space<vmem>>, vector<16xi32>,
    %add3A_396 = arith.addi %add3A_390, %convert_element_type3A_363 : vector<16xi32>
    %swap3A_397 = arith.constant 16 : index
    %swap3A_398 = tpu.vector_load %arg9[%swap3A_397] {strides = array<i32>} : memref<64xi32, #tpu.memory_space<vmem>>, vector<16xi32>,
    %swap3A_399 = vector.shape_cast %swap3A_398 : vector<16xi32> to vector<16xi32>
    %swap3A_400 = vector.shape_cast %add3A_396 : vector<16xi32> to vector<16xi32>
    tpu.vector_store %arg9[%swap3A_397], %swap3A_400 {strides = array<i32>} : memref<64xi32, #tpu.memory_space<vmem>>, vector<16xi32>,
    %add3A_401 = arith.addi %add3A_383, %add3A_373 : vector<16xi32>
    %swap3A_402 = arith.constant 32 : index
    %swap3A_403 = tpu.vector_load %arg9[%swap3A_402] {strides = array<i32>} : memref<64xi32, #tpu.memory_space<vmem>>, vector<16xi32>,
    %swap3A_404 = vector.shape_cast %swap3A_403 : vector<16xi32> to vector<16xi32>
    %swap3A_405 = vector.shape_cast %add3A_401 : vector<16xi32> to vector<16xi32>
    tpu.vector_store %arg9[%swap3A_402], %swap3A_405 {strides = array<i32>} : memref<64xi32, #tpu.memory_space<vmem>>, vector<16xi32>,
    %add3A_406 = arith.addi %add3A_390, %add3A_373 : vector<16xi32>
    %swap3A_407 = arith.constant 48 : index
    %swap3A_408 = tpu.vector_load %arg9[%swap3A_407] {strides = array<i32>} : memref<64xi32, #tpu.memory_space<vmem>>, vector<16xi32>,
    %swap3A_409 = vector.shape_cast %swap3A_408 : vector<16xi32> to vector<16xi32>
    %swap3A_410 = vector.shape_cast %add3A_406 : vector<16xi32> to vector<16xi32>
    tpu.vector_store %arg9[%swap3A_407], %swap3A_410 {strides = array<i32>} : memref<64xi32, #tpu.memory_space<vmem>>, vector<16xi32>,
    %dma_start3A_411 = arith.constant 0 : i32
    %dma_start3A_412 = arith.constant 0 : i32
    %dma_start3A_413 = tpu.memref_slice %arg4[%dma_start3A_411, %dma_start3A_412] : memref<4608x512xf32, #tpu.memory_space<hbm>> -> memref<4608x512xf32, #tpu.memory_space<hbm>>
    tpu.enqueue_indirect_dma source(%dma_start3A_413 : memref<4608x512xf32, #tpu.memory_space<hbm>>) target(%arg12 : memref<64x512xf32, #tpu.memory_space<vmem>>) offsets(%arg9 : memref<64xi32, #tpu.memory_space<vmem>>) semaphore(%arg17 : memref<!tpu.dma_semaphore, #tpu.memory_space<semaphore_mem>>)
    %dma_wait3A_414 = arith.constant 0 : i32
    %dma_wait3A_415 = arith.constant 0 : i32
    %dma_wait3A_416 = tpu.memref_slice %arg5[%dma_wait3A_414, %dma_wait3A_415] : memref<1152x512xf32, #tpu.memory_space<hbm>> -> memref<1152x512xf32, #tpu.memory_space<hbm>>
    tpu.wait_indirect_dma semaphore(%arg18 : memref<!tpu.dma_semaphore, #tpu.memory_space<semaphore_mem>>) src(%dma_wait3A_416 : memref<1152x512xf32, #tpu.memory_space<hbm>>) dst(%arg13 : memref<64x512xf32, #tpu.memory_space<vmem>>)
    %get3A_417 = arith.constant 0 : index
    %get3A_418 = tpu.vector_load %arg7[%get3A_417] {strides = array<i32>} : memref<64xf32, #tpu.memory_space<vmem>>, vector<16xf32>,
    %get3A_419 = vector.shape_cast %get3A_418 : vector<16xf32> to vector<16xf32>
    %mul3A_420 = arith.constant 3.125000e-02 : f32
    %mul3A_421 = vector.broadcast %mul3A_420 : f32 to vector<16xf32>
    %mul3A_422 = arith.mulf %get3A_419, %mul3A_421 : vector<16xf32>
    %get3A_423 = arith.constant 32 : index
    %get3A_424 = tpu.vector_load %arg7[%get3A_423] {strides = array<i32>} : memref<64xf32, #tpu.memory_space<vmem>>, vector<16xf32>,
    %get3A_425 = vector.shape_cast %get3A_424 : vector<16xf32> to vector<16xf32>
    %mul3A_426 = arith.constant 3.125000e-02 : f32
    %mul3A_427 = vector.broadcast %mul3A_426 : f32 to vector<16xf32>
    %mul3A_428 = arith.mulf %get3A_425, %mul3A_427 : vector<16xf32>
    %convert_element_type3A_429 = arith.fptosi %mul3A_422 : vector<16xf32> to vector<16xi32>
    %convert_element_type3A_430 = arith.fptosi %mul3A_428 : vector<16xf32> to vector<16xi32>
    %convert_element_type3A_431 = arith.sitofp %convert_element_type3A_429 : vector<16xi32> to vector<16xf32>
    %convert_element_type3A_432 = arith.sitofp %convert_element_type3A_430 : vector<16xi32> to vector<16xf32>
    %broadcast_in_dim3A_433 = arith.constant 1 : i32
    %broadcast_in_dim3A_434 = vector.broadcast %broadcast_in_dim3A_433 : i32 to vector<16xi32>
    %broadcast_in_dim3A_435 = arith.constant 0 : i32
    %broadcast_in_dim3A_436 = vector.broadcast %broadcast_in_dim3A_435 : i32 to vector<16xi32>
    %gt3A_437 = arith.cmpf ogt, %mul3A_422, %convert_element_type3A_431 : vector<16xf32>
    %select_n3A_438 = arith.select %gt3A_437, %broadcast_in_dim3A_434, %broadcast_in_dim3A_436 : vector<16xi1>, vector<16xi32>
    %add3A_439 = arith.addi %convert_element_type3A_429, %select_n3A_438 : vector<16xi32>
    %gt3A_440 = arith.cmpf ogt, %mul3A_428, %convert_element_type3A_432 : vector<16xf32>
    %select_n3A_441 = arith.select %gt3A_440, %broadcast_in_dim3A_434, %broadcast_in_dim3A_436 : vector<16xi1>, vector<16xi32>
    %add3A_442 = arith.addi %convert_element_type3A_430, %select_n3A_441 : vector<16xi32>
    %sub3A_443 = arith.subf %mul3A_422, %convert_element_type3A_431 : vector<16xf32>
    %convert_element_type3A_444 = arith.sitofp %add3A_439 : vector<16xi32> to vector<16xf32>
    %sub3A_445 = arith.subf %convert_element_type3A_444, %mul3A_422 : vector<16xf32>
    %sub3A_446 = arith.subf %mul3A_428, %convert_element_type3A_432 : vector<16xf32>
    %convert_element_type3A_447 = arith.sitofp %add3A_442 : vector<16xi32> to vector<16xf32>
    %sub3A_448 = arith.subf %convert_element_type3A_447, %mul3A_428 : vector<16xf32>
    %mul3A_449 = arith.mulf %sub3A_445, %sub3A_448 : vector<16xf32>
    %mul3A_450 = arith.mulf %sub3A_445, %sub3A_446 : vector<16xf32>
    %mul3A_451 = arith.mulf %sub3A_443, %sub3A_448 : vector<16xf32>
    %mul3A_452 = arith.mulf %sub3A_443, %sub3A_446 : vector<16xf32>
    %parallel_loop3A_453 = arith.constant 0 : i32
    %parallel_loop3A_454 = arith.constant 16 : i32
    %parallel_loop3A_455 = arith.constant 1 : i32
    scf.for %parallel_loop3A_665 = %parallel_loop3A_453 to %parallel_loop3A_454 step %parallel_loop3A_455  : i32 {
      %parallel_loop3A_666 = arith.constant 0 : i32
      %parallel_loop3A_667 = vector.broadcast %parallel_loop3A_666 : i32 to vector<16xi32>
      %parallel_loop3A_668 = vector.broadcast %parallel_loop3A_665 : i32 to vector<16xi32>
      %parallel_loop3A_669 = arith.addi %parallel_loop3A_667, %parallel_loop3A_668 : vector<16xi32>
      %parallel_loop3A_670 = vector.shape_cast %parallel_loop3A_669 : vector<16xi32> to vector<16x1xi32>
      %parallel_loop3A_671 = vector.shape_cast %parallel_loop3A_670 : vector<16x1xi32> to vector<16xi32>
      %parallel_loop3A_672 = tpu.dynamic_gather %mul3A_449[%parallel_loop3A_671] in [0] : vector<16xf32>, vector<16xi32> -> vector<16xf32>
      %parallel_loop3A_673 = vector.shape_cast %parallel_loop3A_669 : vector<16xi32> to vector<16x1xi32>
      %parallel_loop3A_674 = vector.shape_cast %parallel_loop3A_673 : vector<16x1xi32> to vector<16xi32>
      %parallel_loop3A_675 = tpu.dynamic_gather %mul3A_450[%parallel_loop3A_674] in [0] : vector<16xf32>, vector<16xi32> -> vector<16xf32>
      %parallel_loop3A_676 = vector.shape_cast %parallel_loop3A_669 : vector<16xi32> to vector<16x1xi32>
      %parallel_loop3A_677 = vector.shape_cast %parallel_loop3A_676 : vector<16x1xi32> to vector<16xi32>
      %parallel_loop3A_678 = tpu.dynamic_gather %mul3A_451[%parallel_loop3A_677] in [0] : vector<16xf32>, vector<16xi32> -> vector<16xf32>
      %parallel_loop3A_679 = vector.shape_cast %parallel_loop3A_669 : vector<16xi32> to vector<16x1xi32>
      %parallel_loop3A_680 = vector.shape_cast %parallel_loop3A_679 : vector<16x1xi32> to vector<16xi32>
      %parallel_loop3A_681 = tpu.dynamic_gather %mul3A_452[%parallel_loop3A_680] in [0] : vector<16xf32>, vector<16xi32> -> vector<16xf32>
      %parallel_loop3A_682 = arith.constant 0 : i32
      %parallel_loop3A_683 = arith.constant 32 : i32
      %parallel_loop3A_684 = arith.constant 1 : i32
      scf.for %parallel_loop3A_685 = %parallel_loop3A_682 to %parallel_loop3A_683 step %parallel_loop3A_684  : i32 {
        %parallel_loop3A_686 = arith.constant 0 : i32
        %parallel_loop3A_687 = arith.addi %parallel_loop3A_686, %parallel_loop3A_665 : i32
        %parallel_loop3A_688 = arith.constant 16 : i32
        %parallel_loop3A_689 = arith.muli %parallel_loop3A_685, %parallel_loop3A_688 : i32
        %parallel_loop3A_690 = arith.index_cast %parallel_loop3A_687 : i32 to index
        %parallel_loop3A_691 = arith.index_cast %parallel_loop3A_689 : i32 to index
        %parallel_loop3A_692 = tpu.vector_load %arg13[%parallel_loop3A_690, %parallel_loop3A_691] {strides = array<i32>} : memref<64x512xf32, #tpu.memory_space<vmem>>, vector<1x16xf32>,
        %parallel_loop3A_693 = vector.shape_cast %parallel_loop3A_692 : vector<1x16xf32> to vector<16xf32>
        %parallel_loop3A_694 = arith.mulf %parallel_loop3A_672, %parallel_loop3A_693 : vector<16xf32>
        %parallel_loop3A_695 = arith.constant 16 : i32
        %parallel_loop3A_696 = arith.addi %parallel_loop3A_695, %parallel_loop3A_665 : i32
        %parallel_loop3A_697 = arith.constant 16 : i32
        %parallel_loop3A_698 = arith.muli %parallel_loop3A_685, %parallel_loop3A_697 : i32
        %parallel_loop3A_699 = arith.index_cast %parallel_loop3A_696 : i32 to index
        %parallel_loop3A_700 = arith.index_cast %parallel_loop3A_698 : i32 to index
        %parallel_loop3A_701 = tpu.vector_load %arg13[%parallel_loop3A_699, %parallel_loop3A_700] {strides = array<i32>} : memref<64x512xf32, #tpu.memory_space<vmem>>, vector<1x16xf32>,
        %parallel_loop3A_702 = vector.shape_cast %parallel_loop3A_701 : vector<1x16xf32> to vector<16xf32>
        %parallel_loop3A_703 = arith.mulf %parallel_loop3A_675, %parallel_loop3A_702 : vector<16xf32>
        %parallel_loop3A_704 = arith.addf %parallel_loop3A_694, %parallel_loop3A_703 : vector<16xf32>
        %parallel_loop3A_705 = arith.constant 32 : i32
        %parallel_loop3A_706 = arith.addi %parallel_loop3A_705, %parallel_loop3A_665 : i32
        %parallel_loop3A_707 = arith.constant 16 : i32
        %parallel_loop3A_708 = arith.muli %parallel_loop3A_685, %parallel_loop3A_707 : i32
        %parallel_loop3A_709 = arith.index_cast %parallel_loop3A_706 : i32 to index
        %parallel_loop3A_710 = arith.index_cast %parallel_loop3A_708 : i32 to index
        %parallel_loop3A_711 = tpu.vector_load %arg13[%parallel_loop3A_709, %parallel_loop3A_710] {strides = array<i32>} : memref<64x512xf32, #tpu.memory_space<vmem>>, vector<1x16xf32>,
        %parallel_loop3A_712 = vector.shape_cast %parallel_loop3A_711 : vector<1x16xf32> to vector<16xf32>
        %parallel_loop3A_713 = arith.mulf %parallel_loop3A_678, %parallel_loop3A_712 : vector<16xf32>
        %parallel_loop3A_714 = arith.addf %parallel_loop3A_704, %parallel_loop3A_713 : vector<16xf32>
        %parallel_loop3A_715 = arith.constant 48 : i32
        %parallel_loop3A_716 = arith.addi %parallel_loop3A_715, %parallel_loop3A_665 : i32
        %parallel_loop3A_717 = arith.constant 16 : i32
        %parallel_loop3A_718 = arith.muli %parallel_loop3A_685, %parallel_loop3A_717 : i32
        %parallel_loop3A_719 = arith.index_cast %parallel_loop3A_716 : i32 to index
        %parallel_loop3A_720 = arith.index_cast %parallel_loop3A_718 : i32 to index
        %parallel_loop3A_721 = tpu.vector_load %arg13[%parallel_loop3A_719, %parallel_loop3A_720] {strides = array<i32>} : memref<64x512xf32, #tpu.memory_space<vmem>>, vector<1x16xf32>,
        %parallel_loop3A_722 = vector.shape_cast %parallel_loop3A_721 : vector<1x16xf32> to vector<16xf32>
        %parallel_loop3A_723 = arith.mulf %parallel_loop3A_681, %parallel_loop3A_722 : vector<16xf32>
        %parallel_loop3A_724 = arith.addf %parallel_loop3A_714, %parallel_loop3A_723 : vector<16xf32>
        %parallel_loop3A_725 = arith.constant 16 : i32
        %parallel_loop3A_726 = arith.muli %parallel_loop3A_685, %parallel_loop3A_725 : i32
        %parallel_loop3A_727 = arith.constant 768 : i32
        %parallel_loop3A_728 = arith.addi %parallel_loop3A_727, %parallel_loop3A_726 : i32
        %parallel_loop3A_729 = arith.index_cast %parallel_loop3A_665 : i32 to index
        %parallel_loop3A_730 = arith.index_cast %parallel_loop3A_728 : i32 to index
        %parallel_loop3A_731 = tpu.vector_load %arg14[%parallel_loop3A_729, %parallel_loop3A_730] {strides = array<i32>} : memref<16x1280xf32, #tpu.memory_space<vmem>>, vector<1x16xf32>,
        %parallel_loop3A_732 = vector.shape_cast %parallel_loop3A_731 : vector<1x16xf32> to vector<16xf32>
        %parallel_loop3A_733 = vector.shape_cast %parallel_loop3A_724 : vector<16xf32> to vector<1x16xf32>
        tpu.vector_store %arg14[%parallel_loop3A_729, %parallel_loop3A_730], %parallel_loop3A_733 {strides = array<i32>} : memref<16x1280xf32, #tpu.memory_space<vmem>>, vector<1x16xf32>,
      } {sc.loop_unroll_factor = 8 : i64, sc.parallel_access}
    } {sc.loop_unroll_factor = 1 : i64, sc.parallel_access}
    %get3A_456 = arith.constant 16 : index
    %get3A_457 = tpu.vector_load %arg7[%get3A_456] {strides = array<i32>} : memref<64xf32, #tpu.memory_space<vmem>>, vector<16xf32>,
    %get3A_458 = vector.shape_cast %get3A_457 : vector<16xf32> to vector<16xf32>
    %mul3A_459 = arith.constant 3.125000e-02 : f32
    %mul3A_460 = vector.broadcast %mul3A_459 : f32 to vector<16xf32>
    %mul3A_461 = arith.mulf %get3A_458, %mul3A_460 : vector<16xf32>
    %get3A_462 = arith.constant 48 : index
    %get3A_463 = tpu.vector_load %arg7[%get3A_462] {strides = array<i32>} : memref<64xf32, #tpu.memory_space<vmem>>, vector<16xf32>,
    %get3A_464 = vector.shape_cast %get3A_463 : vector<16xf32> to vector<16xf32>
    %mul3A_465 = arith.constant 3.125000e-02 : f32
    %mul3A_466 = vector.broadcast %mul3A_465 : f32 to vector<16xf32>
    %mul3A_467 = arith.mulf %get3A_464, %mul3A_466 : vector<16xf32>
    %convert_element_type3A_468 = arith.fptosi %mul3A_461 : vector<16xf32> to vector<16xi32>
    %convert_element_type3A_469 = arith.fptosi %mul3A_467 : vector<16xf32> to vector<16xi32>
    %convert_element_type3A_470 = arith.sitofp %convert_element_type3A_468 : vector<16xi32> to vector<16xf32>
    %convert_element_type3A_471 = arith.sitofp %convert_element_type3A_469 : vector<16xi32> to vector<16xf32>
    %broadcast_in_dim3A_472 = arith.constant 1 : i32
    %broadcast_in_dim3A_473 = vector.broadcast %broadcast_in_dim3A_472 : i32 to vector<16xi32>
    %broadcast_in_dim3A_474 = arith.constant 0 : i32
    %broadcast_in_dim3A_475 = vector.broadcast %broadcast_in_dim3A_474 : i32 to vector<16xi32>
    %gt3A_476 = arith.cmpf ogt, %mul3A_461, %convert_element_type3A_470 : vector<16xf32>
    %select_n3A_477 = arith.select %gt3A_476, %broadcast_in_dim3A_473, %broadcast_in_dim3A_475 : vector<16xi1>, vector<16xi32>
    %add3A_478 = arith.addi %convert_element_type3A_468, %select_n3A_477 : vector<16xi32>
    %gt3A_479 = arith.cmpf ogt, %mul3A_467, %convert_element_type3A_471 : vector<16xf32>
    %select_n3A_480 = arith.select %gt3A_479, %broadcast_in_dim3A_473, %broadcast_in_dim3A_475 : vector<16xi1>, vector<16xi32>
    %add3A_481 = arith.addi %convert_element_type3A_469, %select_n3A_480 : vector<16xi32>
    %mul3A_482 = arith.constant 24 : i32
    %mul3A_483 = vector.broadcast %mul3A_482 : i32 to vector<16xi32>
    %mul3A_484 = arith.muli %convert_element_type3A_469, %mul3A_483 : vector<16xi32>
    %mul3A_485 = arith.constant 576 : i32
    %mul3A_486 = arith.muli %select_n3A, %mul3A_485 : i32
    %add3A_487 = vector.broadcast %mul3A_486 : i32 to vector<16xi32>
    %add3A_488 = arith.addi %mul3A_484, %add3A_487 : vector<16xi32>
    %mul3A_489 = arith.constant 24 : i32
    %mul3A_490 = vector.broadcast %mul3A_489 : i32 to vector<16xi32>
    %mul3A_491 = arith.muli %add3A_481, %mul3A_490 : vector<16xi32>
    %mul3A_492 = arith.constant 576 : i32
    %mul3A_493 = arith.muli %select_n3A, %mul3A_492 : i32
    %add3A_494 = vector.broadcast %mul3A_493 : i32 to vector<16xi32>
    %add3A_495 = arith.addi %mul3A_491, %add3A_494 : vector<16xi32>
    %add3A_496 = arith.addi %add3A_488, %convert_element_type3A_468 : vector<16xi32>
    %swap3A_497 = arith.constant 0 : index
    %swap3A_498 = tpu.vector_load %arg10[%swap3A_497] {strides = array<i32>} : memref<64xi32, #tpu.memory_space<vmem>>, vector<16xi32>,
    %swap3A_499 = vector.shape_cast %swap3A_498 : vector<16xi32> to vector<16xi32>
    %swap3A_500 = vector.shape_cast %add3A_496 : vector<16xi32> to vector<16xi32>
    tpu.vector_store %arg10[%swap3A_497], %swap3A_500 {strides = array<i32>} : memref<64xi32, #tpu.memory_space<vmem>>, vector<16xi32>,
    %add3A_501 = arith.addi %add3A_495, %convert_element_type3A_468 : vector<16xi32>
    %swap3A_502 = arith.constant 16 : index
    %swap3A_503 = tpu.vector_load %arg10[%swap3A_502] {strides = array<i32>} : memref<64xi32, #tpu.memory_space<vmem>>, vector<16xi32>,
    %swap3A_504 = vector.shape_cast %swap3A_503 : vector<16xi32> to vector<16xi32>
    %swap3A_505 = vector.shape_cast %add3A_501 : vector<16xi32> to vector<16xi32>
    tpu.vector_store %arg10[%swap3A_502], %swap3A_505 {strides = array<i32>} : memref<64xi32, #tpu.memory_space<vmem>>, vector<16xi32>,
    %add3A_506 = arith.addi %add3A_488, %add3A_478 : vector<16xi32>
    %swap3A_507 = arith.constant 32 : index
    %swap3A_508 = tpu.vector_load %arg10[%swap3A_507] {strides = array<i32>} : memref<64xi32, #tpu.memory_space<vmem>>, vector<16xi32>,
    %swap3A_509 = vector.shape_cast %swap3A_508 : vector<16xi32> to vector<16xi32>
    %swap3A_510 = vector.shape_cast %add3A_506 : vector<16xi32> to vector<16xi32>
    tpu.vector_store %arg10[%swap3A_507], %swap3A_510 {strides = array<i32>} : memref<64xi32, #tpu.memory_space<vmem>>, vector<16xi32>,
    %add3A_511 = arith.addi %add3A_495, %add3A_478 : vector<16xi32>
    %swap3A_512 = arith.constant 48 : index
    %swap3A_513 = tpu.vector_load %arg10[%swap3A_512] {strides = array<i32>} : memref<64xi32, #tpu.memory_space<vmem>>, vector<16xi32>,
    %swap3A_514 = vector.shape_cast %swap3A_513 : vector<16xi32> to vector<16xi32>
    %swap3A_515 = vector.shape_cast %add3A_511 : vector<16xi32> to vector<16xi32>
    tpu.vector_store %arg10[%swap3A_512], %swap3A_515 {strides = array<i32>} : memref<64xi32, #tpu.memory_space<vmem>>, vector<16xi32>,
    %dma_start3A_516 = arith.constant 0 : i32
    %dma_start3A_517 = arith.constant 0 : i32
    %dma_start3A_518 = tpu.memref_slice %arg5[%dma_start3A_516, %dma_start3A_517] : memref<1152x512xf32, #tpu.memory_space<hbm>> -> memref<1152x512xf32, #tpu.memory_space<hbm>>
    tpu.enqueue_indirect_dma source(%dma_start3A_518 : memref<1152x512xf32, #tpu.memory_space<hbm>>) target(%arg13 : memref<64x512xf32, #tpu.memory_space<vmem>>) offsets(%arg10 : memref<64xi32, #tpu.memory_space<vmem>>) semaphore(%arg18 : memref<!tpu.dma_semaphore, #tpu.memory_space<semaphore_mem>>)
    %add3A_519 = arith.constant 0 : i32
    %add3A_520 = arith.addi %mul3A_2, %add3A_519 : i32
    %dma_start3A_521 = arith.constant 0 : i32
    %dma_start3A_522 = tpu.memref_slice %arg6[%add3A_520, %dma_start3A_521] : memref<1024x1280xf32, #tpu.memory_space<hbm>> -> memref<16x1280xf32, #tpu.memory_space<hbm>>
    %dma_start3A_523 = arith.constant 0 : i32
    %dma_start3A_524 = tpu.memref_slice %arg6[%add3A_520, %dma_start3A_523] : memref<1024x1280xf32, #tpu.memory_space<hbm>> -> memref<16x1280xf32, #tpu.memory_space<hbm>>
    tpu.enqueue_dma source(%arg14 : memref<16x1280xf32, #tpu.memory_space<vmem>>) target(%dma_start3A_524 : memref<16x1280xf32, #tpu.memory_space<hbm>>) target_semaphore(%arg19 : memref<!tpu.dma_semaphore, #tpu.memory_space<semaphore_mem>>)
    %dma_wait3A_525 = arith.constant 0 : i32
    %dma_wait3A_526 = arith.constant 0 : i32
    %dma_wait3A_527 = tpu.memref_slice %arg3[%dma_wait3A_525, %dma_wait3A_526] : memref<18432x256xf32, #tpu.memory_space<hbm>> -> memref<18432x256xf32, #tpu.memory_space<hbm>>
    tpu.wait_indirect_dma semaphore(%arg16 : memref<!tpu.dma_semaphore, #tpu.memory_space<semaphore_mem>>) src(%dma_wait3A_527 : memref<18432x256xf32, #tpu.memory_space<hbm>>) dst(%arg11 : memref<64x256xf32, #tpu.memory_space<vmem>>)
    %get3A_528 = arith.constant 16 : index
    %get3A_529 = tpu.vector_load %arg7[%get3A_528] {strides = array<i32>} : memref<64xf32, #tpu.memory_space<vmem>>, vector<16xf32>,
    %get3A_530 = vector.shape_cast %get3A_529 : vector<16xf32> to vector<16xf32>
    %mul3A_531 = arith.constant 1.250000e-01 : f32
    %mul3A_532 = vector.broadcast %mul3A_531 : f32 to vector<16xf32>
    %mul3A_533 = arith.mulf %get3A_530, %mul3A_532 : vector<16xf32>
    %get3A_534 = arith.constant 48 : index
    %get3A_535 = tpu.vector_load %arg7[%get3A_534] {strides = array<i32>} : memref<64xf32, #tpu.memory_space<vmem>>, vector<16xf32>,
    %get3A_536 = vector.shape_cast %get3A_535 : vector<16xf32> to vector<16xf32>
    %mul3A_537 = arith.constant 1.250000e-01 : f32
    %mul3A_538 = vector.broadcast %mul3A_537 : f32 to vector<16xf32>
    %mul3A_539 = arith.mulf %get3A_536, %mul3A_538 : vector<16xf32>
    %convert_element_type3A_540 = arith.fptosi %mul3A_533 : vector<16xf32> to vector<16xi32>
    %convert_element_type3A_541 = arith.fptosi %mul3A_539 : vector<16xf32> to vector<16xi32>
    %convert_element_type3A_542 = arith.sitofp %convert_element_type3A_540 : vector<16xi32> to vector<16xf32>
    %convert_element_type3A_543 = arith.sitofp %convert_element_type3A_541 : vector<16xi32> to vector<16xf32>
    %broadcast_in_dim3A_544 = arith.constant 1 : i32
    %broadcast_in_dim3A_545 = vector.broadcast %broadcast_in_dim3A_544 : i32 to vector<16xi32>
    %broadcast_in_dim3A_546 = arith.constant 0 : i32
    %broadcast_in_dim3A_547 = vector.broadcast %broadcast_in_dim3A_546 : i32 to vector<16xi32>
    %gt3A_548 = arith.cmpf ogt, %mul3A_533, %convert_element_type3A_542 : vector<16xf32>
    %select_n3A_549 = arith.select %gt3A_548, %broadcast_in_dim3A_545, %broadcast_in_dim3A_547 : vector<16xi1>, vector<16xi32>
    %add3A_550 = arith.addi %convert_element_type3A_540, %select_n3A_549 : vector<16xi32>
    %gt3A_551 = arith.cmpf ogt, %mul3A_539, %convert_element_type3A_543 : vector<16xf32>
    %select_n3A_552 = arith.select %gt3A_551, %broadcast_in_dim3A_545, %broadcast_in_dim3A_547 : vector<16xi1>, vector<16xi32>
    %add3A_553 = arith.addi %convert_element_type3A_541, %select_n3A_552 : vector<16xi32>
    %sub3A_554 = arith.subf %mul3A_533, %convert_element_type3A_542 : vector<16xf32>
    %convert_element_type3A_555 = arith.sitofp %add3A_550 : vector<16xi32> to vector<16xf32>
    %sub3A_556 = arith.subf %convert_element_type3A_555, %mul3A_533 : vector<16xf32>
    %sub3A_557 = arith.subf %mul3A_539, %convert_element_type3A_543 : vector<16xf32>
    %convert_element_type3A_558 = arith.sitofp %add3A_553 : vector<16xi32> to vector<16xf32>
    %sub3A_559 = arith.subf %convert_element_type3A_558, %mul3A_539 : vector<16xf32>
    %mul3A_560 = arith.mulf %sub3A_556, %sub3A_559 : vector<16xf32>
    %mul3A_561 = arith.mulf %sub3A_556, %sub3A_557 : vector<16xf32>
    %mul3A_562 = arith.mulf %sub3A_554, %sub3A_559 : vector<16xf32>
    %mul3A_563 = arith.mulf %sub3A_554, %sub3A_557 : vector<16xf32>
    %parallel_loop3A_564 = arith.constant 0 : i32
    %parallel_loop3A_565 = arith.constant 16 : i32
    %parallel_loop3A_566 = arith.constant 1 : i32
    scf.for %parallel_loop3A_665 = %parallel_loop3A_564 to %parallel_loop3A_565 step %parallel_loop3A_566  : i32 {
      %parallel_loop3A_666 = arith.constant 0 : i32
      %parallel_loop3A_667 = vector.broadcast %parallel_loop3A_666 : i32 to vector<16xi32>
      %parallel_loop3A_668 = vector.broadcast %parallel_loop3A_665 : i32 to vector<16xi32>
      %parallel_loop3A_669 = arith.addi %parallel_loop3A_667, %parallel_loop3A_668 : vector<16xi32>
      %parallel_loop3A_670 = vector.shape_cast %parallel_loop3A_669 : vector<16xi32> to vector<16x1xi32>
      %parallel_loop3A_671 = vector.shape_cast %parallel_loop3A_670 : vector<16x1xi32> to vector<16xi32>
      %parallel_loop3A_672 = tpu.dynamic_gather %mul3A_560[%parallel_loop3A_671] in [0] : vector<16xf32>, vector<16xi32> -> vector<16xf32>
      %parallel_loop3A_673 = vector.shape_cast %parallel_loop3A_669 : vector<16xi32> to vector<16x1xi32>
      %parallel_loop3A_674 = vector.shape_cast %parallel_loop3A_673 : vector<16x1xi32> to vector<16xi32>
      %parallel_loop3A_675 = tpu.dynamic_gather %mul3A_561[%parallel_loop3A_674] in [0] : vector<16xf32>, vector<16xi32> -> vector<16xf32>
      %parallel_loop3A_676 = vector.shape_cast %parallel_loop3A_669 : vector<16xi32> to vector<16x1xi32>
      %parallel_loop3A_677 = vector.shape_cast %parallel_loop3A_676 : vector<16x1xi32> to vector<16xi32>
      %parallel_loop3A_678 = tpu.dynamic_gather %mul3A_562[%parallel_loop3A_677] in [0] : vector<16xf32>, vector<16xi32> -> vector<16xf32>
      %parallel_loop3A_679 = vector.shape_cast %parallel_loop3A_669 : vector<16xi32> to vector<16x1xi32>
      %parallel_loop3A_680 = vector.shape_cast %parallel_loop3A_679 : vector<16x1xi32> to vector<16xi32>
      %parallel_loop3A_681 = tpu.dynamic_gather %mul3A_563[%parallel_loop3A_680] in [0] : vector<16xf32>, vector<16xi32> -> vector<16xf32>
      %parallel_loop3A_682 = arith.constant 0 : i32
      %parallel_loop3A_683 = arith.constant 16 : i32
      %parallel_loop3A_684 = arith.constant 1 : i32
      scf.for %parallel_loop3A_685 = %parallel_loop3A_682 to %parallel_loop3A_683 step %parallel_loop3A_684  : i32 {
        %parallel_loop3A_686 = arith.constant 0 : i32
        %parallel_loop3A_687 = arith.addi %parallel_loop3A_686, %parallel_loop3A_665 : i32
        %parallel_loop3A_688 = arith.constant 16 : i32
        %parallel_loop3A_689 = arith.muli %parallel_loop3A_685, %parallel_loop3A_688 : i32
        %parallel_loop3A_690 = arith.index_cast %parallel_loop3A_687 : i32 to index
        %parallel_loop3A_691 = arith.index_cast %parallel_loop3A_689 : i32 to index
        %parallel_loop3A_692 = tpu.vector_load %arg11[%parallel_loop3A_690, %parallel_loop3A_691] {strides = array<i32>} : memref<64x256xf32, #tpu.memory_space<vmem>>, vector<1x16xf32>,
        %parallel_loop3A_693 = vector.shape_cast %parallel_loop3A_692 : vector<1x16xf32> to vector<16xf32>
        %parallel_loop3A_694 = arith.mulf %parallel_loop3A_672, %parallel_loop3A_693 : vector<16xf32>
        %parallel_loop3A_695 = arith.constant 16 : i32
        %parallel_loop3A_696 = arith.addi %parallel_loop3A_695, %parallel_loop3A_665 : i32
        %parallel_loop3A_697 = arith.constant 16 : i32
        %parallel_loop3A_698 = arith.muli %parallel_loop3A_685, %parallel_loop3A_697 : i32
        %parallel_loop3A_699 = arith.index_cast %parallel_loop3A_696 : i32 to index
        %parallel_loop3A_700 = arith.index_cast %parallel_loop3A_698 : i32 to index
        %parallel_loop3A_701 = tpu.vector_load %arg11[%parallel_loop3A_699, %parallel_loop3A_700] {strides = array<i32>} : memref<64x256xf32, #tpu.memory_space<vmem>>, vector<1x16xf32>,
        %parallel_loop3A_702 = vector.shape_cast %parallel_loop3A_701 : vector<1x16xf32> to vector<16xf32>
        %parallel_loop3A_703 = arith.mulf %parallel_loop3A_675, %parallel_loop3A_702 : vector<16xf32>
        %parallel_loop3A_704 = arith.addf %parallel_loop3A_694, %parallel_loop3A_703 : vector<16xf32>
        %parallel_loop3A_705 = arith.constant 32 : i32
        %parallel_loop3A_706 = arith.addi %parallel_loop3A_705, %parallel_loop3A_665 : i32
        %parallel_loop3A_707 = arith.constant 16 : i32
        %parallel_loop3A_708 = arith.muli %parallel_loop3A_685, %parallel_loop3A_707 : i32
        %parallel_loop3A_709 = arith.index_cast %parallel_loop3A_706 : i32 to index
        %parallel_loop3A_710 = arith.index_cast %parallel_loop3A_708 : i32 to index
        %parallel_loop3A_711 = tpu.vector_load %arg11[%parallel_loop3A_709, %parallel_loop3A_710] {strides = array<i32>} : memref<64x256xf32, #tpu.memory_space<vmem>>, vector<1x16xf32>,
        %parallel_loop3A_712 = vector.shape_cast %parallel_loop3A_711 : vector<1x16xf32> to vector<16xf32>
        %parallel_loop3A_713 = arith.mulf %parallel_loop3A_678, %parallel_loop3A_712 : vector<16xf32>
        %parallel_loop3A_714 = arith.addf %parallel_loop3A_704, %parallel_loop3A_713 : vector<16xf32>
        %parallel_loop3A_715 = arith.constant 48 : i32
        %parallel_loop3A_716 = arith.addi %parallel_loop3A_715, %parallel_loop3A_665 : i32
        %parallel_loop3A_717 = arith.constant 16 : i32
        %parallel_loop3A_718 = arith.muli %parallel_loop3A_685, %parallel_loop3A_717 : i32
        %parallel_loop3A_719 = arith.index_cast %parallel_loop3A_716 : i32 to index
        %parallel_loop3A_720 = arith.index_cast %parallel_loop3A_718 : i32 to index
        %parallel_loop3A_721 = tpu.vector_load %arg11[%parallel_loop3A_719, %parallel_loop3A_720] {strides = array<i32>} : memref<64x256xf32, #tpu.memory_space<vmem>>, vector<1x16xf32>,
        %parallel_loop3A_722 = vector.shape_cast %parallel_loop3A_721 : vector<1x16xf32> to vector<16xf32>
        %parallel_loop3A_723 = arith.mulf %parallel_loop3A_681, %parallel_loop3A_722 : vector<16xf32>
        %parallel_loop3A_724 = arith.addf %parallel_loop3A_714, %parallel_loop3A_723 : vector<16xf32>
        %parallel_loop3A_725 = arith.constant 16 : i32
        %parallel_loop3A_726 = arith.muli %parallel_loop3A_685, %parallel_loop3A_725 : i32
        %parallel_loop3A_727 = arith.constant 0 : i32
        %parallel_loop3A_728 = arith.addi %parallel_loop3A_727, %parallel_loop3A_726 : i32
        %parallel_loop3A_729 = arith.index_cast %parallel_loop3A_665 : i32 to index
        %parallel_loop3A_730 = arith.index_cast %parallel_loop3A_728 : i32 to index
        %parallel_loop3A_731 = tpu.vector_load %arg15[%parallel_loop3A_729, %parallel_loop3A_730] {strides = array<i32>} : memref<16x1280xf32, #tpu.memory_space<vmem>>, vector<1x16xf32>,
        %parallel_loop3A_732 = vector.shape_cast %parallel_loop3A_731 : vector<1x16xf32> to vector<16xf32>
        %parallel_loop3A_733 = vector.shape_cast %parallel_loop3A_724 : vector<16xf32> to vector<1x16xf32>
        tpu.vector_store %arg15[%parallel_loop3A_729, %parallel_loop3A_730], %parallel_loop3A_733 {strides = array<i32>} : memref<16x1280xf32, #tpu.memory_space<vmem>>, vector<1x16xf32>,
      } {sc.loop_unroll_factor = 8 : i64, sc.parallel_access}
    } {sc.loop_unroll_factor = 1 : i64, sc.parallel_access}
    %dma_wait3A_567 = arith.constant 0 : i32
    %dma_wait3A_568 = arith.constant 0 : i32
    %dma_wait3A_569 = tpu.memref_slice %arg4[%dma_wait3A_567, %dma_wait3A_568] : memref<4608x512xf32, #tpu.memory_space<hbm>> -> memref<4608x512xf32, #tpu.memory_space<hbm>>
    tpu.wait_indirect_dma semaphore(%arg17 : memref<!tpu.dma_semaphore, #tpu.memory_space<semaphore_mem>>) src(%dma_wait3A_569 : memref<4608x512xf32, #tpu.memory_space<hbm>>) dst(%arg12 : memref<64x512xf32, #tpu.memory_space<vmem>>)
    %get3A_570 = arith.constant 16 : index
    %get3A_571 = tpu.vector_load %arg7[%get3A_570] {strides = array<i32>} : memref<64xf32, #tpu.memory_space<vmem>>, vector<16xf32>,
    %get3A_572 = vector.shape_cast %get3A_571 : vector<16xf32> to vector<16xf32>
    %mul3A_573 = arith.constant 6.250000e-02 : f32
    %mul3A_574 = vector.broadcast %mul3A_573 : f32 to vector<16xf32>
    %mul3A_575 = arith.mulf %get3A_572, %mul3A_574 : vector<16xf32>
    %get3A_576 = arith.constant 48 : index
    %get3A_577 = tpu.vector_load %arg7[%get3A_576] {strides = array<i32>} : memref<64xf32, #tpu.memory_space<vmem>>, vector<16xf32>,
    %get3A_578 = vector.shape_cast %get3A_577 : vector<16xf32> to vector<16xf32>
    %mul3A_579 = arith.constant 6.250000e-02 : f32
    %mul3A_580 = vector.broadcast %mul3A_579 : f32 to vector<16xf32>
    %mul3A_581 = arith.mulf %get3A_578, %mul3A_580 : vector<16xf32>
    %convert_element_type3A_582 = arith.fptosi %mul3A_575 : vector<16xf32> to vector<16xi32>
    %convert_element_type3A_583 = arith.fptosi %mul3A_581 : vector<16xf32> to vector<16xi32>
    %convert_element_type3A_584 = arith.sitofp %convert_element_type3A_582 : vector<16xi32> to vector<16xf32>
    %convert_element_type3A_585 = arith.sitofp %convert_element_type3A_583 : vector<16xi32> to vector<16xf32>
    %broadcast_in_dim3A_586 = arith.constant 1 : i32
    %broadcast_in_dim3A_587 = vector.broadcast %broadcast_in_dim3A_586 : i32 to vector<16xi32>
    %broadcast_in_dim3A_588 = arith.constant 0 : i32
    %broadcast_in_dim3A_589 = vector.broadcast %broadcast_in_dim3A_588 : i32 to vector<16xi32>
    %gt3A_590 = arith.cmpf ogt, %mul3A_575, %convert_element_type3A_584 : vector<16xf32>
    %select_n3A_591 = arith.select %gt3A_590, %broadcast_in_dim3A_587, %broadcast_in_dim3A_589 : vector<16xi1>, vector<16xi32>
    %add3A_592 = arith.addi %convert_element_type3A_582, %select_n3A_591 : vector<16xi32>
    %gt3A_593 = arith.cmpf ogt, %mul3A_581, %convert_element_type3A_585 : vector<16xf32>
    %select_n3A_594 = arith.select %gt3A_593, %broadcast_in_dim3A_587, %broadcast_in_dim3A_589 : vector<16xi1>, vector<16xi32>
    %add3A_595 = arith.addi %convert_element_type3A_583, %select_n3A_594 : vector<16xi32>
    %sub3A_596 = arith.subf %mul3A_575, %convert_element_type3A_584 : vector<16xf32>
    %convert_element_type3A_597 = arith.sitofp %add3A_592 : vector<16xi32> to vector<16xf32>
    %sub3A_598 = arith.subf %convert_element_type3A_597, %mul3A_575 : vector<16xf32>
    %sub3A_599 = arith.subf %mul3A_581, %convert_element_type3A_585 : vector<16xf32>
    %convert_element_type3A_600 = arith.sitofp %add3A_595 : vector<16xi32> to vector<16xf32>
    %sub3A_601 = arith.subf %convert_element_type3A_600, %mul3A_581 : vector<16xf32>
    %mul3A_602 = arith.mulf %sub3A_598, %sub3A_601 : vector<16xf32>
    %mul3A_603 = arith.mulf %sub3A_598, %sub3A_599 : vector<16xf32>
    %mul3A_604 = arith.mulf %sub3A_596, %sub3A_601 : vector<16xf32>
    %mul3A_605 = arith.mulf %sub3A_596, %sub3A_599 : vector<16xf32>
    %parallel_loop3A_606 = arith.constant 0 : i32
    %parallel_loop3A_607 = arith.constant 16 : i32
    %parallel_loop3A_608 = arith.constant 1 : i32
    scf.for %parallel_loop3A_665 = %parallel_loop3A_606 to %parallel_loop3A_607 step %parallel_loop3A_608  : i32 {
      %parallel_loop3A_666 = arith.constant 0 : i32
      %parallel_loop3A_667 = vector.broadcast %parallel_loop3A_666 : i32 to vector<16xi32>
      %parallel_loop3A_668 = vector.broadcast %parallel_loop3A_665 : i32 to vector<16xi32>
      %parallel_loop3A_669 = arith.addi %parallel_loop3A_667, %parallel_loop3A_668 : vector<16xi32>
      %parallel_loop3A_670 = vector.shape_cast %parallel_loop3A_669 : vector<16xi32> to vector<16x1xi32>
      %parallel_loop3A_671 = vector.shape_cast %parallel_loop3A_670 : vector<16x1xi32> to vector<16xi32>
      %parallel_loop3A_672 = tpu.dynamic_gather %mul3A_602[%parallel_loop3A_671] in [0] : vector<16xf32>, vector<16xi32> -> vector<16xf32>
      %parallel_loop3A_673 = vector.shape_cast %parallel_loop3A_669 : vector<16xi32> to vector<16x1xi32>
      %parallel_loop3A_674 = vector.shape_cast %parallel_loop3A_673 : vector<16x1xi32> to vector<16xi32>
      %parallel_loop3A_675 = tpu.dynamic_gather %mul3A_603[%parallel_loop3A_674] in [0] : vector<16xf32>, vector<16xi32> -> vector<16xf32>
      %parallel_loop3A_676 = vector.shape_cast %parallel_loop3A_669 : vector<16xi32> to vector<16x1xi32>
      %parallel_loop3A_677 = vector.shape_cast %parallel_loop3A_676 : vector<16x1xi32> to vector<16xi32>
      %parallel_loop3A_678 = tpu.dynamic_gather %mul3A_604[%parallel_loop3A_677] in [0] : vector<16xf32>, vector<16xi32> -> vector<16xf32>
      %parallel_loop3A_679 = vector.shape_cast %parallel_loop3A_669 : vector<16xi32> to vector<16x1xi32>
      %parallel_loop3A_680 = vector.shape_cast %parallel_loop3A_679 : vector<16x1xi32> to vector<16xi32>
      %parallel_loop3A_681 = tpu.dynamic_gather %mul3A_605[%parallel_loop3A_680] in [0] : vector<16xf32>, vector<16xi32> -> vector<16xf32>
      %parallel_loop3A_682 = arith.constant 0 : i32
      %parallel_loop3A_683 = arith.constant 32 : i32
      %parallel_loop3A_684 = arith.constant 1 : i32
      scf.for %parallel_loop3A_685 = %parallel_loop3A_682 to %parallel_loop3A_683 step %parallel_loop3A_684  : i32 {
        %parallel_loop3A_686 = arith.constant 0 : i32
        %parallel_loop3A_687 = arith.addi %parallel_loop3A_686, %parallel_loop3A_665 : i32
        %parallel_loop3A_688 = arith.constant 16 : i32
        %parallel_loop3A_689 = arith.muli %parallel_loop3A_685, %parallel_loop3A_688 : i32
        %parallel_loop3A_690 = arith.index_cast %parallel_loop3A_687 : i32 to index
        %parallel_loop3A_691 = arith.index_cast %parallel_loop3A_689 : i32 to index
        %parallel_loop3A_692 = tpu.vector_load %arg12[%parallel_loop3A_690, %parallel_loop3A_691] {strides = array<i32>} : memref<64x512xf32, #tpu.memory_space<vmem>>, vector<1x16xf32>,
        %parallel_loop3A_693 = vector.shape_cast %parallel_loop3A_692 : vector<1x16xf32> to vector<16xf32>
        %parallel_loop3A_694 = arith.mulf %parallel_loop3A_672, %parallel_loop3A_693 : vector<16xf32>
        %parallel_loop3A_695 = arith.constant 16 : i32
        %parallel_loop3A_696 = arith.addi %parallel_loop3A_695, %parallel_loop3A_665 : i32
        %parallel_loop3A_697 = arith.constant 16 : i32
        %parallel_loop3A_698 = arith.muli %parallel_loop3A_685, %parallel_loop3A_697 : i32
        %parallel_loop3A_699 = arith.index_cast %parallel_loop3A_696 : i32 to index
        %parallel_loop3A_700 = arith.index_cast %parallel_loop3A_698 : i32 to index
        %parallel_loop3A_701 = tpu.vector_load %arg12[%parallel_loop3A_699, %parallel_loop3A_700] {strides = array<i32>} : memref<64x512xf32, #tpu.memory_space<vmem>>, vector<1x16xf32>,
        %parallel_loop3A_702 = vector.shape_cast %parallel_loop3A_701 : vector<1x16xf32> to vector<16xf32>
        %parallel_loop3A_703 = arith.mulf %parallel_loop3A_675, %parallel_loop3A_702 : vector<16xf32>
        %parallel_loop3A_704 = arith.addf %parallel_loop3A_694, %parallel_loop3A_703 : vector<16xf32>
        %parallel_loop3A_705 = arith.constant 32 : i32
        %parallel_loop3A_706 = arith.addi %parallel_loop3A_705, %parallel_loop3A_665 : i32
        %parallel_loop3A_707 = arith.constant 16 : i32
        %parallel_loop3A_708 = arith.muli %parallel_loop3A_685, %parallel_loop3A_707 : i32
        %parallel_loop3A_709 = arith.index_cast %parallel_loop3A_706 : i32 to index
        %parallel_loop3A_710 = arith.index_cast %parallel_loop3A_708 : i32 to index
        %parallel_loop3A_711 = tpu.vector_load %arg12[%parallel_loop3A_709, %parallel_loop3A_710] {strides = array<i32>} : memref<64x512xf32, #tpu.memory_space<vmem>>, vector<1x16xf32>,
        %parallel_loop3A_712 = vector.shape_cast %parallel_loop3A_711 : vector<1x16xf32> to vector<16xf32>
        %parallel_loop3A_713 = arith.mulf %parallel_loop3A_678, %parallel_loop3A_712 : vector<16xf32>
        %parallel_loop3A_714 = arith.addf %parallel_loop3A_704, %parallel_loop3A_713 : vector<16xf32>
        %parallel_loop3A_715 = arith.constant 48 : i32
        %parallel_loop3A_716 = arith.addi %parallel_loop3A_715, %parallel_loop3A_665 : i32
        %parallel_loop3A_717 = arith.constant 16 : i32
        %parallel_loop3A_718 = arith.muli %parallel_loop3A_685, %parallel_loop3A_717 : i32
        %parallel_loop3A_719 = arith.index_cast %parallel_loop3A_716 : i32 to index
        %parallel_loop3A_720 = arith.index_cast %parallel_loop3A_718 : i32 to index
        %parallel_loop3A_721 = tpu.vector_load %arg12[%parallel_loop3A_719, %parallel_loop3A_720] {strides = array<i32>} : memref<64x512xf32, #tpu.memory_space<vmem>>, vector<1x16xf32>,
        %parallel_loop3A_722 = vector.shape_cast %parallel_loop3A_721 : vector<1x16xf32> to vector<16xf32>
        %parallel_loop3A_723 = arith.mulf %parallel_loop3A_681, %parallel_loop3A_722 : vector<16xf32>
        %parallel_loop3A_724 = arith.addf %parallel_loop3A_714, %parallel_loop3A_723 : vector<16xf32>
        %parallel_loop3A_725 = arith.constant 16 : i32
        %parallel_loop3A_726 = arith.muli %parallel_loop3A_685, %parallel_loop3A_725 : i32
        %parallel_loop3A_727 = arith.constant 256 : i32
        %parallel_loop3A_728 = arith.addi %parallel_loop3A_727, %parallel_loop3A_726 : i32
        %parallel_loop3A_729 = arith.index_cast %parallel_loop3A_665 : i32 to index
        %parallel_loop3A_730 = arith.index_cast %parallel_loop3A_728 : i32 to index
        %parallel_loop3A_731 = tpu.vector_load %arg15[%parallel_loop3A_729, %parallel_loop3A_730] {strides = array<i32>} : memref<16x1280xf32, #tpu.memory_space<vmem>>, vector<1x16xf32>,
        %parallel_loop3A_732 = vector.shape_cast %parallel_loop3A_731 : vector<1x16xf32> to vector<16xf32>
        %parallel_loop3A_733 = vector.shape_cast %parallel_loop3A_724 : vector<16xf32> to vector<1x16xf32>
        tpu.vector_store %arg15[%parallel_loop3A_729, %parallel_loop3A_730], %parallel_loop3A_733 {strides = array<i32>} : memref<16x1280xf32, #tpu.memory_space<vmem>>, vector<1x16xf32>,
      } {sc.loop_unroll_factor = 8 : i64, sc.parallel_access}
    } {sc.loop_unroll_factor = 1 : i64, sc.parallel_access}
    %dma_wait3A_609 = arith.constant 0 : i32
    %dma_wait3A_610 = arith.constant 0 : i32
    %dma_wait3A_611 = tpu.memref_slice %arg5[%dma_wait3A_609, %dma_wait3A_610] : memref<1152x512xf32, #tpu.memory_space<hbm>> -> memref<1152x512xf32, #tpu.memory_space<hbm>>
    tpu.wait_indirect_dma semaphore(%arg18 : memref<!tpu.dma_semaphore, #tpu.memory_space<semaphore_mem>>) src(%dma_wait3A_611 : memref<1152x512xf32, #tpu.memory_space<hbm>>) dst(%arg13 : memref<64x512xf32, #tpu.memory_space<vmem>>)
    %get3A_612 = arith.constant 16 : index
    %get3A_613 = tpu.vector_load %arg7[%get3A_612] {strides = array<i32>} : memref<64xf32, #tpu.memory_space<vmem>>, vector<16xf32>,
    %get3A_614 = vector.shape_cast %get3A_613 : vector<16xf32> to vector<16xf32>
    %mul3A_615 = arith.constant 3.125000e-02 : f32
    %mul3A_616 = vector.broadcast %mul3A_615 : f32 to vector<16xf32>
    %mul3A_617 = arith.mulf %get3A_614, %mul3A_616 : vector<16xf32>
    %get3A_618 = arith.constant 48 : index
    %get3A_619 = tpu.vector_load %arg7[%get3A_618] {strides = array<i32>} : memref<64xf32, #tpu.memory_space<vmem>>, vector<16xf32>,
    %get3A_620 = vector.shape_cast %get3A_619 : vector<16xf32> to vector<16xf32>
    %mul3A_621 = arith.constant 3.125000e-02 : f32
    %mul3A_622 = vector.broadcast %mul3A_621 : f32 to vector<16xf32>
    %mul3A_623 = arith.mulf %get3A_620, %mul3A_622 : vector<16xf32>
    %convert_element_type3A_624 = arith.fptosi %mul3A_617 : vector<16xf32> to vector<16xi32>
    %convert_element_type3A_625 = arith.fptosi %mul3A_623 : vector<16xf32> to vector<16xi32>
    %convert_element_type3A_626 = arith.sitofp %convert_element_type3A_624 : vector<16xi32> to vector<16xf32>
    %convert_element_type3A_627 = arith.sitofp %convert_element_type3A_625 : vector<16xi32> to vector<16xf32>
    %broadcast_in_dim3A_628 = arith.constant 1 : i32
    %broadcast_in_dim3A_629 = vector.broadcast %broadcast_in_dim3A_628 : i32 to vector<16xi32>
    %broadcast_in_dim3A_630 = arith.constant 0 : i32
    %broadcast_in_dim3A_631 = vector.broadcast %broadcast_in_dim3A_630 : i32 to vector<16xi32>
    %gt3A_632 = arith.cmpf ogt, %mul3A_617, %convert_element_type3A_626 : vector<16xf32>
    %select_n3A_633 = arith.select %gt3A_632, %broadcast_in_dim3A_629, %broadcast_in_dim3A_631 : vector<16xi1>, vector<16xi32>
    %add3A_634 = arith.addi %convert_element_type3A_624, %select_n3A_633 : vector<16xi32>
    %gt3A_635 = arith.cmpf ogt, %mul3A_623, %convert_element_type3A_627 : vector<16xf32>
    %select_n3A_636 = arith.select %gt3A_635, %broadcast_in_dim3A_629, %broadcast_in_dim3A_631 : vector<16xi1>, vector<16xi32>
    %add3A_637 = arith.addi %convert_element_type3A_625, %select_n3A_636 : vector<16xi32>
    %sub3A_638 = arith.subf %mul3A_617, %convert_element_type3A_626 : vector<16xf32>
    %convert_element_type3A_639 = arith.sitofp %add3A_634 : vector<16xi32> to vector<16xf32>
    %sub3A_640 = arith.subf %convert_element_type3A_639, %mul3A_617 : vector<16xf32>
    %sub3A_641 = arith.subf %mul3A_623, %convert_element_type3A_627 : vector<16xf32>
    %convert_element_type3A_642 = arith.sitofp %add3A_637 : vector<16xi32> to vector<16xf32>
    %sub3A_643 = arith.subf %convert_element_type3A_642, %mul3A_623 : vector<16xf32>
    %mul3A_644 = arith.mulf %sub3A_640, %sub3A_643 : vector<16xf32>
    %mul3A_645 = arith.mulf %sub3A_640, %sub3A_641 : vector<16xf32>
    %mul3A_646 = arith.mulf %sub3A_638, %sub3A_643 : vector<16xf32>
    %mul3A_647 = arith.mulf %sub3A_638, %sub3A_641 : vector<16xf32>
    %parallel_loop3A_648 = arith.constant 0 : i32
    %parallel_loop3A_649 = arith.constant 16 : i32
    %parallel_loop3A_650 = arith.constant 1 : i32
    scf.for %parallel_loop3A_665 = %parallel_loop3A_648 to %parallel_loop3A_649 step %parallel_loop3A_650  : i32 {
      %parallel_loop3A_666 = arith.constant 0 : i32
      %parallel_loop3A_667 = vector.broadcast %parallel_loop3A_666 : i32 to vector<16xi32>
      %parallel_loop3A_668 = vector.broadcast %parallel_loop3A_665 : i32 to vector<16xi32>
      %parallel_loop3A_669 = arith.addi %parallel_loop3A_667, %parallel_loop3A_668 : vector<16xi32>
      %parallel_loop3A_670 = vector.shape_cast %parallel_loop3A_669 : vector<16xi32> to vector<16x1xi32>
      %parallel_loop3A_671 = vector.shape_cast %parallel_loop3A_670 : vector<16x1xi32> to vector<16xi32>
      %parallel_loop3A_672 = tpu.dynamic_gather %mul3A_644[%parallel_loop3A_671] in [0] : vector<16xf32>, vector<16xi32> -> vector<16xf32>
      %parallel_loop3A_673 = vector.shape_cast %parallel_loop3A_669 : vector<16xi32> to vector<16x1xi32>
      %parallel_loop3A_674 = vector.shape_cast %parallel_loop3A_673 : vector<16x1xi32> to vector<16xi32>
      %parallel_loop3A_675 = tpu.dynamic_gather %mul3A_645[%parallel_loop3A_674] in [0] : vector<16xf32>, vector<16xi32> -> vector<16xf32>
      %parallel_loop3A_676 = vector.shape_cast %parallel_loop3A_669 : vector<16xi32> to vector<16x1xi32>
      %parallel_loop3A_677 = vector.shape_cast %parallel_loop3A_676 : vector<16x1xi32> to vector<16xi32>
      %parallel_loop3A_678 = tpu.dynamic_gather %mul3A_646[%parallel_loop3A_677] in [0] : vector<16xf32>, vector<16xi32> -> vector<16xf32>
      %parallel_loop3A_679 = vector.shape_cast %parallel_loop3A_669 : vector<16xi32> to vector<16x1xi32>
      %parallel_loop3A_680 = vector.shape_cast %parallel_loop3A_679 : vector<16x1xi32> to vector<16xi32>
      %parallel_loop3A_681 = tpu.dynamic_gather %mul3A_647[%parallel_loop3A_680] in [0] : vector<16xf32>, vector<16xi32> -> vector<16xf32>
      %parallel_loop3A_682 = arith.constant 0 : i32
      %parallel_loop3A_683 = arith.constant 32 : i32
      %parallel_loop3A_684 = arith.constant 1 : i32
      scf.for %parallel_loop3A_685 = %parallel_loop3A_682 to %parallel_loop3A_683 step %parallel_loop3A_684  : i32 {
        %parallel_loop3A_686 = arith.constant 0 : i32
        %parallel_loop3A_687 = arith.addi %parallel_loop3A_686, %parallel_loop3A_665 : i32
        %parallel_loop3A_688 = arith.constant 16 : i32
        %parallel_loop3A_689 = arith.muli %parallel_loop3A_685, %parallel_loop3A_688 : i32
        %parallel_loop3A_690 = arith.index_cast %parallel_loop3A_687 : i32 to index
        %parallel_loop3A_691 = arith.index_cast %parallel_loop3A_689 : i32 to index
        %parallel_loop3A_692 = tpu.vector_load %arg13[%parallel_loop3A_690, %parallel_loop3A_691] {strides = array<i32>} : memref<64x512xf32, #tpu.memory_space<vmem>>, vector<1x16xf32>,
        %parallel_loop3A_693 = vector.shape_cast %parallel_loop3A_692 : vector<1x16xf32> to vector<16xf32>
        %parallel_loop3A_694 = arith.mulf %parallel_loop3A_672, %parallel_loop3A_693 : vector<16xf32>
        %parallel_loop3A_695 = arith.constant 16 : i32
        %parallel_loop3A_696 = arith.addi %parallel_loop3A_695, %parallel_loop3A_665 : i32
        %parallel_loop3A_697 = arith.constant 16 : i32
        %parallel_loop3A_698 = arith.muli %parallel_loop3A_685, %parallel_loop3A_697 : i32
        %parallel_loop3A_699 = arith.index_cast %parallel_loop3A_696 : i32 to index
        %parallel_loop3A_700 = arith.index_cast %parallel_loop3A_698 : i32 to index
        %parallel_loop3A_701 = tpu.vector_load %arg13[%parallel_loop3A_699, %parallel_loop3A_700] {strides = array<i32>} : memref<64x512xf32, #tpu.memory_space<vmem>>, vector<1x16xf32>,
        %parallel_loop3A_702 = vector.shape_cast %parallel_loop3A_701 : vector<1x16xf32> to vector<16xf32>
        %parallel_loop3A_703 = arith.mulf %parallel_loop3A_675, %parallel_loop3A_702 : vector<16xf32>
        %parallel_loop3A_704 = arith.addf %parallel_loop3A_694, %parallel_loop3A_703 : vector<16xf32>
        %parallel_loop3A_705 = arith.constant 32 : i32
        %parallel_loop3A_706 = arith.addi %parallel_loop3A_705, %parallel_loop3A_665 : i32
        %parallel_loop3A_707 = arith.constant 16 : i32
        %parallel_loop3A_708 = arith.muli %parallel_loop3A_685, %parallel_loop3A_707 : i32
        %parallel_loop3A_709 = arith.index_cast %parallel_loop3A_706 : i32 to index
        %parallel_loop3A_710 = arith.index_cast %parallel_loop3A_708 : i32 to index
        %parallel_loop3A_711 = tpu.vector_load %arg13[%parallel_loop3A_709, %parallel_loop3A_710] {strides = array<i32>} : memref<64x512xf32, #tpu.memory_space<vmem>>, vector<1x16xf32>,
        %parallel_loop3A_712 = vector.shape_cast %parallel_loop3A_711 : vector<1x16xf32> to vector<16xf32>
        %parallel_loop3A_713 = arith.mulf %parallel_loop3A_678, %parallel_loop3A_712 : vector<16xf32>
        %parallel_loop3A_714 = arith.addf %parallel_loop3A_704, %parallel_loop3A_713 : vector<16xf32>
        %parallel_loop3A_715 = arith.constant 48 : i32
        %parallel_loop3A_716 = arith.addi %parallel_loop3A_715, %parallel_loop3A_665 : i32
        %parallel_loop3A_717 = arith.constant 16 : i32
        %parallel_loop3A_718 = arith.muli %parallel_loop3A_685, %parallel_loop3A_717 : i32
        %parallel_loop3A_719 = arith.index_cast %parallel_loop3A_716 : i32 to index
        %parallel_loop3A_720 = arith.index_cast %parallel_loop3A_718 : i32 to index
        %parallel_loop3A_721 = tpu.vector_load %arg13[%parallel_loop3A_719, %parallel_loop3A_720] {strides = array<i32>} : memref<64x512xf32, #tpu.memory_space<vmem>>, vector<1x16xf32>,
        %parallel_loop3A_722 = vector.shape_cast %parallel_loop3A_721 : vector<1x16xf32> to vector<16xf32>
        %parallel_loop3A_723 = arith.mulf %parallel_loop3A_681, %parallel_loop3A_722 : vector<16xf32>
        %parallel_loop3A_724 = arith.addf %parallel_loop3A_714, %parallel_loop3A_723 : vector<16xf32>
        %parallel_loop3A_725 = arith.constant 16 : i32
        %parallel_loop3A_726 = arith.muli %parallel_loop3A_685, %parallel_loop3A_725 : i32
        %parallel_loop3A_727 = arith.constant 768 : i32
        %parallel_loop3A_728 = arith.addi %parallel_loop3A_727, %parallel_loop3A_726 : i32
        %parallel_loop3A_729 = arith.index_cast %parallel_loop3A_665 : i32 to index
        %parallel_loop3A_730 = arith.index_cast %parallel_loop3A_728 : i32 to index
        %parallel_loop3A_731 = tpu.vector_load %arg15[%parallel_loop3A_729, %parallel_loop3A_730] {strides = array<i32>} : memref<16x1280xf32, #tpu.memory_space<vmem>>, vector<1x16xf32>,
        %parallel_loop3A_732 = vector.shape_cast %parallel_loop3A_731 : vector<1x16xf32> to vector<16xf32>
        %parallel_loop3A_733 = vector.shape_cast %parallel_loop3A_724 : vector<16xf32> to vector<1x16xf32>
        tpu.vector_store %arg15[%parallel_loop3A_729, %parallel_loop3A_730], %parallel_loop3A_733 {strides = array<i32>} : memref<16x1280xf32, #tpu.memory_space<vmem>>, vector<1x16xf32>,
      } {sc.loop_unroll_factor = 8 : i64, sc.parallel_access}
    } {sc.loop_unroll_factor = 1 : i64, sc.parallel_access}
    %add3A_651 = arith.constant 16 : i32
    %add3A_652 = arith.addi %mul3A_2, %add3A_651 : i32
    %dma_start3A_653 = arith.constant 0 : i32
    %dma_start3A_654 = tpu.memref_slice %arg6[%add3A_652, %dma_start3A_653] : memref<1024x1280xf32, #tpu.memory_space<hbm>> -> memref<16x1280xf32, #tpu.memory_space<hbm>>
    %dma_start3A_655 = arith.constant 0 : i32
    %dma_start3A_656 = tpu.memref_slice %arg6[%add3A_652, %dma_start3A_655] : memref<1024x1280xf32, #tpu.memory_space<hbm>> -> memref<16x1280xf32, #tpu.memory_space<hbm>>
    tpu.enqueue_dma source(%arg15 : memref<16x1280xf32, #tpu.memory_space<vmem>>) target(%dma_start3A_656 : memref<16x1280xf32, #tpu.memory_space<hbm>>) target_semaphore(%arg20 : memref<!tpu.dma_semaphore, #tpu.memory_space<semaphore_mem>>)
    %dma_wait3A_657 = arith.constant 0 : i32
    %dma_wait3A_658 = tpu.memref_slice %arg6[%add3A_520, %dma_wait3A_657] : memref<1024x1280xf32, #tpu.memory_space<hbm>> -> memref<16x1280xf32, #tpu.memory_space<hbm>>
    %dma_wait3A_659 = arith.constant 0 : i32
    %dma_wait3A_660 = tpu.memref_slice %arg6[%add3A_520, %dma_wait3A_659] : memref<1024x1280xf32, #tpu.memory_space<hbm>> -> memref<16x1280xf32, #tpu.memory_space<hbm>>
    tpu.wait_dma2 semaphore(%arg19 : memref<!tpu.dma_semaphore, #tpu.memory_space<semaphore_mem>>) src(%arg14 : memref<16x1280xf32, #tpu.memory_space<vmem>>) dst(%dma_wait3A_660 : memref<16x1280xf32, #tpu.memory_space<hbm>>)
    %dma_wait3A_661 = arith.constant 0 : i32
    %dma_wait3A_662 = tpu.memref_slice %arg6[%add3A_652, %dma_wait3A_661] : memref<1024x1280xf32, #tpu.memory_space<hbm>> -> memref<16x1280xf32, #tpu.memory_space<hbm>>
    %dma_wait3A_663 = arith.constant 0 : i32
    %dma_wait3A_664 = tpu.memref_slice %arg6[%add3A_652, %dma_wait3A_663] : memref<1024x1280xf32, #tpu.memory_space<hbm>> -> memref<16x1280xf32, #tpu.memory_space<hbm>>
    tpu.wait_dma2 semaphore(%arg20 : memref<!tpu.dma_semaphore, #tpu.memory_space<semaphore_mem>>) src(%arg15 : memref<16x1280xf32, #tpu.memory_space<vmem>>) dst(%dma_wait3A_664 : memref<16x1280xf32, #tpu.memory_space<hbm>>)
    return
  }
}

</mosaic_0001>

<sc_bundles>
// kernel: kernel.3.cloned.1.call-start
scs
__scs_entry_jumppad:
0x0: {  	(pc) =	sbr.rel $0x88, $3  }
0x1: {  	(tag) =	ssettag $0x0;
	lr =	simm.s32 $0x1  }
0x2: {  	[smem:$0x3F9D] =	sst lr;
	_ =	strace $0xD0000000  }
0x3: {  	_ = 	snop  }
0x4: {  	_ = 	snop  }
0x5: {  	_ = 	snop  }
0x6: {  	_ = 	snop  }
0x7: {  	_ = 	snop  }
__scs_overlays_trampoline_lowered:
0x8: {  	[smem:$0x3FAC] =	sst s0  }
0x9: {  	[smem:$0x3FAD] =	sst s1  }
0xa: {  	[smem:$0x3FAE] =	sst s2  }
0xb: {  	[smem:$0x3FAF] =	sst s3  }
0xc: {  	[smem:$0x3FB0] =	sst s4  }
0xd: {  	[smem:$0x3FB1] =	sst s5  }
0xe: {  	[smem:$0x3FB2] =	sst s6  }
0xf: {  	[smem:$0x3FB3] =	sst s7  }
0x10: {  	[smem:$0x3FB4] =	sst s8  }
0x11: {  	[smem:$0x3FB5] =	sst s9;
	s0 =	simm.s32 @!p0 $0x0  }
0x12: {  	s1 =	sld [smem:$0x3F9B];
	s0 =	simm.s32 @p0 $0x1  }
0x13: {  	[smem:$0x3FB6] =	sst s0;
	s0 =	simm.s32 @!p1 $0x0  }
0x14: {  	s2 =	sld [smem:$0x3F9A];
	s0 =	simm.s32 @p1 $0x1  }
0x15: {  	[smem:$0x3FB7] =	sst s0;
	s0 =	simm.s32 @!p2 $0x0  }
0x16: {  	s3 =	sld [smem:$0x3FDB];
	s0 =	simm.s32 @p2 $0x1  }
0x17: {  	s4 =	simm.s32 $0x1BF5;
	[smem:$0x3FB9] =	sst s0  }
0x18: {  	s0 =	sld [smem:$0x3F9C];
	_ =	swait.ge [sflag:s4], $0x0  }
0x19: {  	s7 =	sld [smem:$0x3F9D]  }
0x1a: {  	s8 =	sadd.s32 $0xFFFFE003, lr  }
0x1b: {  	s9 =	sadd.s32 $0xFFFFFEF7, lr;
	s5 =	simm.s32 $0xFFFFFFFF;
	p2 =	slt.u32 s8, $0xFFFFF086  }
0x1c: {  	p1 =	slt.u32 s9, $0xF7A;
	s5 =	simm.s32 @!p2 $0x0  }
0x1d: {  	s5 =	simm.s32 @p1 $0x1;
	p0 =	seq.s32 s7, s2  }
0x1e: {  	s7 =	smul.u32 @!p0 $0xF7A, s2;
	p2 =	seq.s32 @!p0 s5, $0x0  }
0x1f: {  	s9 =	smul.u32 $0xF7A, s1;
	s8 =	simm.s32 @!p0 $0x1BF5;
	p2 =	por !p2, p0  }
0x20: {  	[sflag:s8] =	ssyncset.s32 @!p0 $0xFFFFF086;
	s6 =	sadd.s32 @!p0 s3, s7;
	s7 =	simm.s32 @!p0 $0x108  }
0x21: {  	s3 =	sadd.s32 s3, s9;
	s6 =	sadd.s32 @!p0 $0x88, s6;
	s7 =	simm.s32 @p2 $0x1082  }
0x22: {  	[simem:s7], [sflag:s8] =	dma.local @!p0 [hbm:s6], $0xF7A  }
0x23: {  	s9 =	sor.u32 $0xD0000000, s2;
	s6 =	simm.s32 $0x108;
	_ =	swait.ge @!p0 [sflag:s8], $0x0  }
0x24: {  	s3 =	sadd.s32 $0x88, s3;
	s6 =	simm.s32 @!p1 $0x1082;
	[sflag:s4] =	ssyncset.s32 $0xFFFFF086  }
0x25: {  	[simem:s6], [sflag:s4] =	dma.local [hbm:s3], $0xF7A  }
0x26: {  	[smem:$0x3F9D] =	sst s1;
	(tag) =	ssettag s2;
	_ =	strace s9  }
0x27: {  	s1 =	sld [smem:$0x3FAD]  }
0x28: {  	s2 =	sld [smem:$0x3FAE]  }
0x29: {  	s4 =	sld [smem:$0x3FB0]  }
0x2a: {  	p0 =	seq.s32 s5, $0x0;
	s5 =	sld [smem:$0x3FB1]  }
0x2b: {  	s6 =	sld [smem:$0x3FB2]  }
0x2c: {  	s7 =	sld [smem:$0x3FB3]  }
0x2d: {  	s3 =	simm.s32 $0x108;
	s8 =	sld [smem:$0x3FB4]  }
0x2e: {  	s3 =	simm.s32 @!p0 $0x1082;
	s9 =	sld [smem:$0x3FB5]  }
0x2f: {  	lr =	sadd.s32 s0, s3;
	s0 =	sld [smem:$0x3FAC]  }
0x30: {  	s3 =	sld [smem:$0x3FAF]  }
0x31: {  	[smem:$0x3FB8] =	sst s10  }
0x32: {  	s10 =	sld [smem:$0x3FB6];
	_ =	sdelay $0x3  }
0x33: {  	p0 =	seq.s32 s10, $0x1;
	s10 =	sld [smem:$0x3FB8];
	_ =	sdelay $0x3  }
0x34: {  	[smem:$0x3FB8] =	sst s10  }
0x35: {  	s10 =	sld [smem:$0x3FB7];
	_ =	sdelay $0x3  }
0x36: {  	p1 =	seq.s32 s10, $0x1;
	s10 =	sld [smem:$0x3FB8];
	_ =	sdelay $0x3  }
0x37: {  	[smem:$0x3FB8] =	sst s10  }
0x38: {  	s10 =	sld [smem:$0x3FB9]  }
0x39: {  	_ = 	snop;
	(pc) =	sbr.ind lr, $3  }
0x3a: {  	_ = 	snop  }
0x3b: {  	_ = 	snop  }
0x3c: {  	p2 =	seq.s32 s10, $0x1;
	s10 =	sld [smem:$0x3FB8]  }
0x3d: {  	_ =	shalt  }
0x3e: {  	_ =	shalt  }
0x3f: {  	_ =	shalt  }
0x40: {  	_ =	shalt  }
0x41: {  	_ =	shalt  }
0x42: {  	_ =	shalt  }
0x43: {  	_ =	shalt  }
0x44: {  	_ =	shalt  }
0x45: {  	_ =	shalt  }
0x46: {  	_ =	shalt  }
0x47: {  	_ =	shalt  }
0x48: {  	_ =	shalt  }
0x49: {  	_ =	shalt  }
0x4a: {  	_ =	shalt  }
0x4b: {  	_ =	shalt  }
0x4c: {  	_ =	shalt  }
0x4d: {  	_ =	shalt  }
0x4e: {  	_ =	shalt  }
0x4f: {  	_ =	shalt  }
0x50: {  	_ =	shalt  }
0x51: {  	_ =	shalt  }
0x52: {  	_ =	shalt  }
0x53: {  	_ =	shalt  }
0x54: {  	_ =	shalt  }
0x55: {  	_ =	shalt  }
0x56: {  	_ =	shalt  }
0x57: {  	_ =	shalt  }
0x58: {  	_ =	shalt  }
0x59: {  	_ =	shalt  }
0x5a: {  	_ =	shalt  }
0x5b: {  	_ =	shalt  }
0x5c: {  	_ =	shalt  }
0x5d: {  	_ =	shalt  }
0x5e: {  	_ =	shalt  }
0x5f: {  	_ =	shalt  }
0x60: {  	_ =	shalt  }
0x61: {  	_ =	shalt  }
0x62: {  	_ =	shalt  }
0x63: {  	_ =	shalt  }
0x64: {  	_ =	shalt  }
0x65: {  	_ =	shalt  }
0x66: {  	_ =	shalt  }
0x67: {  	_ =	shalt  }
0x68: {  	_ =	shalt  }
0x69: {  	_ =	shalt  }
0x6a: {  	_ =	shalt  }
0x6b: {  	_ =	shalt  }
0x6c: {  	_ =	shalt  }
0x6d: {  	_ =	shalt  }
0x6e: {  	_ =	shalt  }
0x6f: {  	_ =	shalt  }
0x70: {  	_ =	shalt  }
0x71: {  	_ =	shalt  }
0x72: {  	_ =	shalt  }
0x73: {  	_ =	shalt  }
0x74: {  	_ =	shalt  }
0x75: {  	_ =	shalt  }
0x76: {  	_ =	shalt  }
0x77: {  	_ =	shalt  }
0x78: {  	_ =	shalt  }
0x79: {  	_ =	shalt  }
0x7a: {  	_ =	shalt  }
0x7b: {  	_ =	shalt  }
0x7c: {  	_ =	shalt  }
0x7d: {  	_ =	shalt  }
0x7e: {  	_ =	shalt  }
0x7f: {  	_ =	shalt  }
0x80: {  	_ =	shalt  }
0x81: {  	_ =	shalt  }
0x82: {  	_ =	shalt  }
0x83: {  	_ =	shalt  }
0x84: {  	_ =	shalt  }
0x85: {  	_ =	shalt  }
0x86: {  	_ =	shalt  }
0x87: {  	_ =	shalt  }
.Lfunc_end0:
.L_simem_size_0:
called_computation_lowered:
.L_overlay_start_0:
0x88: {  	s2 =	sld [smem:$0x3FD9]  }
0x89: {  	s3 =	sld [smem:$0x3FFE];
	_ =	sdelay $0x1  }
0x8a: {  	s1 =	srdreg.scid  }
0x8b: {  	s0 =	sand.u32 $0x1, s1  }
0x8c: {  	s17 =	sshll.u32 s0, $0xA;
	s2 =	sadd.s32 s3, s2  }
0x8d: {  	s2 =	sadd.s32 s2, s17  }
0x8e: {  	[smem:$0x3FC4] =	sst s2  }
0x8f: {  	_ = 	snop  }
0x90: {  	s2 =	sld [smem:$0x3FC8]  }
0x91: {  	s18 =	sld [smem:$0x3FC7]  }
0x92: {  	s4 =	sld [smem:$0x3FC6]  }
0x93: {  	s5 =	sld [smem:$0x3FD0];
	(tm) =	ssettm $0x1  }
0x94: {  	s6 =	sld [smem:$0x3FFB];
	_ =	sdelay $0x3  }
0x95: {  	_ =	strace s6  }
0x96: {  	s6 =	sld [smem:$0x3FFC];
	_ =	sdelay $0x3  }
0x97: {  	_ =	strace s6  }
0x98: {  	s6 =	sld [smem:$0x3FFD];
	_ =	sdelay $0x3  }
0x99: {  	_ =	strace s6  }
0x9a: {  	_ =	strace $0x8FFFFFFF  }
0x9b: {  	s19 =	sld [smem:$0x3FDB];
	_ =	sdelay $0x1  }
0x9c: {  	s7 =	simm.s32 $_scs_section_size  }
0x9d: {  	s8 =	simm.s32 $_size__tile_overlayer_lowered;
	s9 =	simm.s32 $_tile_overlayer_lowered  }
0x9e: {  	s22 =	simm.s32 $0x1BFF;
	s21 =	sshll.u32 s9, $0x1;
	s6 =	sadd.s32 s7, s19  }
0x9f: {  	s10 =	simm.s32 $0x0;
	s20 =	sshll.u32 s8, $0x1;
	s8 =	sadd.s32 s21, s6  }
0xa0: {  	[timem:s10], [sflag:s22] =	dma.local [hbm:s8], s20  }
0xa1: {  	_ =	swait.ge [sflag:s22], s20  }
0xa2: {  	s7 =	ssub.s32 $0x0, s20;
	[sflag:s22] =	ssyncset.done $0x0  }
0xa3: {  	[sflag:s22] =	ssyncadd.s32 s7;
	_ =	sdelay $0x1  }
0xa4: {  	s23 =	simm.s32 $0x1B8B  }
0xa5: {  	_ =	swait.ge [sflag:s23], $0x1  }
0xa6: {  	[sflag:s23] =	ssyncset.done $0x0  }
0xa7: {  	s25 =	simm.s32 $0x1B8E;
	s24 =	sld [smem:$0x3FFE];
	[sflag:s23] =	ssyncadd.s32 $0xFFFFFFFF  }
0xa8: {  	s26 =	simm.s32 $execute0_lowered;
	[smem:$0x3FD2] =	sst s25  }
0xa9: {  	s8 =	sshll.u32 s26, $0x1;
	_ =	strace $0x80000046;
	[dreg:$0x1] =	wrdreg $0xFFFFFFFF  }
0xaa: {  	s28 =	simm.s32 $_size_execute0_lowered;
	s6 =	sadd.s32 s6, s8;
	[dreg:$0x0] =	wrdreg $0x0  }
0xab: {  	s8 =	sshll.u32 s28, $0x1;
	[dreg:$0x2] =	wrdreg s6  }
0xac: {  	[dreg:$0x3] =	wrdreg s8  }
0xad: {  	[dreg:$0x4] =	wrdreg $0xC0  }
0xae: {  	_ =	task [dreg:s10], $0x5FFFF  }
0xaf: {  	[dreg:$0x1] =	wrdreg $0xFFFFFFFF  }
0xb0: {  	[dreg:$0x0] =	wrdreg $0x60  }
0xb1: {  	[dreg:$0x2] =	wrdreg s24  }
0xb2: {  	[dreg:$0x3] =	wrdreg s2  }
0xb3: {  	[dreg:$0x4] =	wrdreg s18  }
0xb4: {  	[dreg:$0x5] =	wrdreg s4  }
0xb5: {  	[dreg:$0x6] =	wrdreg s5  }
0xb6: {  	[dreg:$0x7] =	wrdreg $0x9  }
0xb7: {  	_ =	task.clear_ibuf [dreg:s10], $0x8FFFF;
	_ =	strace $0x90000046  }
0xb8: {  	s29 =	simm.s32 $0x9;
	_ =	strace $0x80000048  }
0xb9: {  	_ =	swait.ge [sflag:s29], $0x1  }
0xba: {  	[sflag:s29] =	ssyncadd.s32 $0xFFFFFFFF  }
0xbb: {  	_ =	strace $0x90000048  }
0xbc: {  	_ =	sfence  }
0xbd: {  	s30 =	sld [smem:$0x0];
	_ =	sdelay $0x2  }
0xbe: {  	s31 =	sshll.u32 s1, $0xD;
	s1 =	sshrl.u32 s1, $0x2  }
0xbf: {  	s3 =	sand.u32 $0x4000, s31;
	s1 =	sadd.s32 s1, s30  }
0xc0: {  	s0 =	sor.u32 s3, s0;
	s1 =	sshll.u32 s1, $0x11  }
0xc1: {  	s0 =	sor.u32 s1, s0  }
0xc2: {  	s0 =	sadd.s32 $0x8F2B, s0  }
0xc3: {  	[sflag:s0] =	ssyncadd.remote.s32 $0x1  }
0xc4: {  	_ =	sfence.sel $0xFFFF  }
0xc5: {  	[dreg:$0x0] =	wrdreg $0xFFFFFFFF;
	(pc) =	sbr.abs _section_cstart, $3  }
0xc6: {  	[dreg:$0x1] =	wrdreg $0xFFFFFFFF  }
0xc7: {  	_ =	task.clear_ibuf [dreg:s10], $0x2FFFF;
	_ =	strace $0x9FFFFFFF  }
0xc8: {  	(tm) =	ssettm $0x7FFFFFFF  }
0xc9: {  	_ =	shalt  }
tec
execute0_lowered:
.L_overlay_start_1:
0x0: {  	(tag) =	ssettag $0x1  }
0x1: {  	s0 =	rddreg [dreg:$0x0]  }
0x2: {  	s1 =	rddreg [dreg:$0x1]  }
0x3: {  	s2 =	rddreg [dreg:$0x2]  }
0x4: {  	s3 =	rddreg [dreg:$0x3]  }
0x5: {  	s4 =	rddreg [dreg:$0x4];
	s5 =	simm.s32 $0x0;
	s6 =	srdreg.scid  }
0x6: {  	s8 =	stileid.u32;
	s12 =	simm.s32 $0x6;
	s23 =	simm.s32 $0xF200  }
0x7: {  	s24 =	simm.s32 $0xFA00;
	s25 =	simm.s32 $0x10200;
	s28 =	simm.s32 $0x11200  }
0x8: {  	s29 =	simm.s32 $0x11A00;
	s30 =	simm.s32 $0x12200;
	s31 =	simm.s32 $0x12A00  }
0x9: {  	s14 =	simm.s32 $0x3;
	s15 =	simm.s32 $0x4;
	s16 =	simm.s32 $0x5  }
0xa: {  	s17 =	simm.s32 $0x0;
	s7 =	sshll.u32 s8, $0x1;
	s8 =	sshrl.u32 s8, $0x3  }
0xb: {  	[smem:$0x7FF] =	sst s5;
	s6 =	sand.u32 $0x1, s6;
	s9 =	smul.u32 $0x2400, s8  }
0xc: {  	_ =	strace $0x80000047;
	s7 =	sor.u32 s6, s7;
	s13 =	smul.u32 $0x900, s8  }
0xd: {  	s6 =	ssub.s32 $0x2, s6;
	s22 =	smul.u32 $0x240, s8;
	s8 =	sadd.s32 $0x100, s3  }
0xe: {  	s10 =	sshll.u32 s7, $0x3;
	s20 =	sshrl.u32 s6, $0x1;
	s11 =	smul.u32 $0xA000, s7  }
0xf: {  	s21 =	smul.u32 $0x1400, s7;
	s7 =	sadd.s32 $0x100, s2;
	s0 =	sadd.s32 s10, s0  }
0x10: {  	s6 =	ssub.s32 s6, s20;
	v1 =	vmov s13;
	s13 =	simm.s32 $0x1;
	s0 =	sadd.s32 $0x400, s0  }
0x11: {  	s11 =	sshrl.u32 s11, $0x3;
	[dreg:$0x6] =	wrdreg s0;
	s0 =	sadd.s32 s4, s21  }
0x12: {  	v6 =	vlaneseq.u32;
	v3 =	vimm.s32 $0x0;
	vm0 =	vmmov $0xffff;
	s26 =	sadd.s32 s4, s11;
	s11 =	smax.u32 s6, $0x1;
	s4 =	simm.s32 $0x13A00  }
0x13: {  	v4 =	vand.u32 $0x7, v6;
	v5 =	vshrl.u32 v6, $0x3;
	v6 =	vor.u32 $0x8, v6;
	s6 =	simm.s32 $0x2;
	[dreg:$0x7] =	wrdreg s0;
	s0 =	sadd.s32 $0xA00, s26  }
0x14: {  	v5 =	vmul.u32 $0x8, v5;
	v0 =	vmov s9;
	v2 =	vmov s22;
	s26 =	simm.s32 $0x10A00;
	[dreg:$0x8] =	wrdreg s0;
	s0 =	simm.s32 $0x13200  }
.LBB2_1:
0x15: {  	s9 =	rddreg [dreg:$0x6]  }
0x16: {  	[tilespmem:s5], [sflag:$0x6] =	stream.linear.gather [hbm4b:s9+s5], $0x40, $0x38;
	[tilespmem:$0x1E200] =	vst v63  }
0x17: {  	_ =	swait.ge [sflag:s12], $0x40  }
0x18: {  	[sflag:s12] =	ssyncset.done $0x0  }
0x19: {  	[sflag:s12] =	ssyncadd.s32 $0xFFFFFFC0  }
0x1a: {  	v7 =	vld [tilespmem:$0x20];
	_ =	sdelay $0x2  }
0x1b: {  	v8 =	vld [tilespmem:$0x0];
	_ =	sdelay $0x1  }
0x1c: {  	v7 =	vmul.f32 $1.250000000e-01, v7;
	_ =	sdelay $0x1  }
0x1d: {  	v9 =	vtrunc.f32 v7  }
0x1e: {  	v8 =	vmul.f32 $1.250000000e-01, v8;
	v10 =	vcvt.f32.s32 v9;
	_ =	sdelay $0x1  }
0x1f: {  	v11 =	vtrunc.f32 v8;
	v12 =	vmul.u32 $0x60, v10  }
0x20: {  	v13 =	vcvt.f32.s32 v11  }
0x21: {  	v12 =	vadd.s32 v0, v12  }
0x22: {  	v14 =	vadd.s32 v13, v12  }
0x23: {  	vm1 =	vgt.f32 v7, v9;
	v7 =	vshll.u32 v14, $0x1  }
0x24: {  	v9 =	vsel vm1, $0x1, v3;
	v15 =	vand.u32 $0x7, v13;
	v7 =	vand.u32 $0xFFFFFFF0, v7  }
0x25: {  	v9 =	vadd.s32 v10, v9;
	v7 =	vor.u32 v15, v7  }
0x26: {  	vm1 =	vgt.f32 v8, v11;
	v8 =	vmul.u32 $0x60, v9;
	v9 =	vperm.xlane v7, v4  }
0x27: {  	v10 =	vsel vm1, $0x1, v3  }
0x28: {  	v8 =	vadd.s32 v0, v8;
	v7 =	vperm.xlane v7, v6;
	v9 =	vadd.s32 v5, v9  }
0x29: {  	v10 =	vadd.s32 v13, v10;
	[tilespmem:$0x80] =	vst v14;
	v11 =	vadd.s32 v13, v8  }
0x2a: {  	v8 =	vadd.s32 v10, v8;
	[tilespmem:$0x90] =	vst v11;
	v7 =	vadd.s32 v5, v7  }
0x2b: {  	v11 =	vadd.s32 v12, v10;
	[tilespmem:$0xB0] =	vst v8  }
0x2c: {  	s10 =	simm.s32 $0x200;
	[tilespmem:$0xA0] =	vst v11  }
0x2d: {  	[tilespmem:s10], [sflag:$0x1] =	stream.indirect_vreg.gather [hbm4b:s1+s5], $0x80, v9, vm0, $0xb8;
	[tilespmem:$0x1E200] =	vst v63  }
0x2e: {  	s18 =	simm.s32 $0xA00  }
0x2f: {  	[tilespmem:s18], [sflag:$0x1] =	stream.indirect_vreg.gather [hbm4b:s1+s5], $0x80, v7, vm0, $0xb8;
	[tilespmem:$0x1E200] =	vst v63  }
0x30: {  	v7 =	vld [tilespmem:$0x90];
	_ =	sdelay $0x4  }
0x31: {  	v8 =	vshll.u32 v7, $0x1  }
0x32: {  	v7 =	vand.u32 $0x7, v7;
	v8 =	vand.u32 $0xFFFFFFF0, v8  }
0x33: {  	v7 =	vor.u32 v7, v8  }
0x34: {  	v8 =	vperm.xlane v7, v4;
	_ =	sdelay $0x1  }
0x35: {  	v7 =	vperm.xlane v7, v6;
	v8 =	vadd.s32 v5, v8;
	_ =	sdelay $0x1  }
0x36: {  	v7 =	vadd.s32 v5, v7;
	_ =	sdelay $0x1  }
0x37: {  	s19 =	simm.s32 $0x1200  }
0x38: {  	[tilespmem:s19], [sflag:$0x1] =	stream.indirect_vreg.gather [hbm4b:s1+s5], $0x80, v8, vm0, $0xb8;
	[tilespmem:$0x1E200] =	vst v63  }
0x39: {  	s20 =	simm.s32 $0x1A00  }
0x3a: {  	[tilespmem:s20], [sflag:$0x1] =	stream.indirect_vreg.gather [hbm4b:s1+s5], $0x80, v7, vm0, $0xb8;
	[tilespmem:$0x1E200] =	vst v63  }
0x3b: {  	v7 =	vld [tilespmem:$0xA0];
	_ =	sdelay $0x4  }
0x3c: {  	v8 =	vshll.u32 v7, $0x1  }
0x3d: {  	v7 =	vand.u32 $0x7, v7;
	v8 =	vand.u32 $0xFFFFFFF0, v8  }
0x3e: {  	v7 =	vor.u32 v7, v8  }
0x3f: {  	v8 =	vperm.xlane v7, v4;
	_ =	sdelay $0x1  }
0x40: {  	v7 =	vperm.xlane v7, v6;
	v8 =	vadd.s32 v5, v8;
	_ =	sdelay $0x1  }
0x41: {  	v7 =	vadd.s32 v5, v7;
	_ =	sdelay $0x1  }
0x42: {  	s21 =	simm.s32 $0x2200  }
0x43: {  	[tilespmem:s21], [sflag:$0x1] =	stream.indirect_vreg.gather [hbm4b:s1+s5], $0x80, v8, vm0, $0xb8;
	[tilespmem:$0x1E200] =	vst v63  }
0x44: {  	s22 =	simm.s32 $0x2A00  }
0x45: {  	[tilespmem:s22], [sflag:$0x1] =	stream.indirect_vreg.gather [hbm4b:s1+s5], $0x80, v7, vm0, $0xb8;
	[tilespmem:$0x1E200] =	vst v63  }
0x46: {  	v7 =	vld [tilespmem:$0xB0];
	_ =	sdelay $0x4  }
0x47: {  	v8 =	vshll.u32 v7, $0x1  }
0x48: {  	v7 =	vand.u32 $0x7, v7;
	v8 =	vand.u32 $0xFFFFFFF0, v8  }
0x49: {  	v7 =	vor.u32 v7, v8  }
0x4a: {  	v8 =	vperm.xlane v7, v4;
	_ =	sdelay $0x1  }
0x4b: {  	v7 =	vperm.xlane v7, v6;
	v8 =	vadd.s32 v5, v8;
	_ =	sdelay $0x1  }
0x4c: {  	v7 =	vadd.s32 v5, v7;
	_ =	sdelay $0x1  }
0x4d: {  	s10 =	simm.s32 $0x3200  }
0x4e: {  	[tilespmem:s10], [sflag:$0x1] =	stream.indirect_vreg.gather [hbm4b:s1+s5], $0x80, v8, vm0, $0xb8;
	[tilespmem:$0x1E200] =	vst v63  }
0x4f: {  	s18 =	simm.s32 $0x3A00  }
0x50: {  	[tilespmem:s18], [sflag:$0x1] =	stream.indirect_vreg.gather [hbm4b:s1+s5], $0x80, v7, vm0, $0xb8;
	[tilespmem:$0x1E200] =	vst v63  }
0x51: {  	v7 =	vld [tilespmem:$0x20];
	_ =	sdelay $0x2  }
0x52: {  	v8 =	vld [tilespmem:$0x0];
	_ =	sdelay $0x1  }
0x53: {  	v7 =	vmul.f32 $6.250000000e-02, v7;
	_ =	sdelay $0x1  }
0x54: {  	v9 =	vtrunc.f32 v7  }
0x55: {  	v8 =	vmul.f32 $6.250000000e-02, v8;
	v10 =	vcvt.f32.s32 v9;
	_ =	sdelay $0x1  }
0x56: {  	v11 =	vtrunc.f32 v8;
	v53 =	vmul.u32 $0x30, v10  }
0x57: {  	v54 =	vcvt.f32.s32 v11  }
0x58: {  	v12 =	vadd.s32 v1, v53  }
0x59: {  	v55 =	vadd.s32 v54, v12  }
0x5a: {  	vm1 =	vgt.f32 v7, v9;
	v7 =	vshll.u32 v55, $0x2  }
0x5b: {  	v9 =	vsel vm1, $0x1, v3;
	v56 =	vand.u32 $0x7, v54;
	v7 =	vand.u32 $0xFFFFFFE0, v7  }
0x5c: {  	v9 =	vadd.s32 v10, v9;
	v7 =	vor.u32 v56, v7  }
0x5d: {  	v9 =	vmul.u32 $0x30, v9;
	v10 =	vperm.xlane v7, v4  }
0x5e: {  	vm1 =	vgt.f32 v8, v11  }
0x5f: {  	v8 =	vsel vm1, $0x1, v3;
	v9 =	vadd.s32 v1, v9;
	v10 =	vadd.s32 v5, v10  }
0x60: {  	v8 =	vadd.s32 v54, v8;
	[tilespmem:$0x100] =	vst v55;
	v11 =	vadd.s32 v54, v9  }
0x61: {  	[tilespmem:$0x110] =	vst v11;
	v11 =	vadd.s32 v12, v8;
	v7 =	vperm.xlane v7, v6  }
0x62: {  	v8 =	vadd.s32 v8, v9;
	[tilespmem:$0x120] =	vst v11  }
0x63: {  	s19 =	simm.s32 $0x4200;
	[tilespmem:$0x130] =	vst v8;
	v7 =	vadd.s32 v5, v7  }
0x64: {  	[tilespmem:s19], [sflag:$0x2] =	stream.indirect_vreg.gather [hbm4b:s2+s5], $0x80, v10, vm0, $0xb8;
	[tilespmem:$0x1E200] =	vst v63  }
0x65: {  	s20 =	simm.s32 $0x4A00  }
0x66: {  	[tilespmem:s20], [sflag:$0x2] =	stream.indirect_vreg.gather [hbm4b:s7+s5], $0x80, v10, vm0, $0xb8;
	[tilespmem:$0x1E200] =	vst v63  }
0x67: {  	s21 =	simm.s32 $0x5200  }
0x68: {  	[tilespmem:s21], [sflag:$0x2] =	stream.indirect_vreg.gather [hbm4b:s2+s5], $0x80, v7, vm0, $0xb8;
	[tilespmem:$0x1E200] =	vst v63  }
0x69: {  	s22 =	simm.s32 $0x5A00  }
0x6a: {  	[tilespmem:s22], [sflag:$0x2] =	stream.indirect_vreg.gather [hbm4b:s7+s5], $0x80, v7, vm0, $0xb8;
	[tilespmem:$0x1E200] =	vst v63  }
0x6b: {  	v7 =	vld [tilespmem:$0x110];
	_ =	sdelay $0x4  }
0x6c: {  	v8 =	vshll.u32 v7, $0x2  }
0x6d: {  	v7 =	vand.u32 $0x7, v7;
	v8 =	vand.u32 $0xFFFFFFE0, v8  }
0x6e: {  	v7 =	vor.u32 v7, v8  }
0x6f: {  	v8 =	vperm.xlane v7, v4;
	_ =	sdelay $0x1  }
0x70: {  	v8 =	vadd.s32 v5, v8;
	_ =	sdelay $0x1  }
0x71: {  	v7 =	vperm.xlane v7, v6;
	_ =	sdelay $0x1  }
0x72: {  	s10 =	simm.s32 $0x6200;
	v7 =	vadd.s32 v5, v7  }
0x73: {  	[tilespmem:s10], [sflag:$0x2] =	stream.indirect_vreg.gather [hbm4b:s2+s5], $0x80, v8, vm0, $0xb8;
	[tilespmem:$0x1E200] =	vst v63  }
0x74: {  	s18 =	simm.s32 $0x6A00  }
0x75: {  	[tilespmem:s18], [sflag:$0x2] =	stream.indirect_vreg.gather [hbm4b:s7+s5], $0x80, v8, vm0, $0xb8;
	[tilespmem:$0x1E200] =	vst v63  }
0x76: {  	s19 =	simm.s32 $0x7200  }
0x77: {  	[tilespmem:s19], [sflag:$0x2] =	stream.indirect_vreg.gather [hbm4b:s2+s5], $0x80, v7, vm0, $0xb8;
	[tilespmem:$0x1E200] =	vst v63  }
0x78: {  	s20 =	simm.s32 $0x7A00  }
0x79: {  	[tilespmem:s20], [sflag:$0x2] =	stream.indirect_vreg.gather [hbm4b:s7+s5], $0x80, v7, vm0, $0xb8;
	[tilespmem:$0x1E200] =	vst v63  }
0x7a: {  	v7 =	vld [tilespmem:$0x120];
	_ =	sdelay $0x4  }
0x7b: {  	v8 =	vshll.u32 v7, $0x2  }
0x7c: {  	v7 =	vand.u32 $0x7, v7;
	v8 =	vand.u32 $0xFFFFFFE0, v8  }
0x7d: {  	v7 =	vor.u32 v7, v8  }
0x7e: {  	v8 =	vperm.xlane v7, v4;
	_ =	sdelay $0x1  }
0x7f: {  	v8 =	vadd.s32 v5, v8;
	_ =	sdelay $0x1  }
0x80: {  	v7 =	vperm.xlane v7, v6;
	_ =	sdelay $0x1  }
0x81: {  	s21 =	simm.s32 $0x8200;
	v7 =	vadd.s32 v5, v7  }
0x82: {  	[tilespmem:s21], [sflag:$0x2] =	stream.indirect_vreg.gather [hbm4b:s2+s5], $0x80, v8, vm0, $0xb8;
	[tilespmem:$0x1E200] =	vst v63  }
0x83: {  	s22 =	simm.s32 $0x8A00  }
0x84: {  	[tilespmem:s22], [sflag:$0x2] =	stream.indirect_vreg.gather [hbm4b:s7+s5], $0x80, v8, vm0, $0xb8;
	[tilespmem:$0x1E200] =	vst v63  }
0x85: {  	s10 =	simm.s32 $0x9200  }
0x86: {  	[tilespmem:s10], [sflag:$0x2] =	stream.indirect_vreg.gather [hbm4b:s2+s5], $0x80, v7, vm0, $0xb8;
	[tilespmem:$0x1E200] =	vst v63  }
0x87: {  	s18 =	simm.s32 $0x9A00  }
0x88: {  	[tilespmem:s18], [sflag:$0x2] =	stream.indirect_vreg.gather [hbm4b:s7+s5], $0x80, v7, vm0, $0xb8;
	[tilespmem:$0x1E200] =	vst v63  }
0x89: {  	v7 =	vld [tilespmem:$0x130];
	_ =	sdelay $0x4  }
0x8a: {  	v8 =	vshll.u32 v7, $0x2  }
0x8b: {  	v7 =	vand.u32 $0x7, v7;
	v8 =	vand.u32 $0xFFFFFFE0, v8  }
0x8c: {  	v7 =	vor.u32 v7, v8  }
0x8d: {  	v8 =	vperm.xlane v7, v4;
	_ =	sdelay $0x1  }
0x8e: {  	v8 =	vadd.s32 v5, v8;
	_ =	sdelay $0x1  }
0x8f: {  	v7 =	vperm.xlane v7, v6;
	_ =	sdelay $0x1  }
0x90: {  	s19 =	simm.s32 $0xA200;
	v7 =	vadd.s32 v5, v7  }
0x91: {  	[tilespmem:s19], [sflag:$0x2] =	stream.indirect_vreg.gather [hbm4b:s2+s5], $0x80, v8, vm0, $0xb8;
	[tilespmem:$0x1E200] =	vst v63  }
0x92: {  	s20 =	simm.s32 $0xAA00  }
0x93: {  	[tilespmem:s20], [sflag:$0x2] =	stream.indirect_vreg.gather [hbm4b:s7+s5], $0x80, v8, vm0, $0xb8;
	[tilespmem:$0x1E200] =	vst v63  }
0x94: {  	s21 =	simm.s32 $0xB200  }
0x95: {  	[tilespmem:s21], [sflag:$0x2] =	stream.indirect_vreg.gather [hbm4b:s2+s5], $0x80, v7, vm0, $0xb8;
	[tilespmem:$0x1E200] =	vst v63  }
0x96: {  	s22 =	simm.s32 $0xBA00  }
0x97: {  	[tilespmem:s22], [sflag:$0x2] =	stream.indirect_vreg.gather [hbm4b:s7+s5], $0x80, v7, vm0, $0xb8;
	[tilespmem:$0x1E200] =	vst v63  }
0x98: {  	v7 =	vld [tilespmem:$0x20];
	_ =	sdelay $0x2  }
0x99: {  	v8 =	vld [tilespmem:$0x0];
	_ =	sdelay $0x1  }
0x9a: {  	v7 =	vmul.f32 $3.125000000e-02, v7;
	_ =	sdelay $0x1  }
0x9b: {  	v9 =	vtrunc.f32 v7  }
0x9c: {  	v8 =	vmul.f32 $3.125000000e-02, v8;
	v10 =	vcvt.f32.s32 v9;
	_ =	sdelay $0x1  }
0x9d: {  	v11 =	vtrunc.f32 v8;
	v57 =	vmul.u32 $0x18, v10  }
0x9e: {  	v58 =	vcvt.f32.s32 v11  }
0x9f: {  	v12 =	vadd.s32 v2, v57  }
0xa0: {  	v59 =	vadd.s32 v58, v12  }
0xa1: {  	vm1 =	vgt.f32 v7, v9;
	v7 =	vshll.u32 v59, $0x2  }
0xa2: {  	v9 =	vsel vm1, $0x1, v3;
	v60 =	vand.u32 $0x7, v58;
	v7 =	vand.u32 $0xFFFFFFE0, v7  }
0xa3: {  	v9 =	vadd.s32 v10, v9;
	v7 =	vor.u32 v60, v7  }
0xa4: {  	v9 =	vmul.u32 $0x18, v9;
	v10 =	vperm.xlane v7, v4  }
0xa5: {  	vm1 =	vgt.f32 v8, v11  }
0xa6: {  	v8 =	vsel vm1, $0x1, v3;
	v9 =	vadd.s32 v2, v9;
	v10 =	vadd.s32 v5, v10  }
0xa7: {  	v8 =	vadd.s32 v58, v8;
	[tilespmem:$0x180] =	vst v59;
	v11 =	vadd.s32 v58, v9  }
0xa8: {  	[tilespmem:$0x190] =	vst v11;
	v11 =	vadd.s32 v12, v8;
	v7 =	vperm.xlane v7, v6  }
0xa9: {  	v8 =	vadd.s32 v8, v9;
	[tilespmem:$0x1A0] =	vst v11  }
0xaa: {  	s10 =	simm.s32 $0xC200;
	[tilespmem:$0x1B0] =	vst v8;
	v7 =	vadd.s32 v5, v7  }
0xab: {  	[tilespmem:s10], [sflag:$0x3] =	stream.indirect_vreg.gather [hbm4b:s3+s5], $0x80, v10, vm0, $0xb8;
	[tilespmem:$0x1E200] =	vst v63  }
0xac: {  	s18 =	simm.s32 $0xCA00  }
0xad: {  	[tilespmem:s18], [sflag:$0x3] =	stream.indirect_vreg.gather [hbm4b:s8+s5], $0x80, v10, vm0, $0xb8;
	[tilespmem:$0x1E200] =	vst v63  }
0xae: {  	s19 =	simm.s32 $0xD200  }
0xaf: {  	[tilespmem:s19], [sflag:$0x3] =	stream.indirect_vreg.gather [hbm4b:s3+s5], $0x80, v7, vm0, $0xb8;
	[tilespmem:$0x1E200] =	vst v63  }
0xb0: {  	s20 =	simm.s32 $0xDA00  }
0xb1: {  	[tilespmem:s20], [sflag:$0x3] =	stream.indirect_vreg.gather [hbm4b:s8+s5], $0x80, v7, vm0, $0xb8;
	[tilespmem:$0x1E200] =	vst v63  }
0xb2: {  	v7 =	vld [tilespmem:$0x190];
	_ =	sdelay $0x4  }
0xb3: {  	v8 =	vshll.u32 v7, $0x2  }
0xb4: {  	v7 =	vand.u32 $0x7, v7;
	v8 =	vand.u32 $0xFFFFFFE0, v8  }
0xb5: {  	v7 =	vor.u32 v7, v8  }
0xb6: {  	v8 =	vperm.xlane v7, v4;
	_ =	sdelay $0x1  }
0xb7: {  	v8 =	vadd.s32 v5, v8;
	_ =	sdelay $0x1  }
0xb8: {  	v7 =	vperm.xlane v7, v6;
	_ =	sdelay $0x1  }
0xb9: {  	s21 =	simm.s32 $0xE200;
	v7 =	vadd.s32 v5, v7  }
0xba: {  	[tilespmem:s21], [sflag:$0x3] =	stream.indirect_vreg.gather [hbm4b:s3+s5], $0x80, v8, vm0, $0xb8;
	[tilespmem:$0x1E200] =	vst v63  }
0xbb: {  	s22 =	simm.s32 $0xEA00  }
0xbc: {  	[tilespmem:s22], [sflag:$0x3] =	stream.indirect_vreg.gather [hbm4b:s8+s5], $0x80, v8, vm0, $0xb8;
	[tilespmem:$0x1E200] =	vst v63  }
0xbd: {  	_ = 	snop  }
0xbe: {  	[tilespmem:s23], [sflag:$0x3] =	stream.indirect_vreg.gather [hbm4b:s3+s5], $0x80, v7, vm0, $0xb8;
	[tilespmem:$0x1E200] =	vst v63  }
0xbf: {  	_ = 	snop  }
0xc0: {  	[tilespmem:s24], [sflag:$0x3] =	stream.indirect_vreg.gather [hbm4b:s8+s5], $0x80, v7, vm0, $0xb8;
	[tilespmem:$0x1E200] =	vst v63  }
0xc1: {  	v7 =	vld [tilespmem:$0x1A0];
	_ =	sdelay $0x4  }
0xc2: {  	v8 =	vshll.u32 v7, $0x2  }
0xc3: {  	v7 =	vand.u32 $0x7, v7;
	v8 =	vand.u32 $0xFFFFFFE0, v8  }
0xc4: {  	v7 =	vor.u32 v7, v8  }
0xc5: {  	v8 =	vperm.xlane v7, v4;
	_ =	sdelay $0x1  }
0xc6: {  	v8 =	vadd.s32 v5, v8;
	_ =	sdelay $0x1  }
0xc7: {  	v7 =	vperm.xlane v7, v6;
	_ =	sdelay $0x1  }
0xc8: {  	v7 =	vadd.s32 v5, v7  }
0xc9: {  	[tilespmem:s25], [sflag:$0x3] =	stream.indirect_vreg.gather [hbm4b:s3+s5], $0x80, v8, vm0, $0xb8;
	[tilespmem:$0x1E200] =	vst v63  }
0xca: {  	_ = 	snop  }
0xcb: {  	[tilespmem:s26], [sflag:$0x3] =	stream.indirect_vreg.gather [hbm4b:s8+s5], $0x80, v8, vm0, $0xb8;
	[tilespmem:$0x1E200] =	vst v63  }
0xcc: {  	_ = 	snop  }
0xcd: {  	[tilespmem:s28], [sflag:$0x3] =	stream.indirect_vreg.gather [hbm4b:s3+s5], $0x80, v7, vm0, $0xb8;
	[tilespmem:$0x1E200] =	vst v63  }
0xce: {  	_ = 	snop  }
0xcf: {  	[tilespmem:s29], [sflag:$0x3] =	stream.indirect_vreg.gather [hbm4b:s8+s5], $0x80, v7, vm0, $0xb8;
	[tilespmem:$0x1E200] =	vst v63  }
0xd0: {  	v7 =	vld [tilespmem:$0x1B0];
	_ =	sdelay $0x4  }
0xd1: {  	v8 =	vshll.u32 v7, $0x2  }
0xd2: {  	v7 =	vand.u32 $0x7, v7;
	v8 =	vand.u32 $0xFFFFFFE0, v8  }
0xd3: {  	v7 =	vor.u32 v7, v8  }
0xd4: {  	v8 =	vperm.xlane v7, v4;
	_ =	sdelay $0x1  }
0xd5: {  	v8 =	vadd.s32 v5, v8;
	_ =	sdelay $0x1  }
0xd6: {  	v7 =	vperm.xlane v7, v6;
	_ =	sdelay $0x1  }
0xd7: {  	v7 =	vadd.s32 v5, v7  }
0xd8: {  	[tilespmem:s30], [sflag:$0x3] =	stream.indirect_vreg.gather [hbm4b:s3+s5], $0x80, v8, vm0, $0xb8;
	[tilespmem:$0x1E200] =	vst v63  }
0xd9: {  	_ = 	snop  }
0xda: {  	[tilespmem:s31], [sflag:$0x3] =	stream.indirect_vreg.gather [hbm4b:s8+s5], $0x80, v8, vm0, $0xb8;
	[tilespmem:$0x1E200] =	vst v63  }
0xdb: {  	_ = 	snop  }
0xdc: {  	[tilespmem:s0], [sflag:$0x3] =	stream.indirect_vreg.gather [hbm4b:s3+s5], $0x80, v7, vm0, $0xb8;
	[tilespmem:$0x1E200] =	vst v63  }
0xdd: {  	_ = 	snop  }
0xde: {  	[tilespmem:s4], [sflag:$0x3] =	stream.indirect_vreg.gather [hbm4b:s8+s5], $0x80, v7, vm0, $0xb8;
	[tilespmem:$0x1E200] =	vst v63  }
0xdf: {  	_ =	swait.ge [sflag:s13], $0x4000  }
0xe0: {  	[sflag:s13] =	ssyncset.done $0x0  }
0xe1: {  	[sflag:s13] =	ssyncadd.s32 $0xFFFFC000  }
0xe2: {  	v7 =	vld [tilespmem:$0x0]  }
0xe3: {  	v8 =	vld [tilespmem:$0x20];
	_ =	sdelay $0x3  }
0xe4: {  	v7 =	vmul.f32 $1.250000000e-01, v7  }
0xe5: {  	v8 =	vmul.f32 $1.250000000e-01, v8  }
0xe6: {  	v9 =	vtrunc.f32 v7  }
0xe7: {  	v10 =	vtrunc.f32 v8;
	v9 =	vcvt.f32.s32 v9  }
0xe8: {  	v10 =	vcvt.f32.s32 v10  }
0xe9: {  	v11 =	vcvt.s32.f32 v9  }
0xea: {  	v61 =	vcvt.s32.f32 v10  }
0xeb: {  	vm1 =	vgt.f32 v7, v11  }
0xec: {  	v62 =	vsel vm1, $0x1, v3;
	vm1 =	vgt.f32 v8, v61  }
0xed: {  	v63 =	vsel vm1, $0x1, v3  }
0xee: {  	v9 =	vadd.s32 v9, v62;
	v10 =	vadd.s32 v10, v63  }
0xef: {  	v9 =	vcvt.s32.f32 v9;
	v10 =	vcvt.s32.f32 v10  }
0xf0: {  	v12 =	vsub.f32 v8, v61  }
0xf1: {  	v9 =	vsub.f32 v9, v7;
	v10 =	vsub.f32 v10, v8  }
0xf2: {  	v11 =	vsub.f32 v7, v11  }
0xf3: {  	v8 =	vmul.f32 v9, v12;
	v7 =	vmul.f32 v10, v9  }
0xf4: {  	s9 =	simm.s32 $0x0;
	v9 =	vmul.f32 v10, v11;
	v10 =	vmul.f32 v12, v11  }
.LBB2_2:
0xf5: {  	s18 =	sshll.u32 s9, $0x7;
	s19 =	sshll.u32 s9, $0x8  }
0xf6: {  	s10 =	sshrl.u32 s9, $0x3;
	s18 =	sand.u32 $0x380, s18;
	s20 =	sand.u32 $0x3FFFF800, s19  }
0xf7: {  	s10 =	smul.u32 $0xA000, s10;
	s19 =	sand.u32 $0x800, s19;
	s20 =	sor.u32 s18, s20  }
0xf8: {  	v11 =	vmov s9;
	s19 =	sor.u32 s18, s19;
	s20 =	sadd.s32 $0x200, s20  }
0xf9: {  	v11 =	vand.u32 $0xF, v11;
	s10 =	sshra.s32 s10, $0x2;
	s21 =	sadd.s32 $0x1200, s19;
	v15 =	vmov s20  }
0xfa: {  	v14 =	vbroadcast v11, $0x0;
	s10 =	sor.u32 s18, s10;
	s18 =	sadd.s32 $0x2200, s19;
	v16 =	vmov s21  }
0xfb: {  	s19 =	sadd.s32 $0x3200, s19;
	v17 =	vmov s18  }
0xfc: {  	v11 =	vperm.xlane v7, v14;
	v12 =	vperm.xlane v8, v14;
	s22 =	sadd.s32 $0x14200, s10;
	v18 =	vmov s19  }
0xfd: {  	p0 =	por $0x1, $0x1;
	v13 =	vperm.xlane v9, v14;
	v14 =	vperm.xlane v10, v14;
	s10 =	simm.s32 $0x0;
	v19 =	vmov s22  }
.LBB2_3:
0xfe: {  	v20 =	vld.idx.msk [tilespmem:v15+s10+$0x0 ss:$0x1], $0xffff  }
0xff: {  	v21 =	vld.idx.msk [tilespmem:v16+s10+$0x0 ss:$0x1], $0xffff  }
0x100: {  	v22 =	vld.idx.msk [tilespmem:v17+s10+$0x0 ss:$0x1], $0xffff  }
0x101: {  	v23 =	vld.idx.msk [tilespmem:v18+s10+$0x0 ss:$0x1], $0xffff  }
0x102: {  	v24 =	vld.idx.msk [tilespmem:v15+s10+$0x10 ss:$0x1], $0xffff  }
0x103: {  	v25 =	vld.idx.msk [tilespmem:v16+s10+$0x10 ss:$0x1], $0xffff  }
0x104: {  	v26 =	vld.idx.msk [tilespmem:v17+s10+$0x10 ss:$0x1], $0xffff  }
0x105: {  	v27 =	vld.idx.msk [tilespmem:v18+s10+$0x10 ss:$0x1], $0xffff  }
0x106: {  	v28 =	vld.idx.msk [tilespmem:v15+s10+$0x20 ss:$0x1], $0xffff  }
0x107: {  	v29 =	vld.idx.msk [tilespmem:v16+s10+$0x20 ss:$0x1], $0xffff  }
0x108: {  	v30 =	vld.idx.msk [tilespmem:v17+s10+$0x20 ss:$0x1], $0xffff  }
0x109: {  	v31 =	vld.idx.msk [tilespmem:v18+s10+$0x20 ss:$0x1], $0xffff  }
0x10a: {  	v32 =	vld.idx.msk [tilespmem:v15+s10+$0x30 ss:$0x1], $0xffff  }
0x10b: {  	v33 =	vld.idx.msk [tilespmem:v16+s10+$0x30 ss:$0x1], $0xffff  }
0x10c: {  	v34 =	vld.idx.msk [tilespmem:v17+s10+$0x30 ss:$0x1], $0xffff  }
0x10d: {  	v35 =	vld.idx.msk [tilespmem:v18+s10+$0x30 ss:$0x1], $0xffff  }
0x10e: {  	v36 =	vld.idx.msk [tilespmem:v15+s10+$0x40 ss:$0x1], $0xffff;
	v20 =	vmul.f32 v20, v11;
	v21 =	vmul.f32 v21, v12  }
0x10f: {  	v37 =	vld.idx.msk [tilespmem:v16+s10+$0x40 ss:$0x1], $0xffff;
	v24 =	vmul.f32 v24, v11;
	v25 =	vmul.f32 v25, v12  }
0x110: {  	v49 =	vld.idx.msk [tilespmem:v15+s10+$0x50 ss:$0x1], $0xffff;
	v45 =	vmul.f32 v22, v13;
	v46 =	vmul.f32 v23, v14  }
0x111: {  	v52 =	vld.idx.msk [tilespmem:v16+s10+$0x50 ss:$0x1], $0xffff;
	v47 =	vmul.f32 v26, v13;
	v48 =	vmul.f32 v27, v14  }
0x112: {  	v55 =	vld.idx.msk [tilespmem:v17+s10+$0x50 ss:$0x1], $0xffff;
	v50 =	vmul.f32 v28, v11;
	v51 =	vmul.f32 v29, v12  }
0x113: {  	v61 =	vld.idx.msk [tilespmem:v16+s10+$0x60 ss:$0x1], $0xffff;
	v53 =	vmul.f32 v32, v11;
	v54 =	vmul.f32 v33, v12  }
0x114: {  	v57 =	vld.idx.msk [tilespmem:v18+s10+$0x50 ss:$0x1], $0xffff;
	v56 =	vmul.f32 v30, v13;
	v58 =	vmul.f32 v34, v13  }
0x115: {  	v39 =	vld.idx.msk [tilespmem:v15+s10+$0x70 ss:$0x1], $0xffff;
	v60 =	vmul.f32 v31, v14;
	v63 =	vmul.f32 v35, v14;
	v20 =	vadd.f32 v21, v20  }
0x116: {  	v42 =	vld.idx.msk [tilespmem:v16+s10+$0x70 ss:$0x1], $0xffff;
	v40 =	vmul.f32 v36, v11;
	v41 =	vmul.f32 v37, v12  }
0x117: {  	v59 =	vld.idx.msk [tilespmem:v15+s10+$0x60 ss:$0x1], $0xffff;
	v43 =	vmul.f32 v49, v11;
	v44 =	vmul.f32 v52, v12;
	v20 =	vadd.f32 v45, v20  }
0x118: {  	v23 =	vld.idx.msk [tilespmem:v18+s10+$0x40 ss:$0x1], $0xffff;
	v49 =	vmul.f32 v55, v13;
	v22 =	vmul.f32 v61, v12;
	v24 =	vadd.f32 v25, v24  }
0x119: {  	v57 =	vmul.f32 v57, v14;
	v21 =	vadd.f32 v51, v50;
	v20 =	vadd.f32 v46, v20  }
0x11a: {  	v38 =	vld.idx.msk [tilespmem:v17+s10+$0x40 ss:$0x1], $0xffff;
	v25 =	vadd.f32 v54, v53;
	v53 =	vmul.f32 v39, v11;
	v24 =	vadd.f32 v47, v24  }
0x11b: {  	v54 =	vmul.f32 v42, v12;
	v47 =	vld.idx.msk [tilespmem:v17+s10+$0x70 ss:$0x1], $0xffff;
	[tilespmem:v19+s10+$0x0 ss:$0x1] =	vst.idx.msk $0xffff, v20;
	v20 =	vadd.f32 v56, v21  }
0x11c: {  	v51 =	vmul.f32 v59, v11;
	v62 =	vadd.f32 v58, v25;
	v45 =	vld.idx.msk [tilespmem:v17+s10+$0x60 ss:$0x1], $0xffff;
	v24 =	vadd.f32 v48, v24  }
0x11d: {  	v52 =	vld.idx.msk [tilespmem:v18+s10+$0x70 ss:$0x1], $0xffff;
	v25 =	vadd.f32 v54, v53;
	v55 =	vmul.f32 v23, v14;
	v20 =	vadd.f32 v60, v20  }
0x11e: {  	v50 =	vld.idx.msk [tilespmem:v18+s10+$0x60 ss:$0x1], $0xffff;
	v48 =	vadd.f32 v44, v43;
	[tilespmem:v19+s10+$0x10 ss:$0x1] =	vst.idx.msk $0xffff, v24;
	v24 =	vadd.f32 v63, v62  }
0x11f: {  	v46 =	vmul.f32 v38, v13;
	[tilespmem:v19+s10+$0x20 ss:$0x1] =	vst.idx.msk $0xffff, v20;
	v20 =	vadd.f32 v41, v40  }
0x120: {  	v58 =	vmul.f32 v47, v13;
	[tilespmem:v19+s10+$0x30 ss:$0x1] =	vst.idx.msk $0xffff, v24;
	v24 =	vadd.f32 v49, v48  }
0x121: {  	v21 =	vadd.f32 v22, v51;
	v56 =	vmul.f32 v45, v13;
	v20 =	vadd.f32 v46, v20  }
0x122: {  	p1 =	por p0, p0;
	v62 =	vmul.f32 v52, v14;
	v61 =	vadd.f32 v58, v25;
	v60 =	vadd.f32 v57, v24  }
.Ltmp0:
0x123: {  	v59 =	vmul.f32 v50, v14;
	v21 =	vadd.f32 v56, v21;
	v20 =	vadd.f32 v55, v20;
	(pc) =	sbr.rel @p1 .LBB2_3-.Ltmp0, $4  }
0x124: {  	v63 =	vadd.f32 v62, v61;
	[tilespmem:v19+s10+$0x50 ss:$0x1] =	vst.idx.msk $0xffff, v60  }
0x125: {  	[tilespmem:v19+s10+$0x40 ss:$0x1] =	vst.idx.msk $0xffff, v20;
	v20 =	vadd.f32 v59, v21  }
0x126: {  	[tilespmem:v19+s10+$0x70 ss:$0x1] =	vst.idx.msk $0xffff, v63  }
0x127: {  	p0 =	por $0x0, $0x0;
	[tilespmem:v19+s10+$0x60 ss:$0x1] =	vst.idx.msk $0xffff, v20;
	s10 =	simm.s32 $0x400  }
0x128: {  	s9 =	sadd.s32 $0x1, s9  }
0x129: {  	p0 =	sne.s32 s9, $0x10  }
.Ltmp1:
0x12a: {  	_ = 	snop;
	(pc) =	sbr.rel @p0 .LBB2_2-.Ltmp1, $1  }
0x12b: {  	_ =	sdelay $0x3  }
0x12c: {  	v7 =	vld [tilespmem:$0x30];
	_ =	sdelay $0x2  }
0x12d: {  	v8 =	vld [tilespmem:$0x10];
	_ =	sdelay $0x1  }
0x12e: {  	v7 =	vmul.f32 $1.250000000e-01, v7;
	_ =	sdelay $0x1  }
0x12f: {  	v9 =	vtrunc.f32 v7  }
0x130: {  	v8 =	vmul.f32 $1.250000000e-01, v8;
	v10 =	vcvt.f32.s32 v9;
	_ =	sdelay $0x1  }
0x131: {  	v11 =	vtrunc.f32 v8;
	v12 =	vmul.u32 $0x60, v10  }
0x132: {  	v13 =	vcvt.f32.s32 v11  }
0x133: {  	v12 =	vadd.s32 v0, v12  }
0x134: {  	v14 =	vadd.s32 v13, v12  }
0x135: {  	vm1 =	vgt.f32 v7, v9;
	v7 =	vshll.u32 v14, $0x1  }
0x136: {  	v9 =	vsel vm1, $0x1, v3;
	v15 =	vand.u32 $0x7, v13;
	v7 =	vand.u32 $0xFFFFFFF0, v7  }
0x137: {  	v9 =	vadd.s32 v10, v9;
	v7 =	vor.u32 v15, v7  }
0x138: {  	vm1 =	vgt.f32 v8, v11;
	v8 =	vmul.u32 $0x60, v9;
	v9 =	vperm.xlane v7, v4  }
0x139: {  	v10 =	vsel vm1, $0x1, v3  }
0x13a: {  	v8 =	vadd.s32 v0, v8;
	v7 =	vperm.xlane v7, v6;
	v9 =	vadd.s32 v5, v9  }
0x13b: {  	v10 =	vadd.s32 v13, v10;
	[tilespmem:$0x80] =	vst v14;
	v11 =	vadd.s32 v13, v8  }
0x13c: {  	v8 =	vadd.s32 v10, v8;
	[tilespmem:$0x90] =	vst v11;
	v7 =	vadd.s32 v5, v7  }
0x13d: {  	v11 =	vadd.s32 v12, v10;
	[tilespmem:$0xB0] =	vst v8  }
0x13e: {  	s18 =	simm.s32 $0x0;
	s9 =	simm.s32 $0x200;
	[tilespmem:$0xA0] =	vst v11  }
0x13f: {  	[tilespmem:s9], [sflag:$0x1] =	stream.indirect_vreg.gather [hbm4b:s1+s18], $0x80, v9, vm0, $0xb8;
	[tilespmem:$0x1E200] =	vst v63  }
0x140: {  	s21 =	simm.s32 $0xA00  }
0x141: {  	[tilespmem:s21], [sflag:$0x1] =	stream.indirect_vreg.gather [hbm4b:s1+s18], $0x80, v7, vm0, $0xb8;
	[tilespmem:$0x1E200] =	vst v63  }
0x142: {  	v7 =	vld [tilespmem:$0x90];
	_ =	sdelay $0x4  }
0x143: {  	v8 =	vshll.u32 v7, $0x1  }
0x144: {  	v7 =	vand.u32 $0x7, v7;
	v8 =	vand.u32 $0xFFFFFFF0, v8  }
0x145: {  	v7 =	vor.u32 v7, v8  }
0x146: {  	v8 =	vperm.xlane v7, v4;
	_ =	sdelay $0x1  }
0x147: {  	v7 =	vperm.xlane v7, v6;
	v8 =	vadd.s32 v5, v8;
	_ =	sdelay $0x1  }
0x148: {  	v7 =	vadd.s32 v5, v7;
	_ =	sdelay $0x1  }
0x149: {  	s22 =	simm.s32 $0x1200  }
0x14a: {  	[tilespmem:s22], [sflag:$0x1] =	stream.indirect_vreg.gather [hbm4b:s1+s18], $0x80, v8, vm0, $0xb8;
	[tilespmem:$0x1E200] =	vst v63  }
0x14b: {  	s10 =	simm.s32 $0x1A00  }
0x14c: {  	[tilespmem:s10], [sflag:$0x1] =	stream.indirect_vreg.gather [hbm4b:s1+s18], $0x80, v7, vm0, $0xb8;
	[tilespmem:$0x1E200] =	vst v63  }
0x14d: {  	v7 =	vld [tilespmem:$0xA0];
	_ =	sdelay $0x4  }
0x14e: {  	v8 =	vshll.u32 v7, $0x1  }
0x14f: {  	v7 =	vand.u32 $0x7, v7;
	v8 =	vand.u32 $0xFFFFFFF0, v8  }
0x150: {  	v7 =	vor.u32 v7, v8  }
0x151: {  	v8 =	vperm.xlane v7, v4;
	_ =	sdelay $0x1  }
0x152: {  	v7 =	vperm.xlane v7, v6;
	v8 =	vadd.s32 v5, v8;
	_ =	sdelay $0x1  }
0x153: {  	v7 =	vadd.s32 v5, v7;
	_ =	sdelay $0x1  }
0x154: {  	s19 =	simm.s32 $0x2200  }
0x155: {  	[tilespmem:s19], [sflag:$0x1] =	stream.indirect_vreg.gather [hbm4b:s1+s18], $0x80, v8, vm0, $0xb8;
	[tilespmem:$0x1E200] =	vst v63  }
0x156: {  	s20 =	simm.s32 $0x2A00  }
0x157: {  	[tilespmem:s20], [sflag:$0x1] =	stream.indirect_vreg.gather [hbm4b:s1+s18], $0x80, v7, vm0, $0xb8;
	[tilespmem:$0x1E200] =	vst v63  }
0x158: {  	v7 =	vld [tilespmem:$0xB0];
	_ =	sdelay $0x4  }
0x159: {  	v8 =	vshll.u32 v7, $0x1  }
0x15a: {  	v7 =	vand.u32 $0x7, v7;
	v8 =	vand.u32 $0xFFFFFFF0, v8  }
0x15b: {  	v7 =	vor.u32 v7, v8  }
0x15c: {  	v8 =	vperm.xlane v7, v4;
	_ =	sdelay $0x1  }
0x15d: {  	v7 =	vperm.xlane v7, v6;
	v8 =	vadd.s32 v5, v8;
	_ =	sdelay $0x1  }
0x15e: {  	v7 =	vadd.s32 v5, v7;
	_ =	sdelay $0x1  }
0x15f: {  	s21 =	simm.s32 $0x3200  }
0x160: {  	[tilespmem:s21], [sflag:$0x1] =	stream.indirect_vreg.gather [hbm4b:s1+s18], $0x80, v8, vm0, $0xb8;
	[tilespmem:$0x1E200] =	vst v63  }
0x161: {  	s22 =	simm.s32 $0x3A00  }
0x162: {  	[tilespmem:s22], [sflag:$0x1] =	stream.indirect_vreg.gather [hbm4b:s1+s18], $0x80, v7, vm0, $0xb8;
	[tilespmem:$0x1E200] =	vst v63  }
0x163: {  	_ =	swait.ge [sflag:s6], $0x8000  }
0x164: {  	[sflag:s6] =	ssyncset.done $0x0  }
0x165: {  	[sflag:s6] =	ssyncadd.s32 $0xFFFF8000  }
0x166: {  	v7 =	vld [tilespmem:$0x0]  }
0x167: {  	v8 =	vld [tilespmem:$0x20];
	_ =	sdelay $0x3  }
0x168: {  	v7 =	vmul.f32 $6.250000000e-02, v7  }
0x169: {  	v8 =	vmul.f32 $6.250000000e-02, v8  }
0x16a: {  	v9 =	vtrunc.f32 v7  }
0x16b: {  	v10 =	vtrunc.f32 v8;
	v9 =	vcvt.f32.s32 v9  }
0x16c: {  	v10 =	vcvt.f32.s32 v10  }
0x16d: {  	v11 =	vcvt.s32.f32 v9  }
0x16e: {  	v61 =	vcvt.s32.f32 v10  }
0x16f: {  	vm1 =	vgt.f32 v7, v11  }
0x170: {  	v62 =	vsel vm1, $0x1, v3;
	vm1 =	vgt.f32 v8, v61  }
0x171: {  	v63 =	vsel vm1, $0x1, v3  }
0x172: {  	v9 =	vadd.s32 v9, v62;
	v10 =	vadd.s32 v10, v63  }
0x173: {  	v9 =	vcvt.s32.f32 v9;
	v10 =	vcvt.s32.f32 v10  }
0x174: {  	v12 =	vsub.f32 v8, v61  }
0x175: {  	v9 =	vsub.f32 v9, v7;
	v10 =	vsub.f32 v10, v8  }
0x176: {  	v11 =	vsub.f32 v7, v11  }
0x177: {  	v8 =	vmul.f32 v9, v12;
	v7 =	vmul.f32 v10, v9  }
0x178: {  	s9 =	simm.s32 $0x0;
	s19 =	simm.s32 $0x0;
	v9 =	vmul.f32 v10, v11;
	v10 =	vmul.f32 v12, v11  }
.LBB2_6:
0x179: {  	s10 =	sand.u32 $0x7, s19  }
0x17a: {  	s10 =	sshll.u32 s10, $0x9  }
0x17b: {  	s10 =	sshrl.u32 s10, $0x2  }
0x17c: {  	v11 =	vmov s10;
	_ =	sdelay $0x1  }
0x17d: {  	s22 =	sshll.u32 s9, $0x9  }
0x17e: {  	s10 =	sand.u32 $0x3FFFF000, s22  }
0x17f: {  	s20 =	sand.u32 $0x3FFFF000, s18;
	s22 =	sadd.s32 $0x4200, s10  }
0x180: {  	s20 =	sadd.s32 $0x4200, s20;
	v12 =	vld.idx.msk [tilespmem:v11+s22+$0x70 ss:$0x1], $0xffff  }
0x181: {  	v16 =	vld.idx.msk [tilespmem:v11+s20+$0x2070 ss:$0x1], $0xffff  }
0x182: {  	v17 =	vld.idx.msk [tilespmem:v11+s20+$0x2000 ss:$0x1], $0xffff  }
0x183: {  	v18 =	vld.idx.msk [tilespmem:v11+s20+$0x4070 ss:$0x1], $0xffff  }
0x184: {  	v19 =	vld.idx.msk [tilespmem:v11+s22+$0x10 ss:$0x1], $0xffff  }
0x185: {  	v20 =	vld.idx.msk [tilespmem:v11+s20+$0x6070 ss:$0x1], $0xffff  }
0x186: {  	v21 =	vld.idx.msk [tilespmem:v11+s20+$0x2010 ss:$0x1], $0xffff  }
0x187: {  	v22 =	vld.idx.msk [tilespmem:v11+s22+$0x20 ss:$0x1], $0xffff  }
0x188: {  	v23 =	vld.idx.msk [tilespmem:v11+s20+$0x2020 ss:$0x1], $0xffff  }
0x189: {  	v13 =	vmov s9;
	v24 =	vld.idx.msk [tilespmem:v11+s22+$0x30 ss:$0x1], $0xffff  }
0x18a: {  	v13 =	vand.u32 $0xF, v13;
	v25 =	vld.idx.msk [tilespmem:v11+s20+$0x2030 ss:$0x1], $0xffff  }
0x18b: {  	v26 =	vbroadcast v13, $0x0;
	v27 =	vld.idx.msk [tilespmem:v11+s22+$0x40 ss:$0x1], $0xffff  }
0x18c: {  	v28 =	vld.idx.msk [tilespmem:v11+s20+$0x2040 ss:$0x1], $0xffff  }
0x18d: {  	v13 =	vperm.xlane v7, v26;
	v14 =	vperm.xlane v8, v26;
	v29 =	vld.idx.msk [tilespmem:v11+s22+$0x50 ss:$0x1], $0xffff  }
0x18e: {  	v15 =	vperm.xlane v9, v26;
	v30 =	vld.idx.msk [tilespmem:v11+s20+$0x2050 ss:$0x1], $0xffff  }
0x18f: {  	v32 =	vld.idx.msk [tilespmem:v11+s22+$0x60 ss:$0x1], $0xffff;
	v31 =	vmul.f32 v12, v13;
	v16 =	vmul.f32 v16, v14  }
0x190: {  	v33 =	vld.idx.msk [tilespmem:v11+s20+$0x2060 ss:$0x1], $0xffff  }
0x191: {  	v34 =	vld.idx.msk [tilespmem:v11+s20+$0x4020 ss:$0x1], $0xffff;
	v12 =	vperm.xlane v10, v26;
	v18 =	vmul.f32 v18, v15;
	v16 =	vadd.f32 v16, v31  }
0x192: {  	v62 =	vld.idx.msk [tilespmem:v11+s20+$0x6000 ss:$0x1], $0xffff;
	v19 =	vmul.f32 v19, v13;
	v21 =	vmul.f32 v21, v14  }
0x193: {  	v26 =	vld.idx.msk [tilespmem:v11+s22+$0x0 ss:$0x1], $0xffff;
	v16 =	vadd.f32 v18, v16;
	v18 =	vmul.f32 v20, v12  }
0x194: {  	v22 =	vmul.f32 v22, v13;
	v31 =	vld.idx.msk [tilespmem:v11+s20+$0x4000 ss:$0x1], $0xffff;
	v19 =	vadd.f32 v21, v19;
	v21 =	vmul.f32 v25, v14  }
0x195: {  	v25 =	vmul.f32 v27, v13;
	v27 =	vld.idx.msk [tilespmem:v11+s20+$0x4040 ss:$0x1], $0xffff;
	v18 =	vadd.f32 v18, v16;
	v16 =	vmul.f32 v23, v14  }
0x196: {  	v17 =	vmul.f32 v17, v14;
	v20 =	vld.idx.msk [tilespmem:v11+s20+$0x4010 ss:$0x1], $0xffff;
	v23 =	vmul.f32 v24, v13  }
0x197: {  	v24 =	vld.idx.msk [tilespmem:v11+s20+$0x4030 ss:$0x1], $0xffff;
	v35 =	vadd.f32 v16, v22;
	v16 =	vmul.f32 v28, v14;
	v22 =	vmul.f32 v29, v13  }
0x198: {  	v28 =	vld.idx.msk [tilespmem:v11+s20+$0x4050 ss:$0x1], $0xffff;
	v29 =	vadd.f32 v21, v23;
	v21 =	vmul.f32 v30, v14;
	v23 =	vmul.f32 v26, v13  }
0x199: {  	v30 =	vld.idx.msk [tilespmem:v11+s20+$0x4060 ss:$0x1], $0xffff;
	v36 =	vadd.f32 v16, v25;
	v16 =	vmul.f32 v32, v13;
	v25 =	vmul.f32 v33, v14  }
0x19a: {  	s21 =	sshrl.u32 s9, $0x3;
	v63 =	vadd.f32 v21, v22;
	v21 =	vmul.f32 v31, v15;
	v17 =	vadd.f32 v17, v23;
	v22 =	vld.idx.msk [tilespmem:v11+s20+$0x6010 ss:$0x1], $0xffff  }
0x19b: {  	s10 =	smul.u32 $0xA000, s21;
	v20 =	vmul.f32 v20, v15;
	v23 =	vld.idx.msk [tilespmem:v11+s20+$0x6020 ss:$0x1], $0xffff;
	v16 =	vadd.f32 v25, v16;
	v25 =	vmul.f32 v34, v15  }
0x19c: {  	v27 =	vmul.f32 v27, v15;
	v26 =	vadd.f32 v21, v17;
	v17 =	vmul.f32 v24, v15;
	v24 =	vld.idx.msk [tilespmem:v11+s20+$0x6030 ss:$0x1], $0xffff  }
0x19d: {  	s10 =	sshra.s32 s10, $0x2;
	v21 =	vadd.f32 v20, v19;
	v28 =	vmul.f32 v28, v15;
	v19 =	vadd.f32 v25, v35;
	v25 =	vld.idx.msk [tilespmem:v11+s20+$0x6040 ss:$0x1], $0xffff  }
0x19e: {  	s21 =	sadd.s32 $0x14A00, s10;
	v20 =	vadd.f32 v17, v29;
	v17 =	vadd.f32 v27, v36;
	v27 =	vld.idx.msk [tilespmem:v11+s20+$0x6050 ss:$0x1], $0xffff;
	v29 =	vmul.f32 v30, v15  }
0x19f: {  	s10 =	simm.s32 $0x0;
	s22 =	sadd.s32 $0x400, s22;
	[tilespmem:v11+s21+$0x70 ss:$0x1] =	vst.idx.msk $0xffff, v18;
	v30 =	vmul.f32 v62, v12;
	v18 =	vadd.f32 v28, v63;
	v28 =	vld.idx.msk [tilespmem:v11+s20+$0x6060 ss:$0x1], $0xffff  }
.LBB2_7:
0x1a0: {  	v31 =	vld.idx.msk [tilespmem:v11+s22+$0x70 ss:$0x1], $0xffff;
	v22 =	vmul.f32 v22, v12;
	v16 =	vadd.f32 v29, v16;
	s20 =	sadd.s32 $0x400, s20  }
0x1a1: {  	s10 =	sadd.s32 $0x8, s10;
	v23 =	vmul.f32 v23, v12;
	v29 =	vld.idx.msk [tilespmem:v11+s20+$0x2070 ss:$0x1], $0xffff;
	v26 =	vadd.f32 v30, v26  }
0x1a2: {  	p0 =	slt.u32 s10, $0x18;
	v30 =	vld.idx.msk [tilespmem:v11+s20+$0x2000 ss:$0x1], $0xffff;
	v21 =	vadd.f32 v22, v21;
	v22 =	vmul.f32 v24, v12  }
0x1a3: {  	v19 =	vadd.f32 v23, v19;
	v23 =	vmul.f32 v25, v12;
	v24 =	vld.idx.msk [tilespmem:v11+s20+$0x4070 ss:$0x1], $0xffff;
	[tilespmem:v11+s21+$0x0 ss:$0x1] =	vst.idx.msk $0xffff, v26  }
0x1a4: {  	v25 =	vld.idx.msk [tilespmem:v11+s22+$0x10 ss:$0x1], $0xffff;
	[tilespmem:v11+s21+$0x10 ss:$0x1] =	vst.idx.msk $0xffff, v21;
	v20 =	vadd.f32 v22, v20;
	v21 =	vmul.f32 v27, v12  }
0x1a5: {  	v17 =	vadd.f32 v23, v17;
	v22 =	vld.idx.msk [tilespmem:v11+s20+$0x6070 ss:$0x1], $0xffff;
	[tilespmem:v11+s21+$0x20 ss:$0x1] =	vst.idx.msk $0xffff, v19;
	v19 =	vmul.f32 v28, v12  }
0x1a6: {  	v23 =	vld.idx.msk [tilespmem:v11+s20+$0x2010 ss:$0x1], $0xffff;
	[tilespmem:v11+s21+$0x30 ss:$0x1] =	vst.idx.msk $0xffff, v20;
	v18 =	vadd.f32 v21, v18  }
0x1a7: {  	v21 =	vmul.f32 v31, v13;
	v26 =	vmul.f32 v29, v14;
	v20 =	vld.idx.msk [tilespmem:v11+s22+$0x20 ss:$0x1], $0xffff;
	v16 =	vadd.f32 v19, v16  }
0x1a8: {  	v19 =	vmul.f32 v30, v14;
	v27 =	vld.idx.msk [tilespmem:v11+s20+$0x2020 ss:$0x1], $0xffff;
	[tilespmem:v11+s21+$0x40 ss:$0x1] =	vst.idx.msk $0xffff, v17  }
0x1a9: {  	v21 =	vadd.f32 v26, v21;
	v24 =	vmul.f32 v24, v15;
	v17 =	vld.idx.msk [tilespmem:v11+s22+$0x30 ss:$0x1], $0xffff;
	[tilespmem:v11+s21+$0x50 ss:$0x1] =	vst.idx.msk $0xffff, v18  }
0x1aa: {  	v18 =	vmul.f32 v25, v13;
	v25 =	vld.idx.msk [tilespmem:v11+s20+$0x2030 ss:$0x1], $0xffff;
	[tilespmem:v11+s21+$0x60 ss:$0x1] =	vst.idx.msk $0xffff, v16  }
0x1ab: {  	v21 =	vadd.f32 v24, v21;
	v22 =	vmul.f32 v22, v12;
	v16 =	vld.idx.msk [tilespmem:v11+s22+$0x40 ss:$0x1], $0xffff  }
0x1ac: {  	v23 =	vmul.f32 v23, v14;
	v24 =	vld.idx.msk [tilespmem:v11+s20+$0x2040 ss:$0x1], $0xffff  }
0x1ad: {  	v20 =	vmul.f32 v20, v13;
	v21 =	vadd.f32 v22, v21;
	v26 =	vld.idx.msk [tilespmem:v11+s22+$0x50 ss:$0x1], $0xffff  }
0x1ae: {  	s21 =	sadd.s32 $0x400, s21;
	v18 =	vadd.f32 v23, v18;
	v22 =	vmul.f32 v27, v14;
	v23 =	vld.idx.msk [tilespmem:v11+s20+$0x2050 ss:$0x1], $0xffff  }
0x1af: {  	v17 =	vmul.f32 v17, v13;
	v27 =	vld.idx.msk [tilespmem:v11+s22+$0x60 ss:$0x1], $0xffff;
	[tilespmem:v11+s21+$0x70 ss:$0x1] =	vst.idx.msk $0xffff, v21  }
0x1b0: {  	v20 =	vadd.f32 v22, v20;
	v21 =	vmul.f32 v25, v14;
	v22 =	vld.idx.msk [tilespmem:v11+s20+$0x2060 ss:$0x1], $0xffff  }
0x1b1: {  	v16 =	vmul.f32 v16, v13;
	v25 =	vld.idx.msk [tilespmem:v11+s22+$0x0 ss:$0x1], $0xffff  }
0x1b2: {  	v17 =	vadd.f32 v21, v17;
	v21 =	vmul.f32 v24, v14;
	v28 =	vld.idx.msk [tilespmem:v11+s20+$0x4000 ss:$0x1], $0xffff  }
0x1b3: {  	v26 =	vmul.f32 v26, v13;
	v24 =	vld.idx.msk [tilespmem:v11+s20+$0x4010 ss:$0x1], $0xffff  }
0x1b4: {  	v30 =	vadd.f32 v21, v16;
	v16 =	vmul.f32 v23, v14;
	v29 =	vld.idx.msk [tilespmem:v11+s20+$0x4020 ss:$0x1], $0xffff  }
0x1b5: {  	v21 =	vmul.f32 v27, v13;
	v31 =	vld.idx.msk [tilespmem:v11+s20+$0x4030 ss:$0x1], $0xffff  }
0x1b6: {  	v32 =	vadd.f32 v16, v26;
	v16 =	vmul.f32 v22, v14;
	v27 =	vld.idx.msk [tilespmem:v11+s20+$0x4040 ss:$0x1], $0xffff  }
0x1b7: {  	v22 =	vmul.f32 v25, v13;
	v33 =	vld.idx.msk [tilespmem:v11+s20+$0x4050 ss:$0x1], $0xffff  }
0x1b8: {  	v23 =	vmul.f32 v28, v15;
	v16 =	vadd.f32 v16, v21;
	v28 =	vld.idx.msk [tilespmem:v11+s20+$0x4060 ss:$0x1], $0xffff  }
0x1b9: {  	v19 =	vadd.f32 v19, v22;
	v21 =	vmul.f32 v24, v15;
	v34 =	vld.idx.msk [tilespmem:v11+s20+$0x6000 ss:$0x1], $0xffff  }
0x1ba: {  	v24 =	vmul.f32 v29, v15;
	v22 =	vld.idx.msk [tilespmem:v11+s20+$0x6010 ss:$0x1], $0xffff  }
.Ltmp2:
0x1bb: {  	v26 =	vadd.f32 v23, v19;
	v21 =	vadd.f32 v21, v18;
	v18 =	vmul.f32 v31, v15;
	v23 =	vld.idx.msk [tilespmem:v11+s20+$0x6020 ss:$0x1], $0xffff;
	(pc) =	sbr.rel @p0 .LBB2_7-.Ltmp2, $4  }
0x1bc: {  	v19 =	vadd.f32 v24, v20;
	v27 =	vmul.f32 v27, v15;
	v24 =	vld.idx.msk [tilespmem:v11+s20+$0x6030 ss:$0x1], $0xffff  }
0x1bd: {  	v20 =	vadd.f32 v18, v17;
	v18 =	vmul.f32 v33, v15;
	v25 =	vld.idx.msk [tilespmem:v11+s20+$0x6040 ss:$0x1], $0xffff  }
0x1be: {  	v17 =	vadd.f32 v27, v30;
	v29 =	vmul.f32 v28, v15;
	v27 =	vld.idx.msk [tilespmem:v11+s20+$0x6050 ss:$0x1], $0xffff  }
0x1bf: {  	s22 =	sadd.s32 $0x400, s22;
	v30 =	vmul.f32 v34, v12;
	v18 =	vadd.f32 v18, v32;
	v28 =	vld.idx.msk [tilespmem:v11+s20+$0x6060 ss:$0x1], $0xffff  }
0x1c0: {  	_ = 	snop  }
0x1c1: {  	v13 =	vmul.f32 v22, v12  }
0x1c2: {  	v15 =	vmul.f32 v23, v12;
	v14 =	vadd.f32 v30, v26  }
0x1c3: {  	v16 =	vadd.f32 v29, v16;
	v56 =	vmul.f32 v24, v12;
	v13 =	vadd.f32 v13, v21  }
0x1c4: {  	s9 =	sadd.s32 $0x1, s9;
	v57 =	vadd.f32 v15, v19;
	v58 =	vmul.f32 v25, v12;
	[tilespmem:v11+s21+$0x0 ss:$0x1] =	vst.idx.msk $0xffff, v14  }
0x1c5: {  	p0 =	sne.s32 s9, $0x10;
	v59 =	vadd.f32 v56, v20;
	v60 =	vmul.f32 v27, v12;
	[tilespmem:v11+s21+$0x10 ss:$0x1] =	vst.idx.msk $0xffff, v13  }
.Ltmp3:
0x1c6: {  	[tilespmem:v11+s21+$0x20 ss:$0x1] =	vst.idx.msk $0xffff, v57;
	v61 =	vadd.f32 v58, v17;
	v62 =	vmul.f32 v28, v12;
	(pc) =	sbr.rel @p0 .LBB2_6-.Ltmp3, $4  }
0x1c7: {  	[tilespmem:v11+s21+$0x30 ss:$0x1] =	vst.idx.msk $0xffff, v59;
	v63 =	vadd.f32 v60, v18  }
0x1c8: {  	v12 =	vadd.f32 v62, v16;
	[tilespmem:v11+s21+$0x40 ss:$0x1] =	vst.idx.msk $0xffff, v61  }
0x1c9: {  	[tilespmem:v11+s21+$0x50 ss:$0x1] =	vst.idx.msk $0xffff, v63  }
0x1ca: {  	s19 =	sadd.s32 $0x1, s19;
	s18 =	sadd.s32 $0x200, s18;
	[tilespmem:v11+s21+$0x60 ss:$0x1] =	vst.idx.msk $0xffff, v12  }
0x1cb: {  	v7 =	vld [tilespmem:$0x30];
	_ =	sdelay $0x2  }
0x1cc: {  	v8 =	vld [tilespmem:$0x10];
	_ =	sdelay $0x1  }
0x1cd: {  	v7 =	vmul.f32 $6.250000000e-02, v7;
	_ =	sdelay $0x1  }
0x1ce: {  	v9 =	vtrunc.f32 v7  }
0x1cf: {  	v8 =	vmul.f32 $6.250000000e-02, v8;
	v10 =	vcvt.f32.s32 v9;
	_ =	sdelay $0x1  }
0x1d0: {  	v11 =	vtrunc.f32 v8;
	v12 =	vmul.u32 $0x30, v10  }
0x1d1: {  	v13 =	vcvt.f32.s32 v11  }
0x1d2: {  	v12 =	vadd.s32 v1, v12  }
0x1d3: {  	v14 =	vadd.s32 v13, v12  }
0x1d4: {  	vm1 =	vgt.f32 v7, v9;
	v7 =	vshll.u32 v14, $0x2  }
0x1d5: {  	v9 =	vsel vm1, $0x1, v3;
	v15 =	vand.u32 $0x7, v13;
	v7 =	vand.u32 $0xFFFFFFE0, v7  }
0x1d6: {  	v9 =	vadd.s32 v10, v9;
	v7 =	vor.u32 v15, v7  }
0x1d7: {  	v9 =	vmul.u32 $0x30, v9;
	v10 =	vperm.xlane v7, v4  }
0x1d8: {  	vm1 =	vgt.f32 v8, v11  }
0x1d9: {  	v8 =	vsel vm1, $0x1, v3;
	v9 =	vadd.s32 v1, v9;
	v10 =	vadd.s32 v5, v10  }
0x1da: {  	v8 =	vadd.s32 v13, v8;
	[tilespmem:$0x100] =	vst v14;
	v11 =	vadd.s32 v13, v9  }
0x1db: {  	[tilespmem:$0x110] =	vst v11;
	v11 =	vadd.s32 v12, v8;
	v7 =	vperm.xlane v7, v6  }
0x1dc: {  	v8 =	vadd.s32 v8, v9;
	[tilespmem:$0x120] =	vst v11  }
0x1dd: {  	s18 =	simm.s32 $0x0;
	s9 =	simm.s32 $0x4200;
	[tilespmem:$0x130] =	vst v8;
	v7 =	vadd.s32 v5, v7  }
0x1de: {  	[tilespmem:s9], [sflag:$0x2] =	stream.indirect_vreg.gather [hbm4b:s2+s18], $0x80, v10, vm0, $0xb8;
	[tilespmem:$0x1E200] =	vst v63  }
0x1df: {  	s10 =	simm.s32 $0x4A00  }
0x1e0: {  	[tilespmem:s10], [sflag:$0x2] =	stream.indirect_vreg.gather [hbm4b:s7+s18], $0x80, v10, vm0, $0xb8;
	[tilespmem:$0x1E200] =	vst v63  }
0x1e1: {  	s19 =	simm.s32 $0x5200  }
0x1e2: {  	[tilespmem:s19], [sflag:$0x2] =	stream.indirect_vreg.gather [hbm4b:s2+s18], $0x80, v7, vm0, $0xb8;
	[tilespmem:$0x1E200] =	vst v63  }
0x1e3: {  	s20 =	simm.s32 $0x5A00  }
0x1e4: {  	[tilespmem:s20], [sflag:$0x2] =	stream.indirect_vreg.gather [hbm4b:s7+s18], $0x80, v7, vm0, $0xb8;
	[tilespmem:$0x1E200] =	vst v63  }
0x1e5: {  	v7 =	vld [tilespmem:$0x110];
	_ =	sdelay $0x4  }
0x1e6: {  	v8 =	vshll.u32 v7, $0x2  }
0x1e7: {  	v7 =	vand.u32 $0x7, v7;
	v8 =	vand.u32 $0xFFFFFFE0, v8  }
0x1e8: {  	v7 =	vor.u32 v7, v8  }
0x1e9: {  	v8 =	vperm.xlane v7, v4;
	_ =	sdelay $0x1  }
0x1ea: {  	v8 =	vadd.s32 v5, v8;
	_ =	sdelay $0x1  }
0x1eb: {  	v7 =	vperm.xlane v7, v6;
	_ =	sdelay $0x1  }
0x1ec: {  	s21 =	simm.s32 $0x6200;
	v7 =	vadd.s32 v5, v7  }
0x1ed: {  	[tilespmem:s21], [sflag:$0x2] =	stream.indirect_vreg.gather [hbm4b:s2+s18], $0x80, v8, vm0, $0xb8;
	[tilespmem:$0x1E200] =	vst v63  }
0x1ee: {  	s22 =	simm.s32 $0x6A00  }
0x1ef: {  	[tilespmem:s22], [sflag:$0x2] =	stream.indirect_vreg.gather [hbm4b:s7+s18], $0x80, v8, vm0, $0xb8;
	[tilespmem:$0x1E200] =	vst v63  }
0x1f0: {  	s10 =	simm.s32 $0x7200  }
0x1f1: {  	[tilespmem:s10], [sflag:$0x2] =	stream.indirect_vreg.gather [hbm4b:s2+s18], $0x80, v7, vm0, $0xb8;
	[tilespmem:$0x1E200] =	vst v63  }
0x1f2: {  	s19 =	simm.s32 $0x7A00  }
0x1f3: {  	[tilespmem:s19], [sflag:$0x2] =	stream.indirect_vreg.gather [hbm4b:s7+s18], $0x80, v7, vm0, $0xb8;
	[tilespmem:$0x1E200] =	vst v63  }
0x1f4: {  	v7 =	vld [tilespmem:$0x120];
	_ =	sdelay $0x4  }
0x1f5: {  	v8 =	vshll.u32 v7, $0x2  }
0x1f6: {  	v7 =	vand.u32 $0x7, v7;
	v8 =	vand.u32 $0xFFFFFFE0, v8  }
0x1f7: {  	v7 =	vor.u32 v7, v8  }
0x1f8: {  	v8 =	vperm.xlane v7, v4;
	_ =	sdelay $0x1  }
0x1f9: {  	v8 =	vadd.s32 v5, v8;
	_ =	sdelay $0x1  }
0x1fa: {  	v7 =	vperm.xlane v7, v6;
	_ =	sdelay $0x1  }
0x1fb: {  	s20 =	simm.s32 $0x8200;
	v7 =	vadd.s32 v5, v7  }
0x1fc: {  	[tilespmem:s20], [sflag:$0x2] =	stream.indirect_vreg.gather [hbm4b:s2+s18], $0x80, v8, vm0, $0xb8;
	[tilespmem:$0x1E200] =	vst v63  }
0x1fd: {  	s21 =	simm.s32 $0x8A00  }
0x1fe: {  	[tilespmem:s21], [sflag:$0x2] =	stream.indirect_vreg.gather [hbm4b:s7+s18], $0x80, v8, vm0, $0xb8;
	[tilespmem:$0x1E200] =	vst v63  }
0x1ff: {  	s22 =	simm.s32 $0x9200  }
0x200: {  	[tilespmem:s22], [sflag:$0x2] =	stream.indirect_vreg.gather [hbm4b:s2+s18], $0x80, v7, vm0, $0xb8;
	[tilespmem:$0x1E200] =	vst v63  }
0x201: {  	s10 =	simm.s32 $0x9A00  }
0x202: {  	[tilespmem:s10], [sflag:$0x2] =	stream.indirect_vreg.gather [hbm4b:s7+s18], $0x80, v7, vm0, $0xb8;
	[tilespmem:$0x1E200] =	vst v63  }
0x203: {  	v7 =	vld [tilespmem:$0x130];
	_ =	sdelay $0x4  }
0x204: {  	v8 =	vshll.u32 v7, $0x2  }
0x205: {  	v7 =	vand.u32 $0x7, v7;
	v8 =	vand.u32 $0xFFFFFFE0, v8  }
0x206: {  	v7 =	vor.u32 v7, v8  }
0x207: {  	v8 =	vperm.xlane v7, v4;
	_ =	sdelay $0x1  }
0x208: {  	v8 =	vadd.s32 v5, v8;
	_ =	sdelay $0x1  }
0x209: {  	v7 =	vperm.xlane v7, v6;
	_ =	sdelay $0x1  }
0x20a: {  	s19 =	simm.s32 $0xA200;
	v7 =	vadd.s32 v5, v7  }
0x20b: {  	[tilespmem:s19], [sflag:$0x2] =	stream.indirect_vreg.gather [hbm4b:s2+s18], $0x80, v8, vm0, $0xb8;
	[tilespmem:$0x1E200] =	vst v63  }
0x20c: {  	s20 =	simm.s32 $0xAA00  }
0x20d: {  	[tilespmem:s20], [sflag:$0x2] =	stream.indirect_vreg.gather [hbm4b:s7+s18], $0x80, v8, vm0, $0xb8;
	[tilespmem:$0x1E200] =	vst v63  }
0x20e: {  	s21 =	simm.s32 $0xB200  }
0x20f: {  	[tilespmem:s21], [sflag:$0x2] =	stream.indirect_vreg.gather [hbm4b:s2+s18], $0x80, v7, vm0, $0xb8;
	[tilespmem:$0x1E200] =	vst v63  }
0x210: {  	s22 =	simm.s32 $0xBA00  }
0x211: {  	[tilespmem:s22], [sflag:$0x2] =	stream.indirect_vreg.gather [hbm4b:s7+s18], $0x80, v7, vm0, $0xb8;
	[tilespmem:$0x1E200] =	vst v63  }
0x212: {  	_ =	swait.ge [sflag:s14], $0x8000  }
0x213: {  	[sflag:s14] =	ssyncset.done $0x0  }
0x214: {  	[sflag:s14] =	ssyncadd.s32 $0xFFFF8000  }
0x215: {  	v7 =	vld [tilespmem:$0x0]  }
0x216: {  	v8 =	vld [tilespmem:$0x20];
	_ =	sdelay $0x3  }
0x217: {  	v7 =	vmul.f32 $3.125000000e-02, v7  }
0x218: {  	v8 =	vmul.f32 $3.125000000e-02, v8  }
0x219: {  	v9 =	vtrunc.f32 v7  }
0x21a: {  	v10 =	vtrunc.f32 v8;
	v9 =	vcvt.f32.s32 v9  }
0x21b: {  	v10 =	vcvt.f32.s32 v10  }
0x21c: {  	v11 =	vcvt.s32.f32 v9  }
0x21d: {  	v61 =	vcvt.s32.f32 v10  }
0x21e: {  	vm1 =	vgt.f32 v7, v11  }
0x21f: {  	v62 =	vsel vm1, $0x1, v3;
	vm1 =	vgt.f32 v8, v61  }
0x220: {  	v63 =	vsel vm1, $0x1, v3  }
0x221: {  	v9 =	vadd.s32 v9, v62;
	v10 =	vadd.s32 v10, v63  }
0x222: {  	v9 =	vcvt.s32.f32 v9;
	v10 =	vcvt.s32.f32 v10  }
0x223: {  	v12 =	vsub.f32 v8, v61  }
0x224: {  	v9 =	vsub.f32 v9, v7;
	v10 =	vsub.f32 v10, v8  }
0x225: {  	v11 =	vsub.f32 v7, v11  }
0x226: {  	v8 =	vmul.f32 v9, v12;
	v7 =	vmul.f32 v10, v9  }
0x227: {  	s9 =	simm.s32 $0x0;
	s19 =	simm.s32 $0x0;
	v9 =	vmul.f32 v10, v11;
	v10 =	vmul.f32 v12, v11  }
.LBB2_10:
0x228: {  	s10 =	sand.u32 $0x7, s19  }
0x229: {  	s10 =	sshll.u32 s10, $0x9  }
0x22a: {  	s10 =	sshrl.u32 s10, $0x2  }
0x22b: {  	v11 =	vmov s10;
	_ =	sdelay $0x1  }
0x22c: {  	s22 =	sshll.u32 s9, $0x9  }
0x22d: {  	s10 =	sand.u32 $0x3FFFF000, s22  }
0x22e: {  	s20 =	sand.u32 $0x3FFFF000, s18;
	s22 =	sadd.s32 $0xC200, s10  }
0x22f: {  	s20 =	sadd.s32 $0xC200, s20;
	v12 =	vld.idx.msk [tilespmem:v11+s22+$0x70 ss:$0x1], $0xffff  }
0x230: {  	v16 =	vld.idx.msk [tilespmem:v11+s20+$0x2070 ss:$0x1], $0xffff  }
0x231: {  	v17 =	vld.idx.msk [tilespmem:v11+s20+$0x2000 ss:$0x1], $0xffff  }
0x232: {  	v18 =	vld.idx.msk [tilespmem:v11+s20+$0x4070 ss:$0x1], $0xffff  }
0x233: {  	v19 =	vld.idx.msk [tilespmem:v11+s22+$0x10 ss:$0x1], $0xffff  }
0x234: {  	v20 =	vld.idx.msk [tilespmem:v11+s20+$0x6070 ss:$0x1], $0xffff  }
0x235: {  	v21 =	vld.idx.msk [tilespmem:v11+s20+$0x2010 ss:$0x1], $0xffff  }
0x236: {  	v22 =	vld.idx.msk [tilespmem:v11+s22+$0x20 ss:$0x1], $0xffff  }
0x237: {  	v23 =	vld.idx.msk [tilespmem:v11+s20+$0x2020 ss:$0x1], $0xffff  }
0x238: {  	v13 =	vmov s9;
	v24 =	vld.idx.msk [tilespmem:v11+s22+$0x30 ss:$0x1], $0xffff  }
0x239: {  	v13 =	vand.u32 $0xF, v13;
	v25 =	vld.idx.msk [tilespmem:v11+s20+$0x2030 ss:$0x1], $0xffff  }
0x23a: {  	v26 =	vbroadcast v13, $0x0;
	v27 =	vld.idx.msk [tilespmem:v11+s22+$0x40 ss:$0x1], $0xffff  }
0x23b: {  	v28 =	vld.idx.msk [tilespmem:v11+s20+$0x2040 ss:$0x1], $0xffff  }
0x23c: {  	v13 =	vperm.xlane v7, v26;
	v14 =	vperm.xlane v8, v26;
	v29 =	vld.idx.msk [tilespmem:v11+s22+$0x50 ss:$0x1], $0xffff  }
0x23d: {  	v15 =	vperm.xlane v9, v26;
	v30 =	vld.idx.msk [tilespmem:v11+s20+$0x2050 ss:$0x1], $0xffff  }
0x23e: {  	v32 =	vld.idx.msk [tilespmem:v11+s22+$0x60 ss:$0x1], $0xffff;
	v31 =	vmul.f32 v12, v13;
	v16 =	vmul.f32 v16, v14  }
0x23f: {  	v33 =	vld.idx.msk [tilespmem:v11+s20+$0x2060 ss:$0x1], $0xffff  }
0x240: {  	v34 =	vld.idx.msk [tilespmem:v11+s20+$0x4020 ss:$0x1], $0xffff;
	v12 =	vperm.xlane v10, v26;
	v18 =	vmul.f32 v18, v15;
	v16 =	vadd.f32 v16, v31  }
0x241: {  	v62 =	vld.idx.msk [tilespmem:v11+s20+$0x6000 ss:$0x1], $0xffff;
	v19 =	vmul.f32 v19, v13;
	v21 =	vmul.f32 v21, v14  }
0x242: {  	v26 =	vld.idx.msk [tilespmem:v11+s22+$0x0 ss:$0x1], $0xffff;
	v16 =	vadd.f32 v18, v16;
	v18 =	vmul.f32 v20, v12  }
0x243: {  	v22 =	vmul.f32 v22, v13;
	v31 =	vld.idx.msk [tilespmem:v11+s20+$0x4000 ss:$0x1], $0xffff;
	v19 =	vadd.f32 v21, v19;
	v21 =	vmul.f32 v25, v14  }
0x244: {  	v25 =	vmul.f32 v27, v13;
	v27 =	vld.idx.msk [tilespmem:v11+s20+$0x4040 ss:$0x1], $0xffff;
	v18 =	vadd.f32 v18, v16;
	v16 =	vmul.f32 v23, v14  }
0x245: {  	v17 =	vmul.f32 v17, v14;
	v20 =	vld.idx.msk [tilespmem:v11+s20+$0x4010 ss:$0x1], $0xffff;
	v23 =	vmul.f32 v24, v13  }
0x246: {  	v24 =	vld.idx.msk [tilespmem:v11+s20+$0x4030 ss:$0x1], $0xffff;
	v35 =	vadd.f32 v16, v22;
	v16 =	vmul.f32 v28, v14;
	v22 =	vmul.f32 v29, v13  }
0x247: {  	v28 =	vld.idx.msk [tilespmem:v11+s20+$0x4050 ss:$0x1], $0xffff;
	v29 =	vadd.f32 v21, v23;
	v21 =	vmul.f32 v30, v14;
	v23 =	vmul.f32 v26, v13  }
0x248: {  	v30 =	vld.idx.msk [tilespmem:v11+s20+$0x4060 ss:$0x1], $0xffff;
	v36 =	vadd.f32 v16, v25;
	v16 =	vmul.f32 v32, v13;
	v25 =	vmul.f32 v33, v14  }
0x249: {  	s21 =	sshrl.u32 s9, $0x3;
	v63 =	vadd.f32 v21, v22;
	v21 =	vmul.f32 v31, v15;
	v17 =	vadd.f32 v17, v23;
	v22 =	vld.idx.msk [tilespmem:v11+s20+$0x6010 ss:$0x1], $0xffff  }
0x24a: {  	s10 =	smul.u32 $0xA000, s21;
	v20 =	vmul.f32 v20, v15;
	v23 =	vld.idx.msk [tilespmem:v11+s20+$0x6020 ss:$0x1], $0xffff;
	v16 =	vadd.f32 v25, v16;
	v25 =	vmul.f32 v34, v15  }
0x24b: {  	v27 =	vmul.f32 v27, v15;
	v26 =	vadd.f32 v21, v17;
	v17 =	vmul.f32 v24, v15;
	v24 =	vld.idx.msk [tilespmem:v11+s20+$0x6030 ss:$0x1], $0xffff  }
0x24c: {  	s10 =	sshra.s32 s10, $0x2;
	v21 =	vadd.f32 v20, v19;
	v28 =	vmul.f32 v28, v15;
	v19 =	vadd.f32 v25, v35;
	v25 =	vld.idx.msk [tilespmem:v11+s20+$0x6040 ss:$0x1], $0xffff  }
0x24d: {  	s21 =	sadd.s32 $0x15A00, s10;
	v20 =	vadd.f32 v17, v29;
	v17 =	vadd.f32 v27, v36;
	v27 =	vld.idx.msk [tilespmem:v11+s20+$0x6050 ss:$0x1], $0xffff;
	v29 =	vmul.f32 v30, v15  }
0x24e: {  	s10 =	simm.s32 $0x0;
	s22 =	sadd.s32 $0x400, s22;
	[tilespmem:v11+s21+$0x70 ss:$0x1] =	vst.idx.msk $0xffff, v18;
	v30 =	vmul.f32 v62, v12;
	v18 =	vadd.f32 v28, v63;
	v28 =	vld.idx.msk [tilespmem:v11+s20+$0x6060 ss:$0x1], $0xffff  }
.LBB2_11:
0x24f: {  	v31 =	vld.idx.msk [tilespmem:v11+s22+$0x70 ss:$0x1], $0xffff;
	v22 =	vmul.f32 v22, v12;
	v16 =	vadd.f32 v29, v16;
	s20 =	sadd.s32 $0x400, s20  }
0x250: {  	s10 =	sadd.s32 $0x8, s10;
	v23 =	vmul.f32 v23, v12;
	v29 =	vld.idx.msk [tilespmem:v11+s20+$0x2070 ss:$0x1], $0xffff;
	v26 =	vadd.f32 v30, v26  }
0x251: {  	p0 =	slt.u32 s10, $0x18;
	v30 =	vld.idx.msk [tilespmem:v11+s20+$0x2000 ss:$0x1], $0xffff;
	v21 =	vadd.f32 v22, v21;
	v22 =	vmul.f32 v24, v12  }
0x252: {  	v19 =	vadd.f32 v23, v19;
	v23 =	vmul.f32 v25, v12;
	v24 =	vld.idx.msk [tilespmem:v11+s20+$0x4070 ss:$0x1], $0xffff;
	[tilespmem:v11+s21+$0x0 ss:$0x1] =	vst.idx.msk $0xffff, v26  }
0x253: {  	v25 =	vld.idx.msk [tilespmem:v11+s22+$0x10 ss:$0x1], $0xffff;
	[tilespmem:v11+s21+$0x10 ss:$0x1] =	vst.idx.msk $0xffff, v21;
	v20 =	vadd.f32 v22, v20;
	v21 =	vmul.f32 v27, v12  }
0x254: {  	v17 =	vadd.f32 v23, v17;
	v22 =	vld.idx.msk [tilespmem:v11+s20+$0x6070 ss:$0x1], $0xffff;
	[tilespmem:v11+s21+$0x20 ss:$0x1] =	vst.idx.msk $0xffff, v19;
	v19 =	vmul.f32 v28, v12  }
0x255: {  	v23 =	vld.idx.msk [tilespmem:v11+s20+$0x2010 ss:$0x1], $0xffff;
	[tilespmem:v11+s21+$0x30 ss:$0x1] =	vst.idx.msk $0xffff, v20;
	v18 =	vadd.f32 v21, v18  }
0x256: {  	v21 =	vmul.f32 v31, v13;
	v26 =	vmul.f32 v29, v14;
	v20 =	vld.idx.msk [tilespmem:v11+s22+$0x20 ss:$0x1], $0xffff;
	v16 =	vadd.f32 v19, v16  }
0x257: {  	v19 =	vmul.f32 v30, v14;
	v27 =	vld.idx.msk [tilespmem:v11+s20+$0x2020 ss:$0x1], $0xffff;
	[tilespmem:v11+s21+$0x40 ss:$0x1] =	vst.idx.msk $0xffff, v17  }
0x258: {  	v21 =	vadd.f32 v26, v21;
	v24 =	vmul.f32 v24, v15;
	v17 =	vld.idx.msk [tilespmem:v11+s22+$0x30 ss:$0x1], $0xffff;
	[tilespmem:v11+s21+$0x50 ss:$0x1] =	vst.idx.msk $0xffff, v18  }
0x259: {  	v18 =	vmul.f32 v25, v13;
	v25 =	vld.idx.msk [tilespmem:v11+s20+$0x2030 ss:$0x1], $0xffff;
	[tilespmem:v11+s21+$0x60 ss:$0x1] =	vst.idx.msk $0xffff, v16  }
0x25a: {  	v21 =	vadd.f32 v24, v21;
	v22 =	vmul.f32 v22, v12;
	v16 =	vld.idx.msk [tilespmem:v11+s22+$0x40 ss:$0x1], $0xffff  }
0x25b: {  	v23 =	vmul.f32 v23, v14;
	v24 =	vld.idx.msk [tilespmem:v11+s20+$0x2040 ss:$0x1], $0xffff  }
0x25c: {  	v20 =	vmul.f32 v20, v13;
	v21 =	vadd.f32 v22, v21;
	v26 =	vld.idx.msk [tilespmem:v11+s22+$0x50 ss:$0x1], $0xffff  }
0x25d: {  	s21 =	sadd.s32 $0x400, s21;
	v18 =	vadd.f32 v23, v18;
	v22 =	vmul.f32 v27, v14;
	v23 =	vld.idx.msk [tilespmem:v11+s20+$0x2050 ss:$0x1], $0xffff  }
0x25e: {  	v17 =	vmul.f32 v17, v13;
	v27 =	vld.idx.msk [tilespmem:v11+s22+$0x60 ss:$0x1], $0xffff;
	[tilespmem:v11+s21+$0x70 ss:$0x1] =	vst.idx.msk $0xffff, v21  }
0x25f: {  	v20 =	vadd.f32 v22, v20;
	v21 =	vmul.f32 v25, v14;
	v22 =	vld.idx.msk [tilespmem:v11+s20+$0x2060 ss:$0x1], $0xffff  }
0x260: {  	v16 =	vmul.f32 v16, v13;
	v25 =	vld.idx.msk [tilespmem:v11+s22+$0x0 ss:$0x1], $0xffff  }
0x261: {  	v17 =	vadd.f32 v21, v17;
	v21 =	vmul.f32 v24, v14;
	v28 =	vld.idx.msk [tilespmem:v11+s20+$0x4000 ss:$0x1], $0xffff  }
0x262: {  	v26 =	vmul.f32 v26, v13;
	v24 =	vld.idx.msk [tilespmem:v11+s20+$0x4010 ss:$0x1], $0xffff  }
0x263: {  	v30 =	vadd.f32 v21, v16;
	v16 =	vmul.f32 v23, v14;
	v29 =	vld.idx.msk [tilespmem:v11+s20+$0x4020 ss:$0x1], $0xffff  }
0x264: {  	v21 =	vmul.f32 v27, v13;
	v31 =	vld.idx.msk [tilespmem:v11+s20+$0x4030 ss:$0x1], $0xffff  }
0x265: {  	v32 =	vadd.f32 v16, v26;
	v16 =	vmul.f32 v22, v14;
	v27 =	vld.idx.msk [tilespmem:v11+s20+$0x4040 ss:$0x1], $0xffff  }
0x266: {  	v22 =	vmul.f32 v25, v13;
	v33 =	vld.idx.msk [tilespmem:v11+s20+$0x4050 ss:$0x1], $0xffff  }
0x267: {  	v23 =	vmul.f32 v28, v15;
	v16 =	vadd.f32 v16, v21;
	v28 =	vld.idx.msk [tilespmem:v11+s20+$0x4060 ss:$0x1], $0xffff  }
0x268: {  	v19 =	vadd.f32 v19, v22;
	v21 =	vmul.f32 v24, v15;
	v34 =	vld.idx.msk [tilespmem:v11+s20+$0x6000 ss:$0x1], $0xffff  }
0x269: {  	v24 =	vmul.f32 v29, v15;
	v22 =	vld.idx.msk [tilespmem:v11+s20+$0x6010 ss:$0x1], $0xffff  }
.Ltmp4:
0x26a: {  	v26 =	vadd.f32 v23, v19;
	v21 =	vadd.f32 v21, v18;
	v18 =	vmul.f32 v31, v15;
	v23 =	vld.idx.msk [tilespmem:v11+s20+$0x6020 ss:$0x1], $0xffff;
	(pc) =	sbr.rel @p0 .LBB2_11-.Ltmp4, $4  }
0x26b: {  	v19 =	vadd.f32 v24, v20;
	v27 =	vmul.f32 v27, v15;
	v24 =	vld.idx.msk [tilespmem:v11+s20+$0x6030 ss:$0x1], $0xffff  }
0x26c: {  	v20 =	vadd.f32 v18, v17;
	v18 =	vmul.f32 v33, v15;
	v25 =	vld.idx.msk [tilespmem:v11+s20+$0x6040 ss:$0x1], $0xffff  }
0x26d: {  	v17 =	vadd.f32 v27, v30;
	v29 =	vmul.f32 v28, v15;
	v27 =	vld.idx.msk [tilespmem:v11+s20+$0x6050 ss:$0x1], $0xffff  }
0x26e: {  	s22 =	sadd.s32 $0x400, s22;
	v30 =	vmul.f32 v34, v12;
	v18 =	vadd.f32 v18, v32;
	v28 =	vld.idx.msk [tilespmem:v11+s20+$0x6060 ss:$0x1], $0xffff  }
0x26f: {  	_ = 	snop  }
0x270: {  	v13 =	vmul.f32 v22, v12  }
0x271: {  	v15 =	vmul.f32 v23, v12;
	v14 =	vadd.f32 v30, v26  }
0x272: {  	v16 =	vadd.f32 v29, v16;
	v56 =	vmul.f32 v24, v12;
	v13 =	vadd.f32 v13, v21  }
0x273: {  	s9 =	sadd.s32 $0x1, s9;
	v57 =	vadd.f32 v15, v19;
	v58 =	vmul.f32 v25, v12;
	[tilespmem:v11+s21+$0x0 ss:$0x1] =	vst.idx.msk $0xffff, v14  }
0x274: {  	p0 =	sne.s32 s9, $0x10;
	v59 =	vadd.f32 v56, v20;
	v60 =	vmul.f32 v27, v12;
	[tilespmem:v11+s21+$0x10 ss:$0x1] =	vst.idx.msk $0xffff, v13  }
.Ltmp5:
0x275: {  	[tilespmem:v11+s21+$0x20 ss:$0x1] =	vst.idx.msk $0xffff, v57;
	v61 =	vadd.f32 v58, v17;
	v62 =	vmul.f32 v28, v12;
	(pc) =	sbr.rel @p0 .LBB2_10-.Ltmp5, $4  }
0x276: {  	[tilespmem:v11+s21+$0x30 ss:$0x1] =	vst.idx.msk $0xffff, v59;
	v63 =	vadd.f32 v60, v18  }
0x277: {  	v12 =	vadd.f32 v62, v16;
	[tilespmem:v11+s21+$0x40 ss:$0x1] =	vst.idx.msk $0xffff, v61  }
0x278: {  	[tilespmem:v11+s21+$0x50 ss:$0x1] =	vst.idx.msk $0xffff, v63  }
0x279: {  	s19 =	sadd.s32 $0x1, s19;
	s18 =	sadd.s32 $0x200, s18;
	[tilespmem:v11+s21+$0x60 ss:$0x1] =	vst.idx.msk $0xffff, v12  }
0x27a: {  	v7 =	vld [tilespmem:$0x30];
	_ =	sdelay $0x2  }
0x27b: {  	v8 =	vld [tilespmem:$0x10];
	_ =	sdelay $0x1  }
0x27c: {  	v7 =	vmul.f32 $3.125000000e-02, v7;
	_ =	sdelay $0x1  }
0x27d: {  	v9 =	vtrunc.f32 v7  }
0x27e: {  	v8 =	vmul.f32 $3.125000000e-02, v8;
	v10 =	vcvt.f32.s32 v9;
	_ =	sdelay $0x1  }
0x27f: {  	v11 =	vtrunc.f32 v8;
	v12 =	vmul.u32 $0x18, v10  }
0x280: {  	v13 =	vcvt.f32.s32 v11  }
0x281: {  	v12 =	vadd.s32 v2, v12  }
0x282: {  	v14 =	vadd.s32 v13, v12  }
0x283: {  	vm1 =	vgt.f32 v7, v9;
	v7 =	vshll.u32 v14, $0x2  }
0x284: {  	v9 =	vsel vm1, $0x1, v3;
	v15 =	vand.u32 $0x7, v13;
	v7 =	vand.u32 $0xFFFFFFE0, v7  }
0x285: {  	v9 =	vadd.s32 v10, v9;
	v7 =	vor.u32 v15, v7  }
0x286: {  	v9 =	vmul.u32 $0x18, v9;
	v10 =	vperm.xlane v7, v4  }
0x287: {  	vm1 =	vgt.f32 v8, v11  }
0x288: {  	v8 =	vsel vm1, $0x1, v3;
	v9 =	vadd.s32 v2, v9;
	v10 =	vadd.s32 v5, v10  }
0x289: {  	v8 =	vadd.s32 v13, v8;
	[tilespmem:$0x180] =	vst v14;
	v11 =	vadd.s32 v13, v9  }
0x28a: {  	[tilespmem:$0x190] =	vst v11;
	v11 =	vadd.s32 v12, v8;
	v7 =	vperm.xlane v7, v6  }
0x28b: {  	v8 =	vadd.s32 v8, v9;
	[tilespmem:$0x1A0] =	vst v11  }
0x28c: {  	s9 =	simm.s32 $0x0;
	s10 =	simm.s32 $0xC200;
	[tilespmem:$0x1B0] =	vst v8;
	v7 =	vadd.s32 v5, v7  }
0x28d: {  	[tilespmem:s10], [sflag:$0x3] =	stream.indirect_vreg.gather [hbm4b:s3+s9], $0x80, v10, vm0, $0xb8;
	[tilespmem:$0x1E200] =	vst v63  }
0x28e: {  	s22 =	simm.s32 $0xCA00  }
0x28f: {  	[tilespmem:s22], [sflag:$0x3] =	stream.indirect_vreg.gather [hbm4b:s8+s9], $0x80, v10, vm0, $0xb8;
	[tilespmem:$0x1E200] =	vst v63  }
0x290: {  	s18 =	simm.s32 $0xD200  }
0x291: {  	[tilespmem:s18], [sflag:$0x3] =	stream.indirect_vreg.gather [hbm4b:s3+s9], $0x80, v7, vm0, $0xb8;
	[tilespmem:$0x1E200] =	vst v63  }
0x292: {  	s19 =	simm.s32 $0xDA00  }
0x293: {  	[tilespmem:s19], [sflag:$0x3] =	stream.indirect_vreg.gather [hbm4b:s8+s9], $0x80, v7, vm0, $0xb8;
	[tilespmem:$0x1E200] =	vst v63  }
0x294: {  	v7 =	vld [tilespmem:$0x190];
	_ =	sdelay $0x4  }
0x295: {  	v8 =	vshll.u32 v7, $0x2  }
0x296: {  	v7 =	vand.u32 $0x7, v7;
	v8 =	vand.u32 $0xFFFFFFE0, v8  }
0x297: {  	v7 =	vor.u32 v7, v8  }
0x298: {  	v8 =	vperm.xlane v7, v4;
	_ =	sdelay $0x1  }
0x299: {  	v8 =	vadd.s32 v5, v8;
	_ =	sdelay $0x1  }
0x29a: {  	v7 =	vperm.xlane v7, v6;
	_ =	sdelay $0x1  }
0x29b: {  	s20 =	simm.s32 $0xE200;
	v7 =	vadd.s32 v5, v7  }
0x29c: {  	[tilespmem:s20], [sflag:$0x3] =	stream.indirect_vreg.gather [hbm4b:s3+s9], $0x80, v8, vm0, $0xb8;
	[tilespmem:$0x1E200] =	vst v63  }
0x29d: {  	s21 =	simm.s32 $0xEA00  }
0x29e: {  	[tilespmem:s21], [sflag:$0x3] =	stream.indirect_vreg.gather [hbm4b:s8+s9], $0x80, v8, vm0, $0xb8;
	[tilespmem:$0x1E200] =	vst v63  }
0x29f: {  	_ = 	snop  }
0x2a0: {  	[tilespmem:s23], [sflag:$0x3] =	stream.indirect_vreg.gather [hbm4b:s3+s9], $0x80, v7, vm0, $0xb8;
	[tilespmem:$0x1E200] =	vst v63  }
0x2a1: {  	_ = 	snop  }
0x2a2: {  	[tilespmem:s24], [sflag:$0x3] =	stream.indirect_vreg.gather [hbm4b:s8+s9], $0x80, v7, vm0, $0xb8;
	[tilespmem:$0x1E200] =	vst v63  }
0x2a3: {  	v7 =	vld [tilespmem:$0x1A0];
	_ =	sdelay $0x4  }
0x2a4: {  	v8 =	vshll.u32 v7, $0x2  }
0x2a5: {  	v7 =	vand.u32 $0x7, v7;
	v8 =	vand.u32 $0xFFFFFFE0, v8  }
0x2a6: {  	v7 =	vor.u32 v7, v8  }
0x2a7: {  	v8 =	vperm.xlane v7, v4;
	_ =	sdelay $0x1  }
0x2a8: {  	v8 =	vadd.s32 v5, v8;
	_ =	sdelay $0x1  }
0x2a9: {  	v7 =	vperm.xlane v7, v6;
	_ =	sdelay $0x1  }
0x2aa: {  	v7 =	vadd.s32 v5, v7  }
0x2ab: {  	[tilespmem:s25], [sflag:$0x3] =	stream.indirect_vreg.gather [hbm4b:s3+s9], $0x80, v8, vm0, $0xb8;
	[tilespmem:$0x1E200] =	vst v63  }
0x2ac: {  	_ = 	snop  }
0x2ad: {  	[tilespmem:s26], [sflag:$0x3] =	stream.indirect_vreg.gather [hbm4b:s8+s9], $0x80, v8, vm0, $0xb8;
	[tilespmem:$0x1E200] =	vst v63  }
0x2ae: {  	_ = 	snop  }
0x2af: {  	[tilespmem:s28], [sflag:$0x3] =	stream.indirect_vreg.gather [hbm4b:s3+s9], $0x80, v7, vm0, $0xb8;
	[tilespmem:$0x1E200] =	vst v63  }
0x2b0: {  	_ = 	snop  }
0x2b1: {  	[tilespmem:s29], [sflag:$0x3] =	stream.indirect_vreg.gather [hbm4b:s8+s9], $0x80, v7, vm0, $0xb8;
	[tilespmem:$0x1E200] =	vst v63  }
0x2b2: {  	v7 =	vld [tilespmem:$0x1B0];
	_ =	sdelay $0x4  }
0x2b3: {  	v8 =	vshll.u32 v7, $0x2  }
0x2b4: {  	v7 =	vand.u32 $0x7, v7;
	v8 =	vand.u32 $0xFFFFFFE0, v8  }
0x2b5: {  	v7 =	vor.u32 v7, v8  }
0x2b6: {  	v8 =	vperm.xlane v7, v4;
	_ =	sdelay $0x1  }
0x2b7: {  	v8 =	vadd.s32 v5, v8;
	_ =	sdelay $0x1  }
0x2b8: {  	v7 =	vperm.xlane v7, v6;
	_ =	sdelay $0x1  }
0x2b9: {  	v7 =	vadd.s32 v5, v7  }
0x2ba: {  	[tilespmem:s30], [sflag:$0x3] =	stream.indirect_vreg.gather [hbm4b:s3+s9], $0x80, v8, vm0, $0xb8;
	[tilespmem:$0x1E200] =	vst v63  }
0x2bb: {  	_ = 	snop  }
0x2bc: {  	[tilespmem:s31], [sflag:$0x3] =	stream.indirect_vreg.gather [hbm4b:s8+s9], $0x80, v8, vm0, $0xb8;
	[tilespmem:$0x1E200] =	vst v63  }
0x2bd: {  	_ = 	snop  }
0x2be: {  	[tilespmem:s0], [sflag:$0x3] =	stream.indirect_vreg.gather [hbm4b:s3+s9], $0x80, v7, vm0, $0xb8;
	[tilespmem:$0x1E200] =	vst v63  }
0x2bf: {  	_ = 	snop  }
0x2c0: {  	[tilespmem:s4], [sflag:$0x3] =	stream.indirect_vreg.gather [hbm4b:s8+s9], $0x80, v7, vm0, $0xb8;
	[tilespmem:$0x1E200] =	vst v63  }
0x2c1: {  	s22 =	rddreg [dreg:$0x7];
	s18 =	simm.s32 $0x14200  }
0x2c2: {  	[hbm4b:s22+s9] =	stream.linear.scatter [tilespmem:s18], [sflag:$0x4], $0x5000, $0x38;
	[tilespmem:$0x1E200] =	vst v63  }
0x2c3: {  	_ =	swait.ge [sflag:s13], $0x4000  }
0x2c4: {  	[sflag:s13] =	ssyncset.done $0x0  }
0x2c5: {  	[sflag:s13] =	ssyncadd.s32 $0xFFFFC000  }
0x2c6: {  	v7 =	vld [tilespmem:$0x10]  }
0x2c7: {  	v8 =	vld [tilespmem:$0x30];
	_ =	sdelay $0x3  }
0x2c8: {  	v7 =	vmul.f32 $1.250000000e-01, v7  }
0x2c9: {  	v8 =	vmul.f32 $1.250000000e-01, v8  }
0x2ca: {  	v9 =	vtrunc.f32 v7  }
0x2cb: {  	v10 =	vtrunc.f32 v8;
	v9 =	vcvt.f32.s32 v9  }
0x2cc: {  	v10 =	vcvt.f32.s32 v10  }
0x2cd: {  	v11 =	vcvt.s32.f32 v9  }
0x2ce: {  	v61 =	vcvt.s32.f32 v10  }
0x2cf: {  	vm1 =	vgt.f32 v7, v11  }
0x2d0: {  	v62 =	vsel vm1, $0x1, v3;
	vm1 =	vgt.f32 v8, v61  }
0x2d1: {  	v63 =	vsel vm1, $0x1, v3  }
0x2d2: {  	v9 =	vadd.s32 v9, v62;
	v10 =	vadd.s32 v10, v63  }
0x2d3: {  	v9 =	vcvt.s32.f32 v9;
	v10 =	vcvt.s32.f32 v10  }
0x2d4: {  	v12 =	vsub.f32 v8, v61  }
0x2d5: {  	v9 =	vsub.f32 v9, v7;
	v10 =	vsub.f32 v10, v8  }
0x2d6: {  	v11 =	vsub.f32 v7, v11  }
0x2d7: {  	v8 =	vmul.f32 v9, v12;
	v7 =	vmul.f32 v10, v9  }
0x2d8: {  	v9 =	vmul.f32 v10, v11;
	v10 =	vmul.f32 v12, v11  }
.LBB2_14:
0x2d9: {  	s18 =	sshll.u32 s9, $0x7;
	s19 =	sshll.u32 s9, $0x8  }
0x2da: {  	s18 =	sand.u32 $0x380, s18;
	s20 =	sand.u32 $0x3FFFF800, s19  }
0x2db: {  	s10 =	sshrl.u32 s9, $0x3;
	s19 =	sand.u32 $0x800, s19;
	s20 =	sor.u32 s18, s20  }
0x2dc: {  	v11 =	vmov s9;
	s10 =	smul.u32 $0xA000, s10;
	s19 =	sor.u32 s18, s19;
	s20 =	sadd.s32 $0x200, s20  }
0x2dd: {  	v11 =	vand.u32 $0xF, v11;
	s21 =	sadd.s32 $0x1200, s19;
	v15 =	vmov s20  }
0x2de: {  	v14 =	vbroadcast v11, $0x0;
	s10 =	sshra.s32 s10, $0x2;
	s22 =	sadd.s32 $0x2200, s19;
	v16 =	vmov s21  }
0x2df: {  	s19 =	sadd.s32 $0x3200, s19;
	s10 =	sor.u32 s18, s10;
	v17 =	vmov s22  }
0x2e0: {  	v11 =	vperm.xlane v7, v14;
	v12 =	vperm.xlane v8, v14;
	v18 =	vmov s19;
	s10 =	sadd.s32 $0x19200, s10  }
0x2e1: {  	p0 =	por $0x1, $0x1;
	v13 =	vperm.xlane v9, v14;
	v14 =	vperm.xlane v10, v14;
	v19 =	vmov s10;
	s10 =	simm.s32 $0x0  }
.LBB2_15:
0x2e2: {  	v20 =	vld.idx.msk [tilespmem:v15+s10+$0x0 ss:$0x1], $0xffff  }
0x2e3: {  	v21 =	vld.idx.msk [tilespmem:v16+s10+$0x0 ss:$0x1], $0xffff  }
0x2e4: {  	v22 =	vld.idx.msk [tilespmem:v17+s10+$0x0 ss:$0x1], $0xffff  }
0x2e5: {  	v23 =	vld.idx.msk [tilespmem:v18+s10+$0x0 ss:$0x1], $0xffff  }
0x2e6: {  	v24 =	vld.idx.msk [tilespmem:v15+s10+$0x10 ss:$0x1], $0xffff  }
0x2e7: {  	v25 =	vld.idx.msk [tilespmem:v16+s10+$0x10 ss:$0x1], $0xffff  }
0x2e8: {  	v26 =	vld.idx.msk [tilespmem:v17+s10+$0x10 ss:$0x1], $0xffff  }
0x2e9: {  	v27 =	vld.idx.msk [tilespmem:v18+s10+$0x10 ss:$0x1], $0xffff  }
0x2ea: {  	v28 =	vld.idx.msk [tilespmem:v15+s10+$0x20 ss:$0x1], $0xffff  }
0x2eb: {  	v29 =	vld.idx.msk [tilespmem:v16+s10+$0x20 ss:$0x1], $0xffff  }
0x2ec: {  	v30 =	vld.idx.msk [tilespmem:v17+s10+$0x20 ss:$0x1], $0xffff  }
0x2ed: {  	v31 =	vld.idx.msk [tilespmem:v18+s10+$0x20 ss:$0x1], $0xffff  }
0x2ee: {  	v32 =	vld.idx.msk [tilespmem:v15+s10+$0x30 ss:$0x1], $0xffff  }
0x2ef: {  	v33 =	vld.idx.msk [tilespmem:v16+s10+$0x30 ss:$0x1], $0xffff  }
0x2f0: {  	v34 =	vld.idx.msk [tilespmem:v17+s10+$0x30 ss:$0x1], $0xffff  }
0x2f1: {  	v35 =	vld.idx.msk [tilespmem:v18+s10+$0x30 ss:$0x1], $0xffff  }
0x2f2: {  	v36 =	vld.idx.msk [tilespmem:v15+s10+$0x40 ss:$0x1], $0xffff;
	v20 =	vmul.f32 v20, v11;
	v21 =	vmul.f32 v21, v12  }
0x2f3: {  	v37 =	vld.idx.msk [tilespmem:v16+s10+$0x40 ss:$0x1], $0xffff;
	v24 =	vmul.f32 v24, v11;
	v25 =	vmul.f32 v25, v12  }
0x2f4: {  	v49 =	vld.idx.msk [tilespmem:v15+s10+$0x50 ss:$0x1], $0xffff;
	v45 =	vmul.f32 v22, v13;
	v46 =	vmul.f32 v23, v14  }
0x2f5: {  	v52 =	vld.idx.msk [tilespmem:v16+s10+$0x50 ss:$0x1], $0xffff;
	v47 =	vmul.f32 v26, v13;
	v48 =	vmul.f32 v27, v14  }
0x2f6: {  	v55 =	vld.idx.msk [tilespmem:v17+s10+$0x50 ss:$0x1], $0xffff;
	v50 =	vmul.f32 v28, v11;
	v51 =	vmul.f32 v29, v12  }
0x2f7: {  	v61 =	vld.idx.msk [tilespmem:v16+s10+$0x60 ss:$0x1], $0xffff;
	v53 =	vmul.f32 v32, v11;
	v54 =	vmul.f32 v33, v12  }
0x2f8: {  	v57 =	vld.idx.msk [tilespmem:v18+s10+$0x50 ss:$0x1], $0xffff;
	v56 =	vmul.f32 v30, v13;
	v58 =	vmul.f32 v34, v13  }
0x2f9: {  	v39 =	vld.idx.msk [tilespmem:v15+s10+$0x70 ss:$0x1], $0xffff;
	v60 =	vmul.f32 v31, v14;
	v63 =	vmul.f32 v35, v14;
	v20 =	vadd.f32 v21, v20  }
0x2fa: {  	v42 =	vld.idx.msk [tilespmem:v16+s10+$0x70 ss:$0x1], $0xffff;
	v40 =	vmul.f32 v36, v11;
	v41 =	vmul.f32 v37, v12  }
0x2fb: {  	v59 =	vld.idx.msk [tilespmem:v15+s10+$0x60 ss:$0x1], $0xffff;
	v43 =	vmul.f32 v49, v11;
	v44 =	vmul.f32 v52, v12;
	v20 =	vadd.f32 v45, v20  }
0x2fc: {  	v23 =	vld.idx.msk [tilespmem:v18+s10+$0x40 ss:$0x1], $0xffff;
	v49 =	vmul.f32 v55, v13;
	v22 =	vmul.f32 v61, v12;
	v24 =	vadd.f32 v25, v24  }
0x2fd: {  	v57 =	vmul.f32 v57, v14;
	v21 =	vadd.f32 v51, v50;
	v20 =	vadd.f32 v46, v20  }
0x2fe: {  	v38 =	vld.idx.msk [tilespmem:v17+s10+$0x40 ss:$0x1], $0xffff;
	v25 =	vadd.f32 v54, v53;
	v53 =	vmul.f32 v39, v11;
	v24 =	vadd.f32 v47, v24  }
0x2ff: {  	v54 =	vmul.f32 v42, v12;
	v47 =	vld.idx.msk [tilespmem:v17+s10+$0x70 ss:$0x1], $0xffff;
	[tilespmem:v19+s10+$0x0 ss:$0x1] =	vst.idx.msk $0xffff, v20;
	v20 =	vadd.f32 v56, v21  }
0x300: {  	v51 =	vmul.f32 v59, v11;
	v62 =	vadd.f32 v58, v25;
	v45 =	vld.idx.msk [tilespmem:v17+s10+$0x60 ss:$0x1], $0xffff;
	v24 =	vadd.f32 v48, v24  }
0x301: {  	v52 =	vld.idx.msk [tilespmem:v18+s10+$0x70 ss:$0x1], $0xffff;
	v25 =	vadd.f32 v54, v53;
	v55 =	vmul.f32 v23, v14;
	v20 =	vadd.f32 v60, v20  }
0x302: {  	v50 =	vld.idx.msk [tilespmem:v18+s10+$0x60 ss:$0x1], $0xffff;
	v48 =	vadd.f32 v44, v43;
	[tilespmem:v19+s10+$0x10 ss:$0x1] =	vst.idx.msk $0xffff, v24;
	v24 =	vadd.f32 v63, v62  }
0x303: {  	v46 =	vmul.f32 v38, v13;
	[tilespmem:v19+s10+$0x20 ss:$0x1] =	vst.idx.msk $0xffff, v20;
	v20 =	vadd.f32 v41, v40  }
0x304: {  	v58 =	vmul.f32 v47, v13;
	[tilespmem:v19+s10+$0x30 ss:$0x1] =	vst.idx.msk $0xffff, v24;
	v24 =	vadd.f32 v49, v48  }
0x305: {  	v21 =	vadd.f32 v22, v51;
	v56 =	vmul.f32 v45, v13;
	v20 =	vadd.f32 v46, v20  }
0x306: {  	p1 =	por p0, p0;
	v62 =	vmul.f32 v52, v14;
	v61 =	vadd.f32 v58, v25;
	v60 =	vadd.f32 v57, v24  }
.Ltmp6:
0x307: {  	v59 =	vmul.f32 v50, v14;
	v21 =	vadd.f32 v56, v21;
	v20 =	vadd.f32 v55, v20;
	(pc) =	sbr.rel @p1 .LBB2_15-.Ltmp6, $4  }
0x308: {  	v63 =	vadd.f32 v62, v61;
	[tilespmem:v19+s10+$0x50 ss:$0x1] =	vst.idx.msk $0xffff, v60  }
0x309: {  	[tilespmem:v19+s10+$0x40 ss:$0x1] =	vst.idx.msk $0xffff, v20;
	v20 =	vadd.f32 v59, v21  }
0x30a: {  	[tilespmem:v19+s10+$0x70 ss:$0x1] =	vst.idx.msk $0xffff, v63  }
0x30b: {  	p0 =	por $0x0, $0x0;
	[tilespmem:v19+s10+$0x60 ss:$0x1] =	vst.idx.msk $0xffff, v20;
	s10 =	simm.s32 $0x400  }
0x30c: {  	s9 =	sadd.s32 $0x1, s9  }
0x30d: {  	p0 =	sne.s32 s9, $0x10  }
.Ltmp7:
0x30e: {  	_ = 	snop;
	(pc) =	sbr.rel @p0 .LBB2_14-.Ltmp7, $1  }
0x30f: {  	_ =	sdelay $0x3  }
0x310: {  	_ =	swait.ge [sflag:s6], $0x8000  }
0x311: {  	[sflag:s6] =	ssyncset.done $0x0  }
0x312: {  	[sflag:s6] =	ssyncadd.s32 $0xFFFF8000  }
0x313: {  	v7 =	vld [tilespmem:$0x10]  }
0x314: {  	v8 =	vld [tilespmem:$0x30];
	_ =	sdelay $0x3  }
0x315: {  	v7 =	vmul.f32 $6.250000000e-02, v7  }
0x316: {  	v8 =	vmul.f32 $6.250000000e-02, v8  }
0x317: {  	v9 =	vtrunc.f32 v7  }
0x318: {  	v10 =	vtrunc.f32 v8;
	v9 =	vcvt.f32.s32 v9  }
0x319: {  	v10 =	vcvt.f32.s32 v10  }
0x31a: {  	v11 =	vcvt.s32.f32 v9  }
0x31b: {  	v12 =	vcvt.s32.f32 v10  }
0x31c: {  	vm1 =	vgt.f32 v7, v11  }
0x31d: {  	v13 =	vsel vm1, $0x1, v3;
	vm1 =	vgt.f32 v8, v12  }
0x31e: {  	v63 =	vsel vm1, $0x1, v3  }
0x31f: {  	v9 =	vadd.s32 v9, v13;
	v10 =	vadd.s32 v10, v63  }
0x320: {  	v9 =	vcvt.s32.f32 v9;
	v10 =	vcvt.s32.f32 v10  }
0x321: {  	v12 =	vsub.f32 v8, v12  }
0x322: {  	v9 =	vsub.f32 v9, v7;
	v10 =	vsub.f32 v10, v8  }
0x323: {  	v11 =	vsub.f32 v7, v11  }
0x324: {  	v8 =	vmul.f32 v9, v12;
	v7 =	vmul.f32 v10, v9  }
0x325: {  	s18 =	simm.s32 $0x0;
	s19 =	simm.s32 $0x0;
	s9 =	simm.s32 $0x0;
	v9 =	vmul.f32 v10, v11;
	v10 =	vmul.f32 v12, v11  }
.LBB2_18:
0x326: {  	s10 =	sand.u32 $0x7, s19  }
0x327: {  	s10 =	sshll.u32 s10, $0x9  }
0x328: {  	s10 =	sshrl.u32 s10, $0x2  }
0x329: {  	v11 =	vmov s10;
	_ =	sdelay $0x1  }
0x32a: {  	s22 =	sshll.u32 s9, $0x9  }
0x32b: {  	s10 =	sand.u32 $0x3FFFF000, s22  }
0x32c: {  	s20 =	sand.u32 $0x3FFFF000, s18;
	s22 =	sadd.s32 $0x4200, s10  }
0x32d: {  	s20 =	sadd.s32 $0x4200, s20;
	v12 =	vld.idx.msk [tilespmem:v11+s22+$0x70 ss:$0x1], $0xffff  }
0x32e: {  	v16 =	vld.idx.msk [tilespmem:v11+s20+$0x2070 ss:$0x1], $0xffff  }
0x32f: {  	v17 =	vld.idx.msk [tilespmem:v11+s20+$0x2000 ss:$0x1], $0xffff  }
0x330: {  	v18 =	vld.idx.msk [tilespmem:v11+s20+$0x4070 ss:$0x1], $0xffff  }
0x331: {  	v19 =	vld.idx.msk [tilespmem:v11+s22+$0x10 ss:$0x1], $0xffff  }
0x332: {  	v20 =	vld.idx.msk [tilespmem:v11+s20+$0x6070 ss:$0x1], $0xffff  }
0x333: {  	v21 =	vld.idx.msk [tilespmem:v11+s20+$0x2010 ss:$0x1], $0xffff  }
0x334: {  	v22 =	vld.idx.msk [tilespmem:v11+s22+$0x20 ss:$0x1], $0xffff  }
0x335: {  	v23 =	vld.idx.msk [tilespmem:v11+s20+$0x2020 ss:$0x1], $0xffff  }
0x336: {  	v13 =	vmov s9;
	v24 =	vld.idx.msk [tilespmem:v11+s22+$0x30 ss:$0x1], $0xffff  }
0x337: {  	v13 =	vand.u32 $0xF, v13;
	v25 =	vld.idx.msk [tilespmem:v11+s20+$0x2030 ss:$0x1], $0xffff  }
0x338: {  	v26 =	vbroadcast v13, $0x0;
	v27 =	vld.idx.msk [tilespmem:v11+s22+$0x40 ss:$0x1], $0xffff  }
0x339: {  	v28 =	vld.idx.msk [tilespmem:v11+s20+$0x2040 ss:$0x1], $0xffff  }
0x33a: {  	v13 =	vperm.xlane v7, v26;
	v14 =	vperm.xlane v8, v26;
	v29 =	vld.idx.msk [tilespmem:v11+s22+$0x50 ss:$0x1], $0xffff  }
0x33b: {  	v15 =	vperm.xlane v9, v26;
	v30 =	vld.idx.msk [tilespmem:v11+s20+$0x2050 ss:$0x1], $0xffff  }
0x33c: {  	v32 =	vld.idx.msk [tilespmem:v11+s22+$0x60 ss:$0x1], $0xffff;
	v31 =	vmul.f32 v12, v13;
	v16 =	vmul.f32 v16, v14  }
0x33d: {  	v33 =	vld.idx.msk [tilespmem:v11+s20+$0x2060 ss:$0x1], $0xffff  }
0x33e: {  	v34 =	vld.idx.msk [tilespmem:v11+s20+$0x4020 ss:$0x1], $0xffff;
	v12 =	vperm.xlane v10, v26;
	v18 =	vmul.f32 v18, v15;
	v16 =	vadd.f32 v16, v31  }
0x33f: {  	v62 =	vld.idx.msk [tilespmem:v11+s20+$0x6000 ss:$0x1], $0xffff;
	v19 =	vmul.f32 v19, v13;
	v21 =	vmul.f32 v21, v14  }
0x340: {  	v26 =	vld.idx.msk [tilespmem:v11+s22+$0x0 ss:$0x1], $0xffff;
	v16 =	vadd.f32 v18, v16;
	v18 =	vmul.f32 v20, v12  }
0x341: {  	v22 =	vmul.f32 v22, v13;
	v31 =	vld.idx.msk [tilespmem:v11+s20+$0x4000 ss:$0x1], $0xffff;
	v19 =	vadd.f32 v21, v19;
	v21 =	vmul.f32 v25, v14  }
0x342: {  	v25 =	vmul.f32 v27, v13;
	v27 =	vld.idx.msk [tilespmem:v11+s20+$0x4040 ss:$0x1], $0xffff;
	v18 =	vadd.f32 v18, v16;
	v16 =	vmul.f32 v23, v14  }
0x343: {  	v17 =	vmul.f32 v17, v14;
	v20 =	vld.idx.msk [tilespmem:v11+s20+$0x4010 ss:$0x1], $0xffff;
	v23 =	vmul.f32 v24, v13  }
0x344: {  	v24 =	vld.idx.msk [tilespmem:v11+s20+$0x4030 ss:$0x1], $0xffff;
	v35 =	vadd.f32 v16, v22;
	v16 =	vmul.f32 v28, v14;
	v22 =	vmul.f32 v29, v13  }
0x345: {  	v28 =	vld.idx.msk [tilespmem:v11+s20+$0x4050 ss:$0x1], $0xffff;
	v29 =	vadd.f32 v21, v23;
	v21 =	vmul.f32 v30, v14;
	v23 =	vmul.f32 v26, v13  }
0x346: {  	v30 =	vld.idx.msk [tilespmem:v11+s20+$0x4060 ss:$0x1], $0xffff;
	v36 =	vadd.f32 v16, v25;
	v16 =	vmul.f32 v32, v13;
	v25 =	vmul.f32 v33, v14  }
0x347: {  	s21 =	sshrl.u32 s9, $0x3;
	v63 =	vadd.f32 v21, v22;
	v21 =	vmul.f32 v31, v15;
	v17 =	vadd.f32 v17, v23;
	v22 =	vld.idx.msk [tilespmem:v11+s20+$0x6010 ss:$0x1], $0xffff  }
0x348: {  	s10 =	smul.u32 $0xA000, s21;
	v20 =	vmul.f32 v20, v15;
	v23 =	vld.idx.msk [tilespmem:v11+s20+$0x6020 ss:$0x1], $0xffff;
	v16 =	vadd.f32 v25, v16;
	v25 =	vmul.f32 v34, v15  }
0x349: {  	v27 =	vmul.f32 v27, v15;
	v26 =	vadd.f32 v21, v17;
	v17 =	vmul.f32 v24, v15;
	v24 =	vld.idx.msk [tilespmem:v11+s20+$0x6030 ss:$0x1], $0xffff  }
0x34a: {  	s10 =	sshra.s32 s10, $0x2;
	v21 =	vadd.f32 v20, v19;
	v28 =	vmul.f32 v28, v15;
	v19 =	vadd.f32 v25, v35;
	v25 =	vld.idx.msk [tilespmem:v11+s20+$0x6040 ss:$0x1], $0xffff  }
0x34b: {  	s21 =	sadd.s32 $0x19A00, s10;
	v20 =	vadd.f32 v17, v29;
	v17 =	vadd.f32 v27, v36;
	v27 =	vld.idx.msk [tilespmem:v11+s20+$0x6050 ss:$0x1], $0xffff;
	v29 =	vmul.f32 v30, v15  }
0x34c: {  	s10 =	simm.s32 $0x0;
	s22 =	sadd.s32 $0x400, s22;
	[tilespmem:v11+s21+$0x70 ss:$0x1] =	vst.idx.msk $0xffff, v18;
	v30 =	vmul.f32 v62, v12;
	v18 =	vadd.f32 v28, v63;
	v28 =	vld.idx.msk [tilespmem:v11+s20+$0x6060 ss:$0x1], $0xffff  }
.LBB2_19:
0x34d: {  	v31 =	vld.idx.msk [tilespmem:v11+s22+$0x70 ss:$0x1], $0xffff;
	v22 =	vmul.f32 v22, v12;
	v16 =	vadd.f32 v29, v16;
	s20 =	sadd.s32 $0x400, s20  }
0x34e: {  	s10 =	sadd.s32 $0x8, s10;
	v23 =	vmul.f32 v23, v12;
	v29 =	vld.idx.msk [tilespmem:v11+s20+$0x2070 ss:$0x1], $0xffff;
	v26 =	vadd.f32 v30, v26  }
0x34f: {  	p0 =	slt.u32 s10, $0x18;
	v30 =	vld.idx.msk [tilespmem:v11+s20+$0x2000 ss:$0x1], $0xffff;
	v21 =	vadd.f32 v22, v21;
	v22 =	vmul.f32 v24, v12  }
0x350: {  	v19 =	vadd.f32 v23, v19;
	v23 =	vmul.f32 v25, v12;
	v24 =	vld.idx.msk [tilespmem:v11+s20+$0x4070 ss:$0x1], $0xffff;
	[tilespmem:v11+s21+$0x0 ss:$0x1] =	vst.idx.msk $0xffff, v26  }
0x351: {  	v25 =	vld.idx.msk [tilespmem:v11+s22+$0x10 ss:$0x1], $0xffff;
	[tilespmem:v11+s21+$0x10 ss:$0x1] =	vst.idx.msk $0xffff, v21;
	v20 =	vadd.f32 v22, v20;
	v21 =	vmul.f32 v27, v12  }
0x352: {  	v17 =	vadd.f32 v23, v17;
	v22 =	vld.idx.msk [tilespmem:v11+s20+$0x6070 ss:$0x1], $0xffff;
	[tilespmem:v11+s21+$0x20 ss:$0x1] =	vst.idx.msk $0xffff, v19;
	v19 =	vmul.f32 v28, v12  }
0x353: {  	v23 =	vld.idx.msk [tilespmem:v11+s20+$0x2010 ss:$0x1], $0xffff;
	[tilespmem:v11+s21+$0x30 ss:$0x1] =	vst.idx.msk $0xffff, v20;
	v18 =	vadd.f32 v21, v18  }
0x354: {  	v21 =	vmul.f32 v31, v13;
	v26 =	vmul.f32 v29, v14;
	v20 =	vld.idx.msk [tilespmem:v11+s22+$0x20 ss:$0x1], $0xffff;
	v16 =	vadd.f32 v19, v16  }
0x355: {  	v19 =	vmul.f32 v30, v14;
	v27 =	vld.idx.msk [tilespmem:v11+s20+$0x2020 ss:$0x1], $0xffff;
	[tilespmem:v11+s21+$0x40 ss:$0x1] =	vst.idx.msk $0xffff, v17  }
0x356: {  	v21 =	vadd.f32 v26, v21;
	v24 =	vmul.f32 v24, v15;
	v17 =	vld.idx.msk [tilespmem:v11+s22+$0x30 ss:$0x1], $0xffff;
	[tilespmem:v11+s21+$0x50 ss:$0x1] =	vst.idx.msk $0xffff, v18  }
0x357: {  	v18 =	vmul.f32 v25, v13;
	v25 =	vld.idx.msk [tilespmem:v11+s20+$0x2030 ss:$0x1], $0xffff;
	[tilespmem:v11+s21+$0x60 ss:$0x1] =	vst.idx.msk $0xffff, v16  }
0x358: {  	v21 =	vadd.f32 v24, v21;
	v22 =	vmul.f32 v22, v12;
	v16 =	vld.idx.msk [tilespmem:v11+s22+$0x40 ss:$0x1], $0xffff  }
0x359: {  	v23 =	vmul.f32 v23, v14;
	v24 =	vld.idx.msk [tilespmem:v11+s20+$0x2040 ss:$0x1], $0xffff  }
0x35a: {  	v20 =	vmul.f32 v20, v13;
	v21 =	vadd.f32 v22, v21;
	v26 =	vld.idx.msk [tilespmem:v11+s22+$0x50 ss:$0x1], $0xffff  }
0x35b: {  	s21 =	sadd.s32 $0x400, s21;
	v18 =	vadd.f32 v23, v18;
	v22 =	vmul.f32 v27, v14;
	v23 =	vld.idx.msk [tilespmem:v11+s20+$0x2050 ss:$0x1], $0xffff  }
0x35c: {  	v17 =	vmul.f32 v17, v13;
	v27 =	vld.idx.msk [tilespmem:v11+s22+$0x60 ss:$0x1], $0xffff;
	[tilespmem:v11+s21+$0x70 ss:$0x1] =	vst.idx.msk $0xffff, v21  }
0x35d: {  	v20 =	vadd.f32 v22, v20;
	v21 =	vmul.f32 v25, v14;
	v22 =	vld.idx.msk [tilespmem:v11+s20+$0x2060 ss:$0x1], $0xffff  }
0x35e: {  	v16 =	vmul.f32 v16, v13;
	v25 =	vld.idx.msk [tilespmem:v11+s22+$0x0 ss:$0x1], $0xffff  }
0x35f: {  	v17 =	vadd.f32 v21, v17;
	v21 =	vmul.f32 v24, v14;
	v28 =	vld.idx.msk [tilespmem:v11+s20+$0x4000 ss:$0x1], $0xffff  }
0x360: {  	v26 =	vmul.f32 v26, v13;
	v24 =	vld.idx.msk [tilespmem:v11+s20+$0x4010 ss:$0x1], $0xffff  }
0x361: {  	v30 =	vadd.f32 v21, v16;
	v16 =	vmul.f32 v23, v14;
	v29 =	vld.idx.msk [tilespmem:v11+s20+$0x4020 ss:$0x1], $0xffff  }
0x362: {  	v21 =	vmul.f32 v27, v13;
	v31 =	vld.idx.msk [tilespmem:v11+s20+$0x4030 ss:$0x1], $0xffff  }
0x363: {  	v32 =	vadd.f32 v16, v26;
	v16 =	vmul.f32 v22, v14;
	v27 =	vld.idx.msk [tilespmem:v11+s20+$0x4040 ss:$0x1], $0xffff  }
0x364: {  	v22 =	vmul.f32 v25, v13;
	v33 =	vld.idx.msk [tilespmem:v11+s20+$0x4050 ss:$0x1], $0xffff  }
0x365: {  	v23 =	vmul.f32 v28, v15;
	v16 =	vadd.f32 v16, v21;
	v28 =	vld.idx.msk [tilespmem:v11+s20+$0x4060 ss:$0x1], $0xffff  }
0x366: {  	v19 =	vadd.f32 v19, v22;
	v21 =	vmul.f32 v24, v15;
	v34 =	vld.idx.msk [tilespmem:v11+s20+$0x6000 ss:$0x1], $0xffff  }
0x367: {  	v24 =	vmul.f32 v29, v15;
	v22 =	vld.idx.msk [tilespmem:v11+s20+$0x6010 ss:$0x1], $0xffff  }
.Ltmp8:
0x368: {  	v26 =	vadd.f32 v23, v19;
	v21 =	vadd.f32 v21, v18;
	v18 =	vmul.f32 v31, v15;
	v23 =	vld.idx.msk [tilespmem:v11+s20+$0x6020 ss:$0x1], $0xffff;
	(pc) =	sbr.rel @p0 .LBB2_19-.Ltmp8, $4  }
0x369: {  	v19 =	vadd.f32 v24, v20;
	v27 =	vmul.f32 v27, v15;
	v24 =	vld.idx.msk [tilespmem:v11+s20+$0x6030 ss:$0x1], $0xffff  }
0x36a: {  	v20 =	vadd.f32 v18, v17;
	v18 =	vmul.f32 v33, v15;
	v25 =	vld.idx.msk [tilespmem:v11+s20+$0x6040 ss:$0x1], $0xffff  }
0x36b: {  	v17 =	vadd.f32 v27, v30;
	v29 =	vmul.f32 v28, v15;
	v27 =	vld.idx.msk [tilespmem:v11+s20+$0x6050 ss:$0x1], $0xffff  }
0x36c: {  	s22 =	sadd.s32 $0x400, s22;
	v30 =	vmul.f32 v34, v12;
	v18 =	vadd.f32 v18, v32;
	v28 =	vld.idx.msk [tilespmem:v11+s20+$0x6060 ss:$0x1], $0xffff  }
0x36d: {  	_ = 	snop  }
0x36e: {  	v13 =	vmul.f32 v22, v12  }
0x36f: {  	v15 =	vmul.f32 v23, v12;
	v14 =	vadd.f32 v30, v26  }
0x370: {  	v16 =	vadd.f32 v29, v16;
	v56 =	vmul.f32 v24, v12;
	v13 =	vadd.f32 v13, v21  }
0x371: {  	s9 =	sadd.s32 $0x1, s9;
	v57 =	vadd.f32 v15, v19;
	v58 =	vmul.f32 v25, v12;
	[tilespmem:v11+s21+$0x0 ss:$0x1] =	vst.idx.msk $0xffff, v14  }
0x372: {  	p0 =	sne.s32 s9, $0x10;
	v59 =	vadd.f32 v56, v20;
	v60 =	vmul.f32 v27, v12;
	[tilespmem:v11+s21+$0x10 ss:$0x1] =	vst.idx.msk $0xffff, v13  }
.Ltmp9:
0x373: {  	[tilespmem:v11+s21+$0x20 ss:$0x1] =	vst.idx.msk $0xffff, v57;
	v61 =	vadd.f32 v58, v17;
	v62 =	vmul.f32 v28, v12;
	(pc) =	sbr.rel @p0 .LBB2_18-.Ltmp9, $4  }
0x374: {  	[tilespmem:v11+s21+$0x30 ss:$0x1] =	vst.idx.msk $0xffff, v59;
	v63 =	vadd.f32 v60, v18  }
0x375: {  	v12 =	vadd.f32 v62, v16;
	[tilespmem:v11+s21+$0x40 ss:$0x1] =	vst.idx.msk $0xffff, v61  }
0x376: {  	[tilespmem:v11+s21+$0x50 ss:$0x1] =	vst.idx.msk $0xffff, v63  }
0x377: {  	s19 =	sadd.s32 $0x1, s19;
	s18 =	sadd.s32 $0x200, s18;
	[tilespmem:v11+s21+$0x60 ss:$0x1] =	vst.idx.msk $0xffff, v12  }
0x378: {  	_ =	swait.ge [sflag:s14], $0x8000  }
0x379: {  	[sflag:s14] =	ssyncset.done $0x0  }
0x37a: {  	[sflag:s14] =	ssyncadd.s32 $0xFFFF8000  }
0x37b: {  	v7 =	vld [tilespmem:$0x10]  }
0x37c: {  	v8 =	vld [tilespmem:$0x30];
	_ =	sdelay $0x3  }
0x37d: {  	v7 =	vmul.f32 $3.125000000e-02, v7  }
0x37e: {  	v8 =	vmul.f32 $3.125000000e-02, v8  }
0x37f: {  	v9 =	vtrunc.f32 v7  }
0x380: {  	v10 =	vtrunc.f32 v8;
	v9 =	vcvt.f32.s32 v9  }
0x381: {  	v10 =	vcvt.f32.s32 v10  }
0x382: {  	v11 =	vcvt.s32.f32 v9  }
0x383: {  	v12 =	vcvt.s32.f32 v10  }
0x384: {  	vm1 =	vgt.f32 v7, v11  }
0x385: {  	v13 =	vsel vm1, $0x1, v3;
	vm1 =	vgt.f32 v8, v12  }
0x386: {  	v63 =	vsel vm1, $0x1, v3  }
0x387: {  	v9 =	vadd.s32 v9, v13;
	v10 =	vadd.s32 v10, v63  }
0x388: {  	v9 =	vcvt.s32.f32 v9;
	v10 =	vcvt.s32.f32 v10  }
0x389: {  	v12 =	vsub.f32 v8, v12  }
0x38a: {  	v9 =	vsub.f32 v9, v7;
	v10 =	vsub.f32 v10, v8  }
0x38b: {  	v11 =	vsub.f32 v7, v11  }
0x38c: {  	v8 =	vmul.f32 v9, v12;
	v7 =	vmul.f32 v10, v9  }
0x38d: {  	s18 =	simm.s32 $0x0;
	s19 =	simm.s32 $0x0;
	s9 =	simm.s32 $0x0;
	v9 =	vmul.f32 v10, v11;
	v10 =	vmul.f32 v12, v11  }
.LBB2_22:
0x38e: {  	s10 =	sand.u32 $0x7, s19  }
0x38f: {  	s10 =	sshll.u32 s10, $0x9  }
0x390: {  	s10 =	sshrl.u32 s10, $0x2  }
0x391: {  	v11 =	vmov s10;
	_ =	sdelay $0x1  }
0x392: {  	s22 =	sshll.u32 s9, $0x9  }
0x393: {  	s10 =	sand.u32 $0x3FFFF000, s22  }
0x394: {  	s20 =	sand.u32 $0x3FFFF000, s18;
	s22 =	sadd.s32 $0xC200, s10  }
0x395: {  	s20 =	sadd.s32 $0xC200, s20;
	v12 =	vld.idx.msk [tilespmem:v11+s22+$0x70 ss:$0x1], $0xffff  }
0x396: {  	v16 =	vld.idx.msk [tilespmem:v11+s20+$0x2070 ss:$0x1], $0xffff  }
0x397: {  	v17 =	vld.idx.msk [tilespmem:v11+s20+$0x2000 ss:$0x1], $0xffff  }
0x398: {  	v18 =	vld.idx.msk [tilespmem:v11+s20+$0x4070 ss:$0x1], $0xffff  }
0x399: {  	v19 =	vld.idx.msk [tilespmem:v11+s22+$0x10 ss:$0x1], $0xffff  }
0x39a: {  	v20 =	vld.idx.msk [tilespmem:v11+s20+$0x6070 ss:$0x1], $0xffff  }
0x39b: {  	v21 =	vld.idx.msk [tilespmem:v11+s20+$0x2010 ss:$0x1], $0xffff  }
0x39c: {  	v22 =	vld.idx.msk [tilespmem:v11+s22+$0x20 ss:$0x1], $0xffff  }
0x39d: {  	v23 =	vld.idx.msk [tilespmem:v11+s20+$0x2020 ss:$0x1], $0xffff  }
0x39e: {  	v13 =	vmov s9;
	v24 =	vld.idx.msk [tilespmem:v11+s22+$0x30 ss:$0x1], $0xffff  }
0x39f: {  	v13 =	vand.u32 $0xF, v13;
	v25 =	vld.idx.msk [tilespmem:v11+s20+$0x2030 ss:$0x1], $0xffff  }
0x3a0: {  	v26 =	vbroadcast v13, $0x0;
	v27 =	vld.idx.msk [tilespmem:v11+s22+$0x40 ss:$0x1], $0xffff  }
0x3a1: {  	v28 =	vld.idx.msk [tilespmem:v11+s20+$0x2040 ss:$0x1], $0xffff  }
0x3a2: {  	v13 =	vperm.xlane v7, v26;
	v14 =	vperm.xlane v8, v26;
	v29 =	vld.idx.msk [tilespmem:v11+s22+$0x50 ss:$0x1], $0xffff  }
0x3a3: {  	v15 =	vperm.xlane v9, v26;
	v30 =	vld.idx.msk [tilespmem:v11+s20+$0x2050 ss:$0x1], $0xffff  }
0x3a4: {  	v32 =	vld.idx.msk [tilespmem:v11+s22+$0x60 ss:$0x1], $0xffff;
	v31 =	vmul.f32 v12, v13;
	v16 =	vmul.f32 v16, v14  }
0x3a5: {  	v33 =	vld.idx.msk [tilespmem:v11+s20+$0x2060 ss:$0x1], $0xffff  }
0x3a6: {  	v34 =	vld.idx.msk [tilespmem:v11+s20+$0x4020 ss:$0x1], $0xffff;
	v12 =	vperm.xlane v10, v26;
	v18 =	vmul.f32 v18, v15;
	v16 =	vadd.f32 v16, v31  }
0x3a7: {  	v62 =	vld.idx.msk [tilespmem:v11+s20+$0x6000 ss:$0x1], $0xffff;
	v19 =	vmul.f32 v19, v13;
	v21 =	vmul.f32 v21, v14  }
0x3a8: {  	v26 =	vld.idx.msk [tilespmem:v11+s22+$0x0 ss:$0x1], $0xffff;
	v16 =	vadd.f32 v18, v16;
	v18 =	vmul.f32 v20, v12  }
0x3a9: {  	v22 =	vmul.f32 v22, v13;
	v31 =	vld.idx.msk [tilespmem:v11+s20+$0x4000 ss:$0x1], $0xffff;
	v19 =	vadd.f32 v21, v19;
	v21 =	vmul.f32 v25, v14  }
0x3aa: {  	v25 =	vmul.f32 v27, v13;
	v27 =	vld.idx.msk [tilespmem:v11+s20+$0x4040 ss:$0x1], $0xffff;
	v18 =	vadd.f32 v18, v16;
	v16 =	vmul.f32 v23, v14  }
0x3ab: {  	v17 =	vmul.f32 v17, v14;
	v20 =	vld.idx.msk [tilespmem:v11+s20+$0x4010 ss:$0x1], $0xffff;
	v23 =	vmul.f32 v24, v13  }
0x3ac: {  	v24 =	vld.idx.msk [tilespmem:v11+s20+$0x4030 ss:$0x1], $0xffff;
	v35 =	vadd.f32 v16, v22;
	v16 =	vmul.f32 v28, v14;
	v22 =	vmul.f32 v29, v13  }
0x3ad: {  	v28 =	vld.idx.msk [tilespmem:v11+s20+$0x4050 ss:$0x1], $0xffff;
	v29 =	vadd.f32 v21, v23;
	v21 =	vmul.f32 v30, v14;
	v23 =	vmul.f32 v26, v13  }
0x3ae: {  	v30 =	vld.idx.msk [tilespmem:v11+s20+$0x4060 ss:$0x1], $0xffff;
	v36 =	vadd.f32 v16, v25;
	v16 =	vmul.f32 v32, v13;
	v25 =	vmul.f32 v33, v14  }
0x3af: {  	s21 =	sshrl.u32 s9, $0x3;
	v63 =	vadd.f32 v21, v22;
	v21 =	vmul.f32 v31, v15;
	v17 =	vadd.f32 v17, v23;
	v22 =	vld.idx.msk [tilespmem:v11+s20+$0x6010 ss:$0x1], $0xffff  }
0x3b0: {  	s10 =	smul.u32 $0xA000, s21;
	v20 =	vmul.f32 v20, v15;
	v23 =	vld.idx.msk [tilespmem:v11+s20+$0x6020 ss:$0x1], $0xffff;
	v16 =	vadd.f32 v25, v16;
	v25 =	vmul.f32 v34, v15  }
0x3b1: {  	v27 =	vmul.f32 v27, v15;
	v26 =	vadd.f32 v21, v17;
	v17 =	vmul.f32 v24, v15;
	v24 =	vld.idx.msk [tilespmem:v11+s20+$0x6030 ss:$0x1], $0xffff  }
0x3b2: {  	s10 =	sshra.s32 s10, $0x2;
	v21 =	vadd.f32 v20, v19;
	v28 =	vmul.f32 v28, v15;
	v19 =	vadd.f32 v25, v35;
	v25 =	vld.idx.msk [tilespmem:v11+s20+$0x6040 ss:$0x1], $0xffff  }
0x3b3: {  	s21 =	sadd.s32 $0x1AA00, s10;
	v20 =	vadd.f32 v17, v29;
	v17 =	vadd.f32 v27, v36;
	v27 =	vld.idx.msk [tilespmem:v11+s20+$0x6050 ss:$0x1], $0xffff;
	v29 =	vmul.f32 v30, v15  }
0x3b4: {  	s10 =	simm.s32 $0x0;
	s22 =	sadd.s32 $0x400, s22;
	[tilespmem:v11+s21+$0x70 ss:$0x1] =	vst.idx.msk $0xffff, v18;
	v30 =	vmul.f32 v62, v12;
	v18 =	vadd.f32 v28, v63;
	v28 =	vld.idx.msk [tilespmem:v11+s20+$0x6060 ss:$0x1], $0xffff  }
.LBB2_23:
0x3b5: {  	v31 =	vld.idx.msk [tilespmem:v11+s22+$0x70 ss:$0x1], $0xffff;
	v22 =	vmul.f32 v22, v12;
	v16 =	vadd.f32 v29, v16;
	s20 =	sadd.s32 $0x400, s20  }
0x3b6: {  	s10 =	sadd.s32 $0x8, s10;
	v23 =	vmul.f32 v23, v12;
	v29 =	vld.idx.msk [tilespmem:v11+s20+$0x2070 ss:$0x1], $0xffff;
	v26 =	vadd.f32 v30, v26  }
0x3b7: {  	p0 =	slt.u32 s10, $0x18;
	v30 =	vld.idx.msk [tilespmem:v11+s20+$0x2000 ss:$0x1], $0xffff;
	v21 =	vadd.f32 v22, v21;
	v22 =	vmul.f32 v24, v12  }
0x3b8: {  	v19 =	vadd.f32 v23, v19;
	v23 =	vmul.f32 v25, v12;
	v24 =	vld.idx.msk [tilespmem:v11+s20+$0x4070 ss:$0x1], $0xffff;
	[tilespmem:v11+s21+$0x0 ss:$0x1] =	vst.idx.msk $0xffff, v26  }
0x3b9: {  	v25 =	vld.idx.msk [tilespmem:v11+s22+$0x10 ss:$0x1], $0xffff;
	[tilespmem:v11+s21+$0x10 ss:$0x1] =	vst.idx.msk $0xffff, v21;
	v20 =	vadd.f32 v22, v20;
	v21 =	vmul.f32 v27, v12  }
0x3ba: {  	v17 =	vadd.f32 v23, v17;
	v22 =	vld.idx.msk [tilespmem:v11+s20+$0x6070 ss:$0x1], $0xffff;
	[tilespmem:v11+s21+$0x20 ss:$0x1] =	vst.idx.msk $0xffff, v19;
	v19 =	vmul.f32 v28, v12  }
0x3bb: {  	v23 =	vld.idx.msk [tilespmem:v11+s20+$0x2010 ss:$0x1], $0xffff;
	[tilespmem:v11+s21+$0x30 ss:$0x1] =	vst.idx.msk $0xffff, v20;
	v18 =	vadd.f32 v21, v18  }
0x3bc: {  	v21 =	vmul.f32 v31, v13;
	v26 =	vmul.f32 v29, v14;
	v20 =	vld.idx.msk [tilespmem:v11+s22+$0x20 ss:$0x1], $0xffff;
	v16 =	vadd.f32 v19, v16  }
0x3bd: {  	v19 =	vmul.f32 v30, v14;
	v27 =	vld.idx.msk [tilespmem:v11+s20+$0x2020 ss:$0x1], $0xffff;
	[tilespmem:v11+s21+$0x40 ss:$0x1] =	vst.idx.msk $0xffff, v17  }
0x3be: {  	v21 =	vadd.f32 v26, v21;
	v24 =	vmul.f32 v24, v15;
	v17 =	vld.idx.msk [tilespmem:v11+s22+$0x30 ss:$0x1], $0xffff;
	[tilespmem:v11+s21+$0x50 ss:$0x1] =	vst.idx.msk $0xffff, v18  }
0x3bf: {  	v18 =	vmul.f32 v25, v13;
	v25 =	vld.idx.msk [tilespmem:v11+s20+$0x2030 ss:$0x1], $0xffff;
	[tilespmem:v11+s21+$0x60 ss:$0x1] =	vst.idx.msk $0xffff, v16  }
0x3c0: {  	v21 =	vadd.f32 v24, v21;
	v22 =	vmul.f32 v22, v12;
	v16 =	vld.idx.msk [tilespmem:v11+s22+$0x40 ss:$0x1], $0xffff  }
0x3c1: {  	v23 =	vmul.f32 v23, v14;
	v24 =	vld.idx.msk [tilespmem:v11+s20+$0x2040 ss:$0x1], $0xffff  }
0x3c2: {  	v20 =	vmul.f32 v20, v13;
	v21 =	vadd.f32 v22, v21;
	v26 =	vld.idx.msk [tilespmem:v11+s22+$0x50 ss:$0x1], $0xffff  }
0x3c3: {  	s21 =	sadd.s32 $0x400, s21;
	v18 =	vadd.f32 v23, v18;
	v22 =	vmul.f32 v27, v14;
	v23 =	vld.idx.msk [tilespmem:v11+s20+$0x2050 ss:$0x1], $0xffff  }
0x3c4: {  	v17 =	vmul.f32 v17, v13;
	v27 =	vld.idx.msk [tilespmem:v11+s22+$0x60 ss:$0x1], $0xffff;
	[tilespmem:v11+s21+$0x70 ss:$0x1] =	vst.idx.msk $0xffff, v21  }
0x3c5: {  	v20 =	vadd.f32 v22, v20;
	v21 =	vmul.f32 v25, v14;
	v22 =	vld.idx.msk [tilespmem:v11+s20+$0x2060 ss:$0x1], $0xffff  }
0x3c6: {  	v16 =	vmul.f32 v16, v13;
	v25 =	vld.idx.msk [tilespmem:v11+s22+$0x0 ss:$0x1], $0xffff  }
0x3c7: {  	v17 =	vadd.f32 v21, v17;
	v21 =	vmul.f32 v24, v14;
	v28 =	vld.idx.msk [tilespmem:v11+s20+$0x4000 ss:$0x1], $0xffff  }
0x3c8: {  	v26 =	vmul.f32 v26, v13;
	v24 =	vld.idx.msk [tilespmem:v11+s20+$0x4010 ss:$0x1], $0xffff  }
0x3c9: {  	v30 =	vadd.f32 v21, v16;
	v16 =	vmul.f32 v23, v14;
	v29 =	vld.idx.msk [tilespmem:v11+s20+$0x4020 ss:$0x1], $0xffff  }
0x3ca: {  	v21 =	vmul.f32 v27, v13;
	v31 =	vld.idx.msk [tilespmem:v11+s20+$0x4030 ss:$0x1], $0xffff  }
0x3cb: {  	v32 =	vadd.f32 v16, v26;
	v16 =	vmul.f32 v22, v14;
	v27 =	vld.idx.msk [tilespmem:v11+s20+$0x4040 ss:$0x1], $0xffff  }
0x3cc: {  	v22 =	vmul.f32 v25, v13;
	v33 =	vld.idx.msk [tilespmem:v11+s20+$0x4050 ss:$0x1], $0xffff  }
0x3cd: {  	v23 =	vmul.f32 v28, v15;
	v16 =	vadd.f32 v16, v21;
	v28 =	vld.idx.msk [tilespmem:v11+s20+$0x4060 ss:$0x1], $0xffff  }
0x3ce: {  	v19 =	vadd.f32 v19, v22;
	v21 =	vmul.f32 v24, v15;
	v34 =	vld.idx.msk [tilespmem:v11+s20+$0x6000 ss:$0x1], $0xffff  }
0x3cf: {  	v24 =	vmul.f32 v29, v15;
	v22 =	vld.idx.msk [tilespmem:v11+s20+$0x6010 ss:$0x1], $0xffff  }
.Ltmp10:
0x3d0: {  	v26 =	vadd.f32 v23, v19;
	v21 =	vadd.f32 v21, v18;
	v18 =	vmul.f32 v31, v15;
	v23 =	vld.idx.msk [tilespmem:v11+s20+$0x6020 ss:$0x1], $0xffff;
	(pc) =	sbr.rel @p0 .LBB2_23-.Ltmp10, $4  }
0x3d1: {  	v19 =	vadd.f32 v24, v20;
	v27 =	vmul.f32 v27, v15;
	v24 =	vld.idx.msk [tilespmem:v11+s20+$0x6030 ss:$0x1], $0xffff  }
0x3d2: {  	v20 =	vadd.f32 v18, v17;
	v18 =	vmul.f32 v33, v15;
	v25 =	vld.idx.msk [tilespmem:v11+s20+$0x6040 ss:$0x1], $0xffff  }
0x3d3: {  	v17 =	vadd.f32 v27, v30;
	v29 =	vmul.f32 v28, v15;
	v27 =	vld.idx.msk [tilespmem:v11+s20+$0x6050 ss:$0x1], $0xffff  }
0x3d4: {  	s22 =	sadd.s32 $0x400, s22;
	v30 =	vmul.f32 v34, v12;
	v18 =	vadd.f32 v18, v32;
	v28 =	vld.idx.msk [tilespmem:v11+s20+$0x6060 ss:$0x1], $0xffff  }
0x3d5: {  	_ = 	snop  }
0x3d6: {  	v13 =	vmul.f32 v22, v12  }
0x3d7: {  	v15 =	vmul.f32 v23, v12;
	v14 =	vadd.f32 v30, v26  }
0x3d8: {  	v16 =	vadd.f32 v29, v16;
	v56 =	vmul.f32 v24, v12;
	v13 =	vadd.f32 v13, v21  }
0x3d9: {  	s9 =	sadd.s32 $0x1, s9;
	v57 =	vadd.f32 v15, v19;
	v58 =	vmul.f32 v25, v12;
	[tilespmem:v11+s21+$0x0 ss:$0x1] =	vst.idx.msk $0xffff, v14  }
0x3da: {  	p0 =	sne.s32 s9, $0x10;
	v59 =	vadd.f32 v56, v20;
	v60 =	vmul.f32 v27, v12;
	[tilespmem:v11+s21+$0x10 ss:$0x1] =	vst.idx.msk $0xffff, v13  }
.Ltmp11:
0x3db: {  	[tilespmem:v11+s21+$0x20 ss:$0x1] =	vst.idx.msk $0xffff, v57;
	v61 =	vadd.f32 v58, v17;
	v62 =	vmul.f32 v28, v12;
	(pc) =	sbr.rel @p0 .LBB2_22-.Ltmp11, $4  }
0x3dc: {  	[tilespmem:v11+s21+$0x30 ss:$0x1] =	vst.idx.msk $0xffff, v59;
	v63 =	vadd.f32 v60, v18  }
0x3dd: {  	v12 =	vadd.f32 v62, v16;
	[tilespmem:v11+s21+$0x40 ss:$0x1] =	vst.idx.msk $0xffff, v61  }
0x3de: {  	[tilespmem:v11+s21+$0x50 ss:$0x1] =	vst.idx.msk $0xffff, v63  }
0x3df: {  	s19 =	sadd.s32 $0x1, s19;
	s18 =	sadd.s32 $0x200, s18;
	[tilespmem:v11+s21+$0x60 ss:$0x1] =	vst.idx.msk $0xffff, v12  }
0x3e0: {  	s9 =	rddreg [dreg:$0x8];
	s10 =	simm.s32 $0x19200;
	s17 =	sadd.s32 $0x1, s17  }
0x3e1: {  	[hbm4b:s9+s5] =	stream.linear.scatter [tilespmem:s10], [sflag:$0x5], $0x5000, $0x38;
	[tilespmem:$0x1E200] =	vst v63  }
0x3e2: {  	p0 =	sne.s32 s17, s11;
	_ =	swait.ge [sflag:s15], $0x5000  }
.Ltmp12:
0x3e3: {  	[sflag:s15] =	ssyncset.done $0x0;
	(pc) =	sbr.rel @p0 .LBB2_1-.Ltmp12, $4  }
0x3e4: {  	[sflag:s15] =	ssyncadd.s32 $0xFFFFB000  }
0x3e5: {  	_ =	swait.ge [sflag:s16], $0x5000  }
0x3e6: {  	[sflag:s16] =	ssyncset.done $0x0  }
0x3e7: {  	[sflag:s16] =	ssyncadd.s32 $0xFFFFB000  }
0x3e8: {  	_ =	sfence.sel $0x180000  }
0x3e9: {  	[bflag:$0x0] =	sbarrier.arrive $0xFFFF  }
0x3ea: {  	_ =	strace $0x90000047  }
0x3eb: {  	s0 =	stileid.u32;
	[bflag:$0x2] =	sbarrier.arrive $0xFFFF  }
0x3ec: {  	p0 =	sne.s32 s0, $0x0;
	s0 =	rddreg [dreg:$0x5]  }
0x3ed: {  	s0 =	sadd.s32 @!p0 $0x100000, s0  }
0x3ee: {  	[sflag:s0] =	ssyncadd.tile.s32 @!p0 $0x1;
	_ =	shalt  }
.Lfunc_end2:
_tile_overlayer_lowered:
.L_overlay_start_2:
0x3ef: {  	(tag) =	ssettag $0x2  }
0x3f0: {  	s0 =	rddreg [dreg:$0x0];
	s2 =	stileid.u32  }
0x3f1: {  	s1 =	rddreg [dreg:$0x1];
	p0 =	sne.s32 s2, $0x0  }
0x3f2: {  	s3 =	rddreg [dreg:$0x2];
	[bflag:$0x3] =	sbarrier.arrive $0xFFFF;
	s2 =	simm.s32 @!p0 $0x1C06  }
0x3f3: {  	[timem:s3], [sflag:s2] =	dma.local @!p0 [hbm:s0], s1  }
0x3f4: {  	s0 =	simm.s32 @!p0 $0x6  }
0x3f5: {  	_ =	swait.ge @!p0 [sflag:s0], s1  }
0x3f6: {  	s1 =	ssub.s32 @!p0 $0x0, s1;
	[sflag:s0] =	ssyncset.done @!p0 $0x0  }
0x3f7: {  	[sflag:s0] =	ssyncadd.s32 @!p0 s1  }
0x3f8: {  	[bflag:$0x3] =	sbarrier.arrive $0xFFFF  }
0x3f9: {  	_ =	shalt  }

</sc_bundles>
